<compile_context>
chip_gen: v7x
topology: tpu7x:2x2x1
jax: 0.10.2.dev20260603
libtpu: 0.0.44.dev20260713+nightly
codegen_flags: <defaults>
</compile_context>

<pallas_src>
import jax
import jax.numpy as jnp
from jax import lax
from jax.experimental import pallas as pl
from jax.experimental.pallas import tpu as pltpu, tpu_sc as plsc

_B, _S = 1024, 3200
_D = 16
_VOCAB = 1000000
_VPAD = 1000064
_NC, _NS = 2, 16
_NW = _NC * _NS

_GW = 1024
_GWP = _GW + 1
_NG = _VOCAB // _GW
_TAIL = _VOCAB - _NG * _GW
_KMAX = 32

_XR, _XC = 1600, 2048
_RPW = _XR // _NW


def _worker_id():
    return lax.axis_index("s") * _NC + lax.axis_index("c")


def _transpose_rows(src, dst, n_rows, iota):

    def tr_block(j, carry):
        base = jnp.full((16,), j * 32, jnp.int32)
        for u0 in range(0, 32, 16):
            rows = [plsc.load_gather(src, [iota, base + (u0 + i)])
                    for i in range(16)]
            for i, row in enumerate(rows):
                dst[pl.ds((j * 32 + u0 + i) * _D, _D)] = row
        return carry

    lax.fori_loop(0, n_rows // 32, tr_block, 0)


def _transpose_body(tt_hbm, tail_hbm, lin_hbm, in0, in1, out0, out1, tail_v,
                    si0, si1, so0, so1, st):
    wid = _worker_id()
    iota = lax.iota(jnp.int32, 16)
    ins, outs, si, so = (in0, in1), (out0, out1), (si0, si1), (so0, so1)

    def grp(k):
        return wid + k * _NW

    def in_copy(k, slot):
        return pltpu.make_async_copy(
            tt_hbm.at[:, pl.ds(grp(k) * _GW, _GW)],
            ins[slot].at[:, pl.ds(0, _GW)], si[slot])

    def out_copy(k, slot):
        return pltpu.make_async_copy(
            outs[slot], lin_hbm.at[pl.ds(grp(k) * _GW * _D, _GW * _D)],
            so[slot])

    def steady(k, slot, first):
        g_ok = grp(k) < _NG

        @pl.when(g_ok)
        def _():
            in_copy(k, slot).wait()
            if not first:
                out_copy(k, slot).wait()
            _transpose_rows(ins[slot], outs[slot], _GW, iota)
            out_copy(k, slot).start()

        @pl.when(jnp.logical_and(g_ok, grp(k + 2) < _NG))
        def _():
            in_copy(k + 2, slot).start()

    in_copy(0, 0).start()
    in_copy(1, 1).start()
    steady(0, 0, first=True)
    steady(1, 1, first=True)

    def step(i, carry):
        steady(2 + 2 * i, 0, first=False)
        steady(3 + 2 * i, 1, first=False)
        return carry

    lax.fori_loop(0, (_KMAX - 2) // 2, step, 0)
    for slot in (0, 1):
        out_copy(slot, slot).wait()

    @pl.when(wid == 0)
    def _():
        v0 = _NG * _GW
        cp = pltpu.make_async_copy(tail_hbm, tail_v, st)
        cp.start()
        cp.wait()
        cp = pltpu.make_async_copy(
            tail_v, lin_hbm.at[pl.ds(v0 * _D, _TAIL * _D)], st)
        cp.start()
        cp.wait()


def _gather_body(xp_hbm, tab_hbm, out_hbm, idx0, idx1, rows0, rows1,
                 si0, si1, sg0, sg1, so0, so1):
    wid = _worker_id()
    base = wid * _RPW
    idxs, rows = (idx0, idx1), (rows0, rows1)
    si, sg, so = (si0, si1), (sg0, sg1), (so0, so1)

    def idx_copy(r, slot):
        return pltpu.make_async_copy(xp_hbm.at[base + r], idxs[slot], si[slot])

    def out_copy(r, slot):
        return pltpu.make_async_copy(rows[slot], out_hbm.at[base + r],
                                     so[slot])

    def steady(r, slot, first):
        idx_copy(r, slot).wait()
        if not first:
            out_copy(r, slot).wait()
        pltpu.async_copy(tab_hbm.at[idxs[slot]], rows[slot], sg[slot]).wait()
        out_copy(r, slot).start()
        nxt = jnp.minimum(r + 2, _RPW - 1)
        idx_copy(nxt, slot).start()

    idx_copy(0, 0).start()
    idx_copy(1, 1).start()
    steady(0, 0, first=True)
    steady(1, 1, first=True)

    def step(i, carry):
        steady(2 + 2 * i, 0, first=False)
        steady(3 + 2 * i, 1, first=False)
        return carry

    lax.fori_loop(0, (_RPW - 2) // 2, step, 0)
    for slot in (0, 1):
        out_copy(0, slot).wait()
        idx_copy(0, slot).wait()


def kernel(x, table):
    mesh = plsc.VectorSubcoreMesh(core_axis_name="c", subcore_axis_name="s")

    lin = pl.kernel(
        _transpose_body,
        out_type=jax.ShapeDtypeStruct((_VOCAB * _D,), jnp.float32),
        mesh=mesh,
        scratch_types=[
            pltpu.VMEM((16, _GWP), jnp.float32),
            pltpu.VMEM((16, _GWP), jnp.float32),
            pltpu.VMEM((_GW * _D,), jnp.float32),
            pltpu.VMEM((_GW * _D,), jnp.float32),
            pltpu.VMEM((_TAIL * _D,), jnp.float32),
            pltpu.SemaphoreType.DMA,
            pltpu.SemaphoreType.DMA,
            pltpu.SemaphoreType.DMA,
            pltpu.SemaphoreType.DMA,
            pltpu.SemaphoreType.DMA,
        ],
        compiler_params=pltpu.CompilerParams(needs_layout_passes=False),
    )(table.T, table[_NG * _GW:].reshape(_TAIL * _D))

    out3 = pl.kernel(
        _gather_body,
        out_type=jax.ShapeDtypeStruct((_XR, _XC, _D), jnp.float32),
        mesh=mesh,
        scratch_types=[
            pltpu.VMEM((_XC,), jnp.int32),
            pltpu.VMEM((_XC,), jnp.int32),
            pltpu.VMEM((_XC, _D), jnp.float32),
            pltpu.VMEM((_XC, _D), jnp.float32),
            pltpu.SemaphoreType.DMA,
            pltpu.SemaphoreType.DMA,
            pltpu.SemaphoreType.DMA,
            pltpu.SemaphoreType.DMA,
            pltpu.SemaphoreType.DMA,
            pltpu.SemaphoreType.DMA,
        ],
        compiler_params=pltpu.CompilerParams(use_tc_tiling_on_sc=False),
    )(x.reshape(_XR, _XC), lin.reshape(_VOCAB, _D))

    return out3.reshape(_B, _S // 16, 16 * _D)

# --- scband reference (transcript-rebuilt; emitter-appended) ---
"""Pipeline reference for scband-encoder-12498354832021 (READ-ONLY COPY).

The authoritative reference and input builder live on the scoring server;
editing this copy changes nothing except your own understanding.
"""

import jax, jax.numpy as jnp
import numpy as np

VOCAB = 1000000
PIXEL_EMB_DIM = 16
TOKEN_LEN = 16

def setup_inputs(seed: int = 0) -> dict:
    key = jax.random.key(seed)
    k1, k2 = jax.random.split(key)
    x = jax.random.randint(k1, (1024, 3200), 0, VOCAB, dtype=jnp.int64 if jax.config.jax_enable_x64 else jnp.int32)
    table = jax.random.normal(k2, (VOCAB, PIXEL_EMB_DIM), dtype=jnp.float32)
    return {"x": x, "table": table}

def reference(x, table):
    # pixel_emb lookup
    emb = jnp.take(table, x, axis=0)  # [B, S, D]
    B, S, D = emb.shape
    T = S // TOKEN_LEN
    # rearrange 'B (T token_len) D -> B T (token_len D)'
    out = emb.reshape(B, T, TOKEN_LEN * D)
    return out

if __name__ == "__main__":
    import jax
    _d = setup_inputs()
    print(jax.jit(kernel)(*tuple(_d.values())))

</pallas_src>

<mosaic_0001>
#map = affine_map<(d0, d1) -> (0, 0)>
#map1 = affine_map<(d0, d1) -> (0)>
module attributes {stable_mosaic.version = 14 : i64} {
  func.func @_transpose_body(%arg0: i32, %arg1: i32, %arg2: memref<16x1000000xf32, #tpu.memory_space<hbm>>, %arg3: memref<9216xf32, #tpu.memory_space<hbm>>, %arg4: memref<16000000xf32, #tpu.memory_space<hbm>>, %arg5: memref<16x1025xf32, #tpu.memory_space<vmem>>, %arg6: memref<16x1025xf32, #tpu.memory_space<vmem>>, %arg7: memref<16384xf32, #tpu.memory_space<vmem>>, %arg8: memref<16384xf32, #tpu.memory_space<vmem>>, %arg9: memref<9216xf32, #tpu.memory_space<vmem>>, %arg10: memref<!tpu.dma_semaphore, #tpu.memory_space<semaphore_mem>>, %arg11: memref<!tpu.dma_semaphore, #tpu.memory_space<semaphore_mem>>, %arg12: memref<!tpu.dma_semaphore, #tpu.memory_space<semaphore_mem>>, %arg13: memref<!tpu.dma_semaphore, #tpu.memory_space<semaphore_mem>>, %arg14: memref<!tpu.dma_semaphore, #tpu.memory_space<semaphore_mem>>) attributes {dimension_semantics = [#tpu.dimension_semantics<core_parallel>, #tpu.dimension_semantics<subcore_parallel>], iteration_bounds = array<i64: 2, 16>, scalar_prefetch = 0 : i64, scratch_operands = 10 : i64, tpu.core_type = #tpu.core_type<sc_vector_subcore>, window_params = [{transform_indices = #map}, {transform_indices = #map1}, {transform_indices = #map1}]} {
    %mul3A = arith.constant 2 : i32
    %mul3A_0 = arith.muli %arg1, %mul3A : i32
    %add3A = arith.addi %mul3A_0, %arg0 : i32
    %iota3A = tpu.iota {dimensions = array<i32: 0>} : vector<16xi32>
    %add3A_1 = arith.constant 0 : i32
    %add3A_2 = arith.addi %add3A, %add3A_1 : i32
    %mul3A_3 = arith.constant 1024 : i32
    %mul3A_4 = arith.muli %add3A_2, %mul3A_3 : i32
    %dma_start3A = arith.constant 0 : i32
    %dma_start3A_5 = arith.constant 0 : i32
    %dma_start3A_6 = tpu.memref_slice %arg5[%dma_start3A, %dma_start3A_5] : memref<16x1025xf32, #tpu.memory_space<vmem>> -> memref<16x1024xf32, #tpu.memory_space<vmem>>
    %dma_start3A_7 = arith.constant 0 : i32
    %dma_start3A_8 = tpu.memref_slice %arg2[%dma_start3A_7, %mul3A_4] : memref<16x1000000xf32, #tpu.memory_space<hbm>> -> memref<16x1024xf32, #tpu.memory_space<hbm>>
    %dma_start3A_9 = arith.constant 0 : i32
    %dma_start3A_10 = arith.constant 0 : i32
    %dma_start3A_11 = tpu.memref_slice %arg5[%dma_start3A_9, %dma_start3A_10] : memref<16x1025xf32, #tpu.memory_space<vmem>> -> memref<16x1024xf32, #tpu.memory_space<vmem>>
    %dma_start3A_12 = arith.constant 0 : i32
    %dma_start3A_13 = tpu.memref_slice %arg2[%dma_start3A_12, %mul3A_4] : memref<16x1000000xf32, #tpu.memory_space<hbm>> -> memref<16x1024xf32, #tpu.memory_space<hbm>>
    tpu.enqueue_dma source(%dma_start3A_13 : memref<16x1024xf32, #tpu.memory_space<hbm>>) target(%dma_start3A_11 : memref<16x1024xf32, #tpu.memory_space<vmem>>) target_semaphore(%arg10 : memref<!tpu.dma_semaphore, #tpu.memory_space<semaphore_mem>>)
    %add3A_14 = arith.constant 32 : i32
    %add3A_15 = arith.addi %add3A, %add3A_14 : i32
    %mul3A_16 = arith.constant 1024 : i32
    %mul3A_17 = arith.muli %add3A_15, %mul3A_16 : i32
    %dma_start3A_18 = arith.constant 0 : i32
    %dma_start3A_19 = arith.constant 0 : i32
    %dma_start3A_20 = tpu.memref_slice %arg6[%dma_start3A_18, %dma_start3A_19] : memref<16x1025xf32, #tpu.memory_space<vmem>> -> memref<16x1024xf32, #tpu.memory_space<vmem>>
    %dma_start3A_21 = arith.constant 0 : i32
    %dma_start3A_22 = tpu.memref_slice %arg2[%dma_start3A_21, %mul3A_17] : memref<16x1000000xf32, #tpu.memory_space<hbm>> -> memref<16x1024xf32, #tpu.memory_space<hbm>>
    %dma_start3A_23 = arith.constant 0 : i32
    %dma_start3A_24 = arith.constant 0 : i32
    %dma_start3A_25 = tpu.memref_slice %arg6[%dma_start3A_23, %dma_start3A_24] : memref<16x1025xf32, #tpu.memory_space<vmem>> -> memref<16x1024xf32, #tpu.memory_space<vmem>>
    %dma_start3A_26 = arith.constant 0 : i32
    %dma_start3A_27 = tpu.memref_slice %arg2[%dma_start3A_26, %mul3A_17] : memref<16x1000000xf32, #tpu.memory_space<hbm>> -> memref<16x1024xf32, #tpu.memory_space<hbm>>
    tpu.enqueue_dma source(%dma_start3A_27 : memref<16x1024xf32, #tpu.memory_space<hbm>>) target(%dma_start3A_25 : memref<16x1024xf32, #tpu.memory_space<vmem>>) target_semaphore(%arg11 : memref<!tpu.dma_semaphore, #tpu.memory_space<semaphore_mem>>)
    %add3A_28 = arith.constant 0 : i32
    %add3A_29 = arith.addi %add3A, %add3A_28 : i32
    %lt3A = arith.constant 976 : i32
    %lt3A_30 = arith.cmpi slt, %add3A_29, %lt3A : i32
    %convert_element_type3A = arith.extui %lt3A_30 : i1 to i32
    %cond3A = arith.constant 0 : i32
    %cond3A_31 = arith.cmpi ne, %convert_element_type3A, %cond3A : i32
    scf.if %cond3A_31 {
      %add3A_78 = arith.constant 0 : i32
      %add3A_79 = arith.addi %add3A, %add3A_78 : i32
      %mul3A_80 = arith.constant 1024 : i32
      %mul3A_81 = arith.muli %add3A_79, %mul3A_80 : i32
      %dma_wait3A_82 = arith.constant 0 : i32
      %dma_wait3A_83 = arith.constant 0 : i32
      %dma_wait3A_84 = tpu.memref_slice %arg5[%dma_wait3A_82, %dma_wait3A_83] : memref<16x1025xf32, #tpu.memory_space<vmem>> -> memref<16x1024xf32, #tpu.memory_space<vmem>>
      %dma_wait3A_85 = arith.constant 0 : i32
      %dma_wait3A_86 = tpu.memref_slice %arg2[%dma_wait3A_85, %mul3A_81] : memref<16x1000000xf32, #tpu.memory_space<hbm>> -> memref<16x1024xf32, #tpu.memory_space<hbm>>
      %dma_wait3A_87 = arith.constant 0 : i32
      %dma_wait3A_88 = arith.constant 0 : i32
      %dma_wait3A_89 = tpu.memref_slice %arg5[%dma_wait3A_87, %dma_wait3A_88] : memref<16x1025xf32, #tpu.memory_space<vmem>> -> memref<16x1024xf32, #tpu.memory_space<vmem>>
      %dma_wait3A_90 = arith.constant 0 : i32
      %dma_wait3A_91 = tpu.memref_slice %arg2[%dma_wait3A_90, %mul3A_81] : memref<16x1000000xf32, #tpu.memory_space<hbm>> -> memref<16x1024xf32, #tpu.memory_space<hbm>>
      tpu.wait_dma2 semaphore(%arg10 : memref<!tpu.dma_semaphore, #tpu.memory_space<semaphore_mem>>) src(%dma_wait3A_91 : memref<16x1024xf32, #tpu.memory_space<hbm>>) dst(%dma_wait3A_89 : memref<16x1024xf32, #tpu.memory_space<vmem>>)
      %scan3A_92 = arith.constant 0 : i32
      %scan3A_93 = arith.constant 0 : i32
      %scan3A_94 = arith.constant 32 : i32
      %scan3A_95 = arith.addi %scan3A_93, %scan3A_94 : i32
      %scan3A_96 = arith.constant 1 : i32
      scf.for %scan3A_106 = %scan3A_93 to %scan3A_95 step %scan3A_96  : i32 {
        %mul3A_107 = arith.constant 32 : i32
        %mul3A_108 = arith.muli %scan3A_106, %mul3A_107 : i32
        %broadcast_in_dim3A = vector.broadcast %mul3A_108 : i32 to vector<16xi32>
        %add3A_109 = arith.constant 0 : i32
        %add3A_110 = vector.broadcast %add3A_109 : i32 to vector<16xi32>
        %add3A_111 = arith.addi %broadcast_in_dim3A, %add3A_110 : vector<16xi32>
        %gather3A = tpu.vector_load_idx %arg5[%iota3A, %add3A_111] : memref<16x1025xf32, #tpu.memory_space<vmem>>[vector<16xi32>, vector<16xi32>], vector<16xf32>,
        %add3A_112 = arith.constant 1 : i32
        %add3A_113 = vector.broadcast %add3A_112 : i32 to vector<16xi32>
        %add3A_114 = arith.addi %broadcast_in_dim3A, %add3A_113 : vector<16xi32>
        %gather3A_115 = tpu.vector_load_idx %arg5[%iota3A, %add3A_114] : memref<16x1025xf32, #tpu.memory_space<vmem>>[vector<16xi32>, vector<16xi32>], vector<16xf32>,
        %add3A_116 = arith.constant 2 : i32
        %add3A_117 = vector.broadcast %add3A_116 : i32 to vector<16xi32>
        %add3A_118 = arith.addi %broadcast_in_dim3A, %add3A_117 : vector<16xi32>
        %gather3A_119 = tpu.vector_load_idx %arg5[%iota3A, %add3A_118] : memref<16x1025xf32, #tpu.memory_space<vmem>>[vector<16xi32>, vector<16xi32>], vector<16xf32>,
        %add3A_120 = arith.constant 3 : i32
        %add3A_121 = vector.broadcast %add3A_120 : i32 to vector<16xi32>
        %add3A_122 = arith.addi %broadcast_in_dim3A, %add3A_121 : vector<16xi32>
        %gather3A_123 = tpu.vector_load_idx %arg5[%iota3A, %add3A_122] : memref<16x1025xf32, #tpu.memory_space<vmem>>[vector<16xi32>, vector<16xi32>], vector<16xf32>,
        %add3A_124 = arith.constant 4 : i32
        %add3A_125 = vector.broadcast %add3A_124 : i32 to vector<16xi32>
        %add3A_126 = arith.addi %broadcast_in_dim3A, %add3A_125 : vector<16xi32>
        %gather3A_127 = tpu.vector_load_idx %arg5[%iota3A, %add3A_126] : memref<16x1025xf32, #tpu.memory_space<vmem>>[vector<16xi32>, vector<16xi32>], vector<16xf32>,
        %add3A_128 = arith.constant 5 : i32
        %add3A_129 = vector.broadcast %add3A_128 : i32 to vector<16xi32>
        %add3A_130 = arith.addi %broadcast_in_dim3A, %add3A_129 : vector<16xi32>
        %gather3A_131 = tpu.vector_load_idx %arg5[%iota3A, %add3A_130] : memref<16x1025xf32, #tpu.memory_space<vmem>>[vector<16xi32>, vector<16xi32>], vector<16xf32>,
        %add3A_132 = arith.constant 6 : i32
        %add3A_133 = vector.broadcast %add3A_132 : i32 to vector<16xi32>
        %add3A_134 = arith.addi %broadcast_in_dim3A, %add3A_133 : vector<16xi32>
        %gather3A_135 = tpu.vector_load_idx %arg5[%iota3A, %add3A_134] : memref<16x1025xf32, #tpu.memory_space<vmem>>[vector<16xi32>, vector<16xi32>], vector<16xf32>,
        %add3A_136 = arith.constant 7 : i32
        %add3A_137 = vector.broadcast %add3A_136 : i32 to vector<16xi32>
        %add3A_138 = arith.addi %broadcast_in_dim3A, %add3A_137 : vector<16xi32>
        %gather3A_139 = tpu.vector_load_idx %arg5[%iota3A, %add3A_138] : memref<16x1025xf32, #tpu.memory_space<vmem>>[vector<16xi32>, vector<16xi32>], vector<16xf32>,
        %add3A_140 = arith.constant 8 : i32
        %add3A_141 = vector.broadcast %add3A_140 : i32 to vector<16xi32>
        %add3A_142 = arith.addi %broadcast_in_dim3A, %add3A_141 : vector<16xi32>
        %gather3A_143 = tpu.vector_load_idx %arg5[%iota3A, %add3A_142] : memref<16x1025xf32, #tpu.memory_space<vmem>>[vector<16xi32>, vector<16xi32>], vector<16xf32>,
        %add3A_144 = arith.constant 9 : i32
        %add3A_145 = vector.broadcast %add3A_144 : i32 to vector<16xi32>
        %add3A_146 = arith.addi %broadcast_in_dim3A, %add3A_145 : vector<16xi32>
        %gather3A_147 = tpu.vector_load_idx %arg5[%iota3A, %add3A_146] : memref<16x1025xf32, #tpu.memory_space<vmem>>[vector<16xi32>, vector<16xi32>], vector<16xf32>,
        %add3A_148 = arith.constant 10 : i32
        %add3A_149 = vector.broadcast %add3A_148 : i32 to vector<16xi32>
        %add3A_150 = arith.addi %broadcast_in_dim3A, %add3A_149 : vector<16xi32>
        %gather3A_151 = tpu.vector_load_idx %arg5[%iota3A, %add3A_150] : memref<16x1025xf32, #tpu.memory_space<vmem>>[vector<16xi32>, vector<16xi32>], vector<16xf32>,
        %add3A_152 = arith.constant 11 : i32
        %add3A_153 = vector.broadcast %add3A_152 : i32 to vector<16xi32>
        %add3A_154 = arith.addi %broadcast_in_dim3A, %add3A_153 : vector<16xi32>
        %gather3A_155 = tpu.vector_load_idx %arg5[%iota3A, %add3A_154] : memref<16x1025xf32, #tpu.memory_space<vmem>>[vector<16xi32>, vector<16xi32>], vector<16xf32>,
        %add3A_156 = arith.constant 12 : i32
        %add3A_157 = vector.broadcast %add3A_156 : i32 to vector<16xi32>
        %add3A_158 = arith.addi %broadcast_in_dim3A, %add3A_157 : vector<16xi32>
        %gather3A_159 = tpu.vector_load_idx %arg5[%iota3A, %add3A_158] : memref<16x1025xf32, #tpu.memory_space<vmem>>[vector<16xi32>, vector<16xi32>], vector<16xf32>,
        %add3A_160 = arith.constant 13 : i32
        %add3A_161 = vector.broadcast %add3A_160 : i32 to vector<16xi32>
        %add3A_162 = arith.addi %broadcast_in_dim3A, %add3A_161 : vector<16xi32>
        %gather3A_163 = tpu.vector_load_idx %arg5[%iota3A, %add3A_162] : memref<16x1025xf32, #tpu.memory_space<vmem>>[vector<16xi32>, vector<16xi32>], vector<16xf32>,
        %add3A_164 = arith.constant 14 : i32
        %add3A_165 = vector.broadcast %add3A_164 : i32 to vector<16xi32>
        %add3A_166 = arith.addi %broadcast_in_dim3A, %add3A_165 : vector<16xi32>
        %gather3A_167 = tpu.vector_load_idx %arg5[%iota3A, %add3A_166] : memref<16x1025xf32, #tpu.memory_space<vmem>>[vector<16xi32>, vector<16xi32>], vector<16xf32>,
        %add3A_168 = arith.constant 15 : i32
        %add3A_169 = vector.broadcast %add3A_168 : i32 to vector<16xi32>
        %add3A_170 = arith.addi %broadcast_in_dim3A, %add3A_169 : vector<16xi32>
        %gather3A_171 = tpu.vector_load_idx %arg5[%iota3A, %add3A_170] : memref<16x1025xf32, #tpu.memory_space<vmem>>[vector<16xi32>, vector<16xi32>], vector<16xf32>,
        %mul3A_172 = arith.constant 32 : i32
        %mul3A_173 = arith.muli %scan3A_106, %mul3A_172 : i32
        %add3A_174 = arith.constant 0 : i32
        %add3A_175 = arith.addi %mul3A_173, %add3A_174 : i32
        %add3A_176 = arith.constant 0 : i32
        %add3A_177 = arith.addi %add3A_175, %add3A_176 : i32
        %mul3A_178 = arith.constant 16 : i32
        %mul3A_179 = arith.muli %add3A_177, %mul3A_178 : i32
        %swap3A = arith.index_cast %mul3A_179 : i32 to index
        %swap3A_180 = tpu.vector_load %arg7[%swap3A] {strides = array<i32>} : memref<16384xf32, #tpu.memory_space<vmem>>, vector<16xf32>,
        tpu.vector_store %arg7[%swap3A], %gather3A {strides = array<i32>} : memref<16384xf32, #tpu.memory_space<vmem>>, vector<16xf32>,
        %mul3A_181 = arith.constant 32 : i32
        %mul3A_182 = arith.muli %scan3A_106, %mul3A_181 : i32
        %add3A_183 = arith.constant 0 : i32
        %add3A_184 = arith.addi %mul3A_182, %add3A_183 : i32
        %add3A_185 = arith.constant 1 : i32
        %add3A_186 = arith.addi %add3A_184, %add3A_185 : i32
        %mul3A_187 = arith.constant 16 : i32
        %mul3A_188 = arith.muli %add3A_186, %mul3A_187 : i32
        %swap3A_189 = arith.index_cast %mul3A_188 : i32 to index
        %swap3A_190 = tpu.vector_load %arg7[%swap3A_189] {strides = array<i32>} : memref<16384xf32, #tpu.memory_space<vmem>>, vector<16xf32>,
        tpu.vector_store %arg7[%swap3A_189], %gather3A_115 {strides = array<i32>} : memref<16384xf32, #tpu.memory_space<vmem>>, vector<16xf32>,
        %mul3A_191 = arith.constant 32 : i32
        %mul3A_192 = arith.muli %scan3A_106, %mul3A_191 : i32
        %add3A_193 = arith.constant 0 : i32
        %add3A_194 = arith.addi %mul3A_192, %add3A_193 : i32
        %add3A_195 = arith.constant 2 : i32
        %add3A_196 = arith.addi %add3A_194, %add3A_195 : i32
        %mul3A_197 = arith.constant 16 : i32
        %mul3A_198 = arith.muli %add3A_196, %mul3A_197 : i32
        %swap3A_199 = arith.index_cast %mul3A_198 : i32 to index
        %swap3A_200 = tpu.vector_load %arg7[%swap3A_199] {strides = array<i32>} : memref<16384xf32, #tpu.memory_space<vmem>>, vector<16xf32>,
        tpu.vector_store %arg7[%swap3A_199], %gather3A_119 {strides = array<i32>} : memref<16384xf32, #tpu.memory_space<vmem>>, vector<16xf32>,
        %mul3A_201 = arith.constant 32 : i32
        %mul3A_202 = arith.muli %scan3A_106, %mul3A_201 : i32
        %add3A_203 = arith.constant 0 : i32
        %add3A_204 = arith.addi %mul3A_202, %add3A_203 : i32
        %add3A_205 = arith.constant 3 : i32
        %add3A_206 = arith.addi %add3A_204, %add3A_205 : i32
        %mul3A_207 = arith.constant 16 : i32
        %mul3A_208 = arith.muli %add3A_206, %mul3A_207 : i32
        %swap3A_209 = arith.index_cast %mul3A_208 : i32 to index
        %swap3A_210 = tpu.vector_load %arg7[%swap3A_209] {strides = array<i32>} : memref<16384xf32, #tpu.memory_space<vmem>>, vector<16xf32>,
        tpu.vector_store %arg7[%swap3A_209], %gather3A_123 {strides = array<i32>} : memref<16384xf32, #tpu.memory_space<vmem>>, vector<16xf32>,
        %mul3A_211 = arith.constant 32 : i32
        %mul3A_212 = arith.muli %scan3A_106, %mul3A_211 : i32
        %add3A_213 = arith.constant 0 : i32
        %add3A_214 = arith.addi %mul3A_212, %add3A_213 : i32
        %add3A_215 = arith.constant 4 : i32
        %add3A_216 = arith.addi %add3A_214, %add3A_215 : i32
        %mul3A_217 = arith.constant 16 : i32
        %mul3A_218 = arith.muli %add3A_216, %mul3A_217 : i32
        %swap3A_219 = arith.index_cast %mul3A_218 : i32 to index
        %swap3A_220 = tpu.vector_load %arg7[%swap3A_219] {strides = array<i32>} : memref<16384xf32, #tpu.memory_space<vmem>>, vector<16xf32>,
        tpu.vector_store %arg7[%swap3A_219], %gather3A_127 {strides = array<i32>} : memref<16384xf32, #tpu.memory_space<vmem>>, vector<16xf32>,
        %mul3A_221 = arith.constant 32 : i32
        %mul3A_222 = arith.muli %scan3A_106, %mul3A_221 : i32
        %add3A_223 = arith.constant 0 : i32
        %add3A_224 = arith.addi %mul3A_222, %add3A_223 : i32
        %add3A_225 = arith.constant 5 : i32
        %add3A_226 = arith.addi %add3A_224, %add3A_225 : i32
        %mul3A_227 = arith.constant 16 : i32
        %mul3A_228 = arith.muli %add3A_226, %mul3A_227 : i32
        %swap3A_229 = arith.index_cast %mul3A_228 : i32 to index
        %swap3A_230 = tpu.vector_load %arg7[%swap3A_229] {strides = array<i32>} : memref<16384xf32, #tpu.memory_space<vmem>>, vector<16xf32>,
        tpu.vector_store %arg7[%swap3A_229], %gather3A_131 {strides = array<i32>} : memref<16384xf32, #tpu.memory_space<vmem>>, vector<16xf32>,
        %mul3A_231 = arith.constant 32 : i32
        %mul3A_232 = arith.muli %scan3A_106, %mul3A_231 : i32
        %add3A_233 = arith.constant 0 : i32
        %add3A_234 = arith.addi %mul3A_232, %add3A_233 : i32
        %add3A_235 = arith.constant 6 : i32
        %add3A_236 = arith.addi %add3A_234, %add3A_235 : i32
        %mul3A_237 = arith.constant 16 : i32
        %mul3A_238 = arith.muli %add3A_236, %mul3A_237 : i32
        %swap3A_239 = arith.index_cast %mul3A_238 : i32 to index
        %swap3A_240 = tpu.vector_load %arg7[%swap3A_239] {strides = array<i32>} : memref<16384xf32, #tpu.memory_space<vmem>>, vector<16xf32>,
        tpu.vector_store %arg7[%swap3A_239], %gather3A_135 {strides = array<i32>} : memref<16384xf32, #tpu.memory_space<vmem>>, vector<16xf32>,
        %mul3A_241 = arith.constant 32 : i32
        %mul3A_242 = arith.muli %scan3A_106, %mul3A_241 : i32
        %add3A_243 = arith.constant 0 : i32
        %add3A_244 = arith.addi %mul3A_242, %add3A_243 : i32
        %add3A_245 = arith.constant 7 : i32
        %add3A_246 = arith.addi %add3A_244, %add3A_245 : i32
        %mul3A_247 = arith.constant 16 : i32
        %mul3A_248 = arith.muli %add3A_246, %mul3A_247 : i32
        %swap3A_249 = arith.index_cast %mul3A_248 : i32 to index
        %swap3A_250 = tpu.vector_load %arg7[%swap3A_249] {strides = array<i32>} : memref<16384xf32, #tpu.memory_space<vmem>>, vector<16xf32>,
        tpu.vector_store %arg7[%swap3A_249], %gather3A_139 {strides = array<i32>} : memref<16384xf32, #tpu.memory_space<vmem>>, vector<16xf32>,
        %mul3A_251 = arith.constant 32 : i32
        %mul3A_252 = arith.muli %scan3A_106, %mul3A_251 : i32
        %add3A_253 = arith.constant 0 : i32
        %add3A_254 = arith.addi %mul3A_252, %add3A_253 : i32
        %add3A_255 = arith.constant 8 : i32
        %add3A_256 = arith.addi %add3A_254, %add3A_255 : i32
        %mul3A_257 = arith.constant 16 : i32
        %mul3A_258 = arith.muli %add3A_256, %mul3A_257 : i32
        %swap3A_259 = arith.index_cast %mul3A_258 : i32 to index
        %swap3A_260 = tpu.vector_load %arg7[%swap3A_259] {strides = array<i32>} : memref<16384xf32, #tpu.memory_space<vmem>>, vector<16xf32>,
        tpu.vector_store %arg7[%swap3A_259], %gather3A_143 {strides = array<i32>} : memref<16384xf32, #tpu.memory_space<vmem>>, vector<16xf32>,
        %mul3A_261 = arith.constant 32 : i32
        %mul3A_262 = arith.muli %scan3A_106, %mul3A_261 : i32
        %add3A_263 = arith.constant 0 : i32
        %add3A_264 = arith.addi %mul3A_262, %add3A_263 : i32
        %add3A_265 = arith.constant 9 : i32
        %add3A_266 = arith.addi %add3A_264, %add3A_265 : i32
        %mul3A_267 = arith.constant 16 : i32
        %mul3A_268 = arith.muli %add3A_266, %mul3A_267 : i32
        %swap3A_269 = arith.index_cast %mul3A_268 : i32 to index
        %swap3A_270 = tpu.vector_load %arg7[%swap3A_269] {strides = array<i32>} : memref<16384xf32, #tpu.memory_space<vmem>>, vector<16xf32>,
        tpu.vector_store %arg7[%swap3A_269], %gather3A_147 {strides = array<i32>} : memref<16384xf32, #tpu.memory_space<vmem>>, vector<16xf32>,
        %mul3A_271 = arith.constant 32 : i32
        %mul3A_272 = arith.muli %scan3A_106, %mul3A_271 : i32
        %add3A_273 = arith.constant 0 : i32
        %add3A_274 = arith.addi %mul3A_272, %add3A_273 : i32
        %add3A_275 = arith.constant 10 : i32
        %add3A_276 = arith.addi %add3A_274, %add3A_275 : i32
        %mul3A_277 = arith.constant 16 : i32
        %mul3A_278 = arith.muli %add3A_276, %mul3A_277 : i32
        %swap3A_279 = arith.index_cast %mul3A_278 : i32 to index
        %swap3A_280 = tpu.vector_load %arg7[%swap3A_279] {strides = array<i32>} : memref<16384xf32, #tpu.memory_space<vmem>>, vector<16xf32>,
        tpu.vector_store %arg7[%swap3A_279], %gather3A_151 {strides = array<i32>} : memref<16384xf32, #tpu.memory_space<vmem>>, vector<16xf32>,
        %mul3A_281 = arith.constant 32 : i32
        %mul3A_282 = arith.muli %scan3A_106, %mul3A_281 : i32
        %add3A_283 = arith.constant 0 : i32
        %add3A_284 = arith.addi %mul3A_282, %add3A_283 : i32
        %add3A_285 = arith.constant 11 : i32
        %add3A_286 = arith.addi %add3A_284, %add3A_285 : i32
        %mul3A_287 = arith.constant 16 : i32
        %mul3A_288 = arith.muli %add3A_286, %mul3A_287 : i32
        %swap3A_289 = arith.index_cast %mul3A_288 : i32 to index
        %swap3A_290 = tpu.vector_load %arg7[%swap3A_289] {strides = array<i32>} : memref<16384xf32, #tpu.memory_space<vmem>>, vector<16xf32>,
        tpu.vector_store %arg7[%swap3A_289], %gather3A_155 {strides = array<i32>} : memref<16384xf32, #tpu.memory_space<vmem>>, vector<16xf32>,
        %mul3A_291 = arith.constant 32 : i32
        %mul3A_292 = arith.muli %scan3A_106, %mul3A_291 : i32
        %add3A_293 = arith.constant 0 : i32
        %add3A_294 = arith.addi %mul3A_292, %add3A_293 : i32
        %add3A_295 = arith.constant 12 : i32
        %add3A_296 = arith.addi %add3A_294, %add3A_295 : i32
        %mul3A_297 = arith.constant 16 : i32
        %mul3A_298 = arith.muli %add3A_296, %mul3A_297 : i32
        %swap3A_299 = arith.index_cast %mul3A_298 : i32 to index
        %swap3A_300 = tpu.vector_load %arg7[%swap3A_299] {strides = array<i32>} : memref<16384xf32, #tpu.memory_space<vmem>>, vector<16xf32>,
        tpu.vector_store %arg7[%swap3A_299], %gather3A_159 {strides = array<i32>} : memref<16384xf32, #tpu.memory_space<vmem>>, vector<16xf32>,
        %mul3A_301 = arith.constant 32 : i32
        %mul3A_302 = arith.muli %scan3A_106, %mul3A_301 : i32
        %add3A_303 = arith.constant 0 : i32
        %add3A_304 = arith.addi %mul3A_302, %add3A_303 : i32
        %add3A_305 = arith.constant 13 : i32
        %add3A_306 = arith.addi %add3A_304, %add3A_305 : i32
        %mul3A_307 = arith.constant 16 : i32
        %mul3A_308 = arith.muli %add3A_306, %mul3A_307 : i32
        %swap3A_309 = arith.index_cast %mul3A_308 : i32 to index
        %swap3A_310 = tpu.vector_load %arg7[%swap3A_309] {strides = array<i32>} : memref<16384xf32, #tpu.memory_space<vmem>>, vector<16xf32>,
        tpu.vector_store %arg7[%swap3A_309], %gather3A_163 {strides = array<i32>} : memref<16384xf32, #tpu.memory_space<vmem>>, vector<16xf32>,
        %mul3A_311 = arith.constant 32 : i32
        %mul3A_312 = arith.muli %scan3A_106, %mul3A_311 : i32
        %add3A_313 = arith.constant 0 : i32
        %add3A_314 = arith.addi %mul3A_312, %add3A_313 : i32
        %add3A_315 = arith.constant 14 : i32
        %add3A_316 = arith.addi %add3A_314, %add3A_315 : i32
        %mul3A_317 = arith.constant 16 : i32
        %mul3A_318 = arith.muli %add3A_316, %mul3A_317 : i32
        %swap3A_319 = arith.index_cast %mul3A_318 : i32 to index
        %swap3A_320 = tpu.vector_load %arg7[%swap3A_319] {strides = array<i32>} : memref<16384xf32, #tpu.memory_space<vmem>>, vector<16xf32>,
        tpu.vector_store %arg7[%swap3A_319], %gather3A_167 {strides = array<i32>} : memref<16384xf32, #tpu.memory_space<vmem>>, vector<16xf32>,
        %mul3A_321 = arith.constant 32 : i32
        %mul3A_322 = arith.muli %scan3A_106, %mul3A_321 : i32
        %add3A_323 = arith.constant 0 : i32
        %add3A_324 = arith.addi %mul3A_322, %add3A_323 : i32
        %add3A_325 = arith.constant 15 : i32
        %add3A_326 = arith.addi %add3A_324, %add3A_325 : i32
        %mul3A_327 = arith.constant 16 : i32
        %mul3A_328 = arith.muli %add3A_326, %mul3A_327 : i32
        %swap3A_329 = arith.index_cast %mul3A_328 : i32 to index
        %swap3A_330 = tpu.vector_load %arg7[%swap3A_329] {strides = array<i32>} : memref<16384xf32, #tpu.memory_space<vmem>>, vector<16xf32>,
        tpu.vector_store %arg7[%swap3A_329], %gather3A_171 {strides = array<i32>} : memref<16384xf32, #tpu.memory_space<vmem>>, vector<16xf32>,
        %add3A_331 = arith.constant 16 : i32
        %add3A_332 = vector.broadcast %add3A_331 : i32 to vector<16xi32>
        %add3A_333 = arith.addi %broadcast_in_dim3A, %add3A_332 : vector<16xi32>
        %gather3A_334 = tpu.vector_load_idx %arg5[%iota3A, %add3A_333] : memref<16x1025xf32, #tpu.memory_space<vmem>>[vector<16xi32>, vector<16xi32>], vector<16xf32>,
        %add3A_335 = arith.constant 17 : i32
        %add3A_336 = vector.broadcast %add3A_335 : i32 to vector<16xi32>
        %add3A_337 = arith.addi %broadcast_in_dim3A, %add3A_336 : vector<16xi32>
        %gather3A_338 = tpu.vector_load_idx %arg5[%iota3A, %add3A_337] : memref<16x1025xf32, #tpu.memory_space<vmem>>[vector<16xi32>, vector<16xi32>], vector<16xf32>,
        %add3A_339 = arith.constant 18 : i32
        %add3A_340 = vector.broadcast %add3A_339 : i32 to vector<16xi32>
        %add3A_341 = arith.addi %broadcast_in_dim3A, %add3A_340 : vector<16xi32>
        %gather3A_342 = tpu.vector_load_idx %arg5[%iota3A, %add3A_341] : memref<16x1025xf32, #tpu.memory_space<vmem>>[vector<16xi32>, vector<16xi32>], vector<16xf32>,
        %add3A_343 = arith.constant 19 : i32
        %add3A_344 = vector.broadcast %add3A_343 : i32 to vector<16xi32>
        %add3A_345 = arith.addi %broadcast_in_dim3A, %add3A_344 : vector<16xi32>
        %gather3A_346 = tpu.vector_load_idx %arg5[%iota3A, %add3A_345] : memref<16x1025xf32, #tpu.memory_space<vmem>>[vector<16xi32>, vector<16xi32>], vector<16xf32>,
        %add3A_347 = arith.constant 20 : i32
        %add3A_348 = vector.broadcast %add3A_347 : i32 to vector<16xi32>
        %add3A_349 = arith.addi %broadcast_in_dim3A, %add3A_348 : vector<16xi32>
        %gather3A_350 = tpu.vector_load_idx %arg5[%iota3A, %add3A_349] : memref<16x1025xf32, #tpu.memory_space<vmem>>[vector<16xi32>, vector<16xi32>], vector<16xf32>,
        %add3A_351 = arith.constant 21 : i32
        %add3A_352 = vector.broadcast %add3A_351 : i32 to vector<16xi32>
        %add3A_353 = arith.addi %broadcast_in_dim3A, %add3A_352 : vector<16xi32>
        %gather3A_354 = tpu.vector_load_idx %arg5[%iota3A, %add3A_353] : memref<16x1025xf32, #tpu.memory_space<vmem>>[vector<16xi32>, vector<16xi32>], vector<16xf32>,
        %add3A_355 = arith.constant 22 : i32
        %add3A_356 = vector.broadcast %add3A_355 : i32 to vector<16xi32>
        %add3A_357 = arith.addi %broadcast_in_dim3A, %add3A_356 : vector<16xi32>
        %gather3A_358 = tpu.vector_load_idx %arg5[%iota3A, %add3A_357] : memref<16x1025xf32, #tpu.memory_space<vmem>>[vector<16xi32>, vector<16xi32>], vector<16xf32>,
        %add3A_359 = arith.constant 23 : i32
        %add3A_360 = vector.broadcast %add3A_359 : i32 to vector<16xi32>
        %add3A_361 = arith.addi %broadcast_in_dim3A, %add3A_360 : vector<16xi32>
        %gather3A_362 = tpu.vector_load_idx %arg5[%iota3A, %add3A_361] : memref<16x1025xf32, #tpu.memory_space<vmem>>[vector<16xi32>, vector<16xi32>], vector<16xf32>,
        %add3A_363 = arith.constant 24 : i32
        %add3A_364 = vector.broadcast %add3A_363 : i32 to vector<16xi32>
        %add3A_365 = arith.addi %broadcast_in_dim3A, %add3A_364 : vector<16xi32>
        %gather3A_366 = tpu.vector_load_idx %arg5[%iota3A, %add3A_365] : memref<16x1025xf32, #tpu.memory_space<vmem>>[vector<16xi32>, vector<16xi32>], vector<16xf32>,
        %add3A_367 = arith.constant 25 : i32
        %add3A_368 = vector.broadcast %add3A_367 : i32 to vector<16xi32>
        %add3A_369 = arith.addi %broadcast_in_dim3A, %add3A_368 : vector<16xi32>
        %gather3A_370 = tpu.vector_load_idx %arg5[%iota3A, %add3A_369] : memref<16x1025xf32, #tpu.memory_space<vmem>>[vector<16xi32>, vector<16xi32>], vector<16xf32>,
        %add3A_371 = arith.constant 26 : i32
        %add3A_372 = vector.broadcast %add3A_371 : i32 to vector<16xi32>
        %add3A_373 = arith.addi %broadcast_in_dim3A, %add3A_372 : vector<16xi32>
        %gather3A_374 = tpu.vector_load_idx %arg5[%iota3A, %add3A_373] : memref<16x1025xf32, #tpu.memory_space<vmem>>[vector<16xi32>, vector<16xi32>], vector<16xf32>,
        %add3A_375 = arith.constant 27 : i32
        %add3A_376 = vector.broadcast %add3A_375 : i32 to vector<16xi32>
        %add3A_377 = arith.addi %broadcast_in_dim3A, %add3A_376 : vector<16xi32>
        %gather3A_378 = tpu.vector_load_idx %arg5[%iota3A, %add3A_377] : memref<16x1025xf32, #tpu.memory_space<vmem>>[vector<16xi32>, vector<16xi32>], vector<16xf32>,
        %add3A_379 = arith.constant 28 : i32
        %add3A_380 = vector.broadcast %add3A_379 : i32 to vector<16xi32>
        %add3A_381 = arith.addi %broadcast_in_dim3A, %add3A_380 : vector<16xi32>
        %gather3A_382 = tpu.vector_load_idx %arg5[%iota3A, %add3A_381] : memref<16x1025xf32, #tpu.memory_space<vmem>>[vector<16xi32>, vector<16xi32>], vector<16xf32>,
        %add3A_383 = arith.constant 29 : i32
        %add3A_384 = vector.broadcast %add3A_383 : i32 to vector<16xi32>
        %add3A_385 = arith.addi %broadcast_in_dim3A, %add3A_384 : vector<16xi32>
        %gather3A_386 = tpu.vector_load_idx %arg5[%iota3A, %add3A_385] : memref<16x1025xf32, #tpu.memory_space<vmem>>[vector<16xi32>, vector<16xi32>], vector<16xf32>,
        %add3A_387 = arith.constant 30 : i32
        %add3A_388 = vector.broadcast %add3A_387 : i32 to vector<16xi32>
        %add3A_389 = arith.addi %broadcast_in_dim3A, %add3A_388 : vector<16xi32>
        %gather3A_390 = tpu.vector_load_idx %arg5[%iota3A, %add3A_389] : memref<16x1025xf32, #tpu.memory_space<vmem>>[vector<16xi32>, vector<16xi32>], vector<16xf32>,
        %add3A_391 = arith.constant 31 : i32
        %add3A_392 = vector.broadcast %add3A_391 : i32 to vector<16xi32>
        %add3A_393 = arith.addi %broadcast_in_dim3A, %add3A_392 : vector<16xi32>
        %gather3A_394 = tpu.vector_load_idx %arg5[%iota3A, %add3A_393] : memref<16x1025xf32, #tpu.memory_space<vmem>>[vector<16xi32>, vector<16xi32>], vector<16xf32>,
        %mul3A_395 = arith.constant 32 : i32
        %mul3A_396 = arith.muli %scan3A_106, %mul3A_395 : i32
        %add3A_397 = arith.constant 16 : i32
        %add3A_398 = arith.addi %mul3A_396, %add3A_397 : i32
        %add3A_399 = arith.constant 0 : i32
        %add3A_400 = arith.addi %add3A_398, %add3A_399 : i32
        %mul3A_401 = arith.constant 16 : i32
        %mul3A_402 = arith.muli %add3A_400, %mul3A_401 : i32
        %swap3A_403 = arith.index_cast %mul3A_402 : i32 to index
        %swap3A_404 = tpu.vector_load %arg7[%swap3A_403] {strides = array<i32>} : memref<16384xf32, #tpu.memory_space<vmem>>, vector<16xf32>,
        tpu.vector_store %arg7[%swap3A_403], %gather3A_334 {strides = array<i32>} : memref<16384xf32, #tpu.memory_space<vmem>>, vector<16xf32>,
        %mul3A_405 = arith.constant 32 : i32
        %mul3A_406 = arith.muli %scan3A_106, %mul3A_405 : i32
        %add3A_407 = arith.constant 16 : i32
        %add3A_408 = arith.addi %mul3A_406, %add3A_407 : i32
        %add3A_409 = arith.constant 1 : i32
        %add3A_410 = arith.addi %add3A_408, %add3A_409 : i32
        %mul3A_411 = arith.constant 16 : i32
        %mul3A_412 = arith.muli %add3A_410, %mul3A_411 : i32
        %swap3A_413 = arith.index_cast %mul3A_412 : i32 to index
        %swap3A_414 = tpu.vector_load %arg7[%swap3A_413] {strides = array<i32>} : memref<16384xf32, #tpu.memory_space<vmem>>, vector<16xf32>,
        tpu.vector_store %arg7[%swap3A_413], %gather3A_338 {strides = array<i32>} : memref<16384xf32, #tpu.memory_space<vmem>>, vector<16xf32>,
        %mul3A_415 = arith.constant 32 : i32
        %mul3A_416 = arith.muli %scan3A_106, %mul3A_415 : i32
        %add3A_417 = arith.constant 16 : i32
        %add3A_418 = arith.addi %mul3A_416, %add3A_417 : i32
        %add3A_419 = arith.constant 2 : i32
        %add3A_420 = arith.addi %add3A_418, %add3A_419 : i32
        %mul3A_421 = arith.constant 16 : i32
        %mul3A_422 = arith.muli %add3A_420, %mul3A_421 : i32
        %swap3A_423 = arith.index_cast %mul3A_422 : i32 to index
        %swap3A_424 = tpu.vector_load %arg7[%swap3A_423] {strides = array<i32>} : memref<16384xf32, #tpu.memory_space<vmem>>, vector<16xf32>,
        tpu.vector_store %arg7[%swap3A_423], %gather3A_342 {strides = array<i32>} : memref<16384xf32, #tpu.memory_space<vmem>>, vector<16xf32>,
        %mul3A_425 = arith.constant 32 : i32
        %mul3A_426 = arith.muli %scan3A_106, %mul3A_425 : i32
        %add3A_427 = arith.constant 16 : i32
        %add3A_428 = arith.addi %mul3A_426, %add3A_427 : i32
        %add3A_429 = arith.constant 3 : i32
        %add3A_430 = arith.addi %add3A_428, %add3A_429 : i32
        %mul3A_431 = arith.constant 16 : i32
        %mul3A_432 = arith.muli %add3A_430, %mul3A_431 : i32
        %swap3A_433 = arith.index_cast %mul3A_432 : i32 to index
        %swap3A_434 = tpu.vector_load %arg7[%swap3A_433] {strides = array<i32>} : memref<16384xf32, #tpu.memory_space<vmem>>, vector<16xf32>,
        tpu.vector_store %arg7[%swap3A_433], %gather3A_346 {strides = array<i32>} : memref<16384xf32, #tpu.memory_space<vmem>>, vector<16xf32>,
        %mul3A_435 = arith.constant 32 : i32
        %mul3A_436 = arith.muli %scan3A_106, %mul3A_435 : i32
        %add3A_437 = arith.constant 16 : i32
        %add3A_438 = arith.addi %mul3A_436, %add3A_437 : i32
        %add3A_439 = arith.constant 4 : i32
        %add3A_440 = arith.addi %add3A_438, %add3A_439 : i32
        %mul3A_441 = arith.constant 16 : i32
        %mul3A_442 = arith.muli %add3A_440, %mul3A_441 : i32
        %swap3A_443 = arith.index_cast %mul3A_442 : i32 to index
        %swap3A_444 = tpu.vector_load %arg7[%swap3A_443] {strides = array<i32>} : memref<16384xf32, #tpu.memory_space<vmem>>, vector<16xf32>,
        tpu.vector_store %arg7[%swap3A_443], %gather3A_350 {strides = array<i32>} : memref<16384xf32, #tpu.memory_space<vmem>>, vector<16xf32>,
        %mul3A_445 = arith.constant 32 : i32
        %mul3A_446 = arith.muli %scan3A_106, %mul3A_445 : i32
        %add3A_447 = arith.constant 16 : i32
        %add3A_448 = arith.addi %mul3A_446, %add3A_447 : i32
        %add3A_449 = arith.constant 5 : i32
        %add3A_450 = arith.addi %add3A_448, %add3A_449 : i32
        %mul3A_451 = arith.constant 16 : i32
        %mul3A_452 = arith.muli %add3A_450, %mul3A_451 : i32
        %swap3A_453 = arith.index_cast %mul3A_452 : i32 to index
        %swap3A_454 = tpu.vector_load %arg7[%swap3A_453] {strides = array<i32>} : memref<16384xf32, #tpu.memory_space<vmem>>, vector<16xf32>,
        tpu.vector_store %arg7[%swap3A_453], %gather3A_354 {strides = array<i32>} : memref<16384xf32, #tpu.memory_space<vmem>>, vector<16xf32>,
        %mul3A_455 = arith.constant 32 : i32
        %mul3A_456 = arith.muli %scan3A_106, %mul3A_455 : i32
        %add3A_457 = arith.constant 16 : i32
        %add3A_458 = arith.addi %mul3A_456, %add3A_457 : i32
        %add3A_459 = arith.constant 6 : i32
        %add3A_460 = arith.addi %add3A_458, %add3A_459 : i32
        %mul3A_461 = arith.constant 16 : i32
        %mul3A_462 = arith.muli %add3A_460, %mul3A_461 : i32
        %swap3A_463 = arith.index_cast %mul3A_462 : i32 to index
        %swap3A_464 = tpu.vector_load %arg7[%swap3A_463] {strides = array<i32>} : memref<16384xf32, #tpu.memory_space<vmem>>, vector<16xf32>,
        tpu.vector_store %arg7[%swap3A_463], %gather3A_358 {strides = array<i32>} : memref<16384xf32, #tpu.memory_space<vmem>>, vector<16xf32>,
        %mul3A_465 = arith.constant 32 : i32
        %mul3A_466 = arith.muli %scan3A_106, %mul3A_465 : i32
        %add3A_467 = arith.constant 16 : i32
        %add3A_468 = arith.addi %mul3A_466, %add3A_467 : i32
        %add3A_469 = arith.constant 7 : i32
        %add3A_470 = arith.addi %add3A_468, %add3A_469 : i32
        %mul3A_471 = arith.constant 16 : i32
        %mul3A_472 = arith.muli %add3A_470, %mul3A_471 : i32
        %swap3A_473 = arith.index_cast %mul3A_472 : i32 to index
        %swap3A_474 = tpu.vector_load %arg7[%swap3A_473] {strides = array<i32>} : memref<16384xf32, #tpu.memory_space<vmem>>, vector<16xf32>,
        tpu.vector_store %arg7[%swap3A_473], %gather3A_362 {strides = array<i32>} : memref<16384xf32, #tpu.memory_space<vmem>>, vector<16xf32>,
        %mul3A_475 = arith.constant 32 : i32
        %mul3A_476 = arith.muli %scan3A_106, %mul3A_475 : i32
        %add3A_477 = arith.constant 16 : i32
        %add3A_478 = arith.addi %mul3A_476, %add3A_477 : i32
        %add3A_479 = arith.constant 8 : i32
        %add3A_480 = arith.addi %add3A_478, %add3A_479 : i32
        %mul3A_481 = arith.constant 16 : i32
        %mul3A_482 = arith.muli %add3A_480, %mul3A_481 : i32
        %swap3A_483 = arith.index_cast %mul3A_482 : i32 to index
        %swap3A_484 = tpu.vector_load %arg7[%swap3A_483] {strides = array<i32>} : memref<16384xf32, #tpu.memory_space<vmem>>, vector<16xf32>,
        tpu.vector_store %arg7[%swap3A_483], %gather3A_366 {strides = array<i32>} : memref<16384xf32, #tpu.memory_space<vmem>>, vector<16xf32>,
        %mul3A_485 = arith.constant 32 : i32
        %mul3A_486 = arith.muli %scan3A_106, %mul3A_485 : i32
        %add3A_487 = arith.constant 16 : i32
        %add3A_488 = arith.addi %mul3A_486, %add3A_487 : i32
        %add3A_489 = arith.constant 9 : i32
        %add3A_490 = arith.addi %add3A_488, %add3A_489 : i32
        %mul3A_491 = arith.constant 16 : i32
        %mul3A_492 = arith.muli %add3A_490, %mul3A_491 : i32
        %swap3A_493 = arith.index_cast %mul3A_492 : i32 to index
        %swap3A_494 = tpu.vector_load %arg7[%swap3A_493] {strides = array<i32>} : memref<16384xf32, #tpu.memory_space<vmem>>, vector<16xf32>,
        tpu.vector_store %arg7[%swap3A_493], %gather3A_370 {strides = array<i32>} : memref<16384xf32, #tpu.memory_space<vmem>>, vector<16xf32>,
        %mul3A_495 = arith.constant 32 : i32
        %mul3A_496 = arith.muli %scan3A_106, %mul3A_495 : i32
        %add3A_497 = arith.constant 16 : i32
        %add3A_498 = arith.addi %mul3A_496, %add3A_497 : i32
        %add3A_499 = arith.constant 10 : i32
        %add3A_500 = arith.addi %add3A_498, %add3A_499 : i32
        %mul3A_501 = arith.constant 16 : i32
        %mul3A_502 = arith.muli %add3A_500, %mul3A_501 : i32
        %swap3A_503 = arith.index_cast %mul3A_502 : i32 to index
        %swap3A_504 = tpu.vector_load %arg7[%swap3A_503] {strides = array<i32>} : memref<16384xf32, #tpu.memory_space<vmem>>, vector<16xf32>,
        tpu.vector_store %arg7[%swap3A_503], %gather3A_374 {strides = array<i32>} : memref<16384xf32, #tpu.memory_space<vmem>>, vector<16xf32>,
        %mul3A_505 = arith.constant 32 : i32
        %mul3A_506 = arith.muli %scan3A_106, %mul3A_505 : i32
        %add3A_507 = arith.constant 16 : i32
        %add3A_508 = arith.addi %mul3A_506, %add3A_507 : i32
        %add3A_509 = arith.constant 11 : i32
        %add3A_510 = arith.addi %add3A_508, %add3A_509 : i32
        %mul3A_511 = arith.constant 16 : i32
        %mul3A_512 = arith.muli %add3A_510, %mul3A_511 : i32
        %swap3A_513 = arith.index_cast %mul3A_512 : i32 to index
        %swap3A_514 = tpu.vector_load %arg7[%swap3A_513] {strides = array<i32>} : memref<16384xf32, #tpu.memory_space<vmem>>, vector<16xf32>,
        tpu.vector_store %arg7[%swap3A_513], %gather3A_378 {strides = array<i32>} : memref<16384xf32, #tpu.memory_space<vmem>>, vector<16xf32>,
        %mul3A_515 = arith.constant 32 : i32
        %mul3A_516 = arith.muli %scan3A_106, %mul3A_515 : i32
        %add3A_517 = arith.constant 16 : i32
        %add3A_518 = arith.addi %mul3A_516, %add3A_517 : i32
        %add3A_519 = arith.constant 12 : i32
        %add3A_520 = arith.addi %add3A_518, %add3A_519 : i32
        %mul3A_521 = arith.constant 16 : i32
        %mul3A_522 = arith.muli %add3A_520, %mul3A_521 : i32
        %swap3A_523 = arith.index_cast %mul3A_522 : i32 to index
        %swap3A_524 = tpu.vector_load %arg7[%swap3A_523] {strides = array<i32>} : memref<16384xf32, #tpu.memory_space<vmem>>, vector<16xf32>,
        tpu.vector_store %arg7[%swap3A_523], %gather3A_382 {strides = array<i32>} : memref<16384xf32, #tpu.memory_space<vmem>>, vector<16xf32>,
        %mul3A_525 = arith.constant 32 : i32
        %mul3A_526 = arith.muli %scan3A_106, %mul3A_525 : i32
        %add3A_527 = arith.constant 16 : i32
        %add3A_528 = arith.addi %mul3A_526, %add3A_527 : i32
        %add3A_529 = arith.constant 13 : i32
        %add3A_530 = arith.addi %add3A_528, %add3A_529 : i32
        %mul3A_531 = arith.constant 16 : i32
        %mul3A_532 = arith.muli %add3A_530, %mul3A_531 : i32
        %swap3A_533 = arith.index_cast %mul3A_532 : i32 to index
        %swap3A_534 = tpu.vector_load %arg7[%swap3A_533] {strides = array<i32>} : memref<16384xf32, #tpu.memory_space<vmem>>, vector<16xf32>,
        tpu.vector_store %arg7[%swap3A_533], %gather3A_386 {strides = array<i32>} : memref<16384xf32, #tpu.memory_space<vmem>>, vector<16xf32>,
        %mul3A_535 = arith.constant 32 : i32
        %mul3A_536 = arith.muli %scan3A_106, %mul3A_535 : i32
        %add3A_537 = arith.constant 16 : i32
        %add3A_538 = arith.addi %mul3A_536, %add3A_537 : i32
        %add3A_539 = arith.constant 14 : i32
        %add3A_540 = arith.addi %add3A_538, %add3A_539 : i32
        %mul3A_541 = arith.constant 16 : i32
        %mul3A_542 = arith.muli %add3A_540, %mul3A_541 : i32
        %swap3A_543 = arith.index_cast %mul3A_542 : i32 to index
        %swap3A_544 = tpu.vector_load %arg7[%swap3A_543] {strides = array<i32>} : memref<16384xf32, #tpu.memory_space<vmem>>, vector<16xf32>,
        tpu.vector_store %arg7[%swap3A_543], %gather3A_390 {strides = array<i32>} : memref<16384xf32, #tpu.memory_space<vmem>>, vector<16xf32>,
        %mul3A_545 = arith.constant 32 : i32
        %mul3A_546 = arith.muli %scan3A_106, %mul3A_545 : i32
        %add3A_547 = arith.constant 16 : i32
        %add3A_548 = arith.addi %mul3A_546, %add3A_547 : i32
        %add3A_549 = arith.constant 15 : i32
        %add3A_550 = arith.addi %add3A_548, %add3A_549 : i32
        %mul3A_551 = arith.constant 16 : i32
        %mul3A_552 = arith.muli %add3A_550, %mul3A_551 : i32
        %swap3A_553 = arith.index_cast %mul3A_552 : i32 to index
        %swap3A_554 = tpu.vector_load %arg7[%swap3A_553] {strides = array<i32>} : memref<16384xf32, #tpu.memory_space<vmem>>, vector<16xf32>,
        tpu.vector_store %arg7[%swap3A_553], %gather3A_394 {strides = array<i32>} : memref<16384xf32, #tpu.memory_space<vmem>>, vector<16xf32>,
      }
      %scan3A_97 = arith.constant 32 : i32
      %add3A_98 = arith.constant 0 : i32
      %add3A_99 = arith.addi %add3A, %add3A_98 : i32
      %mul3A_100 = arith.constant 1024 : i32
      %mul3A_101 = arith.muli %add3A_99, %mul3A_100 : i32
      %mul3A_102 = arith.constant 16 : i32
      %mul3A_103 = arith.muli %mul3A_101, %mul3A_102 : i32
      %dma_start3A_104 = tpu.memref_slice %arg4[%mul3A_103] : memref<16000000xf32, #tpu.memory_space<hbm>> -> memref<16384xf32, #tpu.memory_space<hbm>>
      %dma_start3A_105 = tpu.memref_slice %arg4[%mul3A_103] : memref<16000000xf32, #tpu.memory_space<hbm>> -> memref<16384xf32, #tpu.memory_space<hbm>>
      tpu.enqueue_dma source(%arg7 : memref<16384xf32, #tpu.memory_space<vmem>>) target(%dma_start3A_105 : memref<16384xf32, #tpu.memory_space<hbm>>) target_semaphore(%arg12 : memref<!tpu.dma_semaphore, #tpu.memory_space<semaphore_mem>>)
    } else {
    }
    %add3A_32 = arith.constant 64 : i32
    %add3A_33 = arith.addi %add3A, %add3A_32 : i32
    %lt3A_34 = arith.constant 976 : i32
    %lt3A_35 = arith.cmpi slt, %add3A_33, %lt3A_34 : i32
    %and3A = arith.andi %lt3A_30, %lt3A_35 : i1
    %convert_element_type3A_36 = arith.extui %and3A : i1 to i32
    %cond3A_37 = arith.constant 0 : i32
    %cond3A_38 = arith.cmpi ne, %convert_element_type3A_36, %cond3A_37 : i32
    scf.if %cond3A_38 {
      %add3A_78 = arith.constant 64 : i32
      %add3A_79 = arith.addi %add3A, %add3A_78 : i32
      %mul3A_80 = arith.constant 1024 : i32
      %mul3A_81 = arith.muli %add3A_79, %mul3A_80 : i32
      %dma_start3A_82 = arith.constant 0 : i32
      %dma_start3A_83 = arith.constant 0 : i32
      %dma_start3A_84 = tpu.memref_slice %arg5[%dma_start3A_82, %dma_start3A_83] : memref<16x1025xf32, #tpu.memory_space<vmem>> -> memref<16x1024xf32, #tpu.memory_space<vmem>>
      %dma_start3A_85 = arith.constant 0 : i32
      %dma_start3A_86 = tpu.memref_slice %arg2[%dma_start3A_85, %mul3A_81] : memref<16x1000000xf32, #tpu.memory_space<hbm>> -> memref<16x1024xf32, #tpu.memory_space<hbm>>
      %dma_start3A_87 = arith.constant 0 : i32
      %dma_start3A_88 = arith.constant 0 : i32
      %dma_start3A_89 = tpu.memref_slice %arg5[%dma_start3A_87, %dma_start3A_88] : memref<16x1025xf32, #tpu.memory_space<vmem>> -> memref<16x1024xf32, #tpu.memory_space<vmem>>
      %dma_start3A_90 = arith.constant 0 : i32
      %dma_start3A_91 = tpu.memref_slice %arg2[%dma_start3A_90, %mul3A_81] : memref<16x1000000xf32, #tpu.memory_space<hbm>> -> memref<16x1024xf32, #tpu.memory_space<hbm>>
      tpu.enqueue_dma source(%dma_start3A_91 : memref<16x1024xf32, #tpu.memory_space<hbm>>) target(%dma_start3A_89 : memref<16x1024xf32, #tpu.memory_space<vmem>>) target_semaphore(%arg10 : memref<!tpu.dma_semaphore, #tpu.memory_space<semaphore_mem>>)
    } else {
    }
    %add3A_39 = arith.constant 32 : i32
    %add3A_40 = arith.addi %add3A, %add3A_39 : i32
    %lt3A_41 = arith.constant 976 : i32
    %lt3A_42 = arith.cmpi slt, %add3A_40, %lt3A_41 : i32
    %convert_element_type3A_43 = arith.extui %lt3A_42 : i1 to i32
    %cond3A_44 = arith.constant 0 : i32
    %cond3A_45 = arith.cmpi ne, %convert_element_type3A_43, %cond3A_44 : i32
    scf.if %cond3A_45 {
      %add3A_78 = arith.constant 32 : i32
      %add3A_79 = arith.addi %add3A, %add3A_78 : i32
      %mul3A_80 = arith.constant 1024 : i32
      %mul3A_81 = arith.muli %add3A_79, %mul3A_80 : i32
      %dma_wait3A_82 = arith.constant 0 : i32
      %dma_wait3A_83 = arith.constant 0 : i32
      %dma_wait3A_84 = tpu.memref_slice %arg6[%dma_wait3A_82, %dma_wait3A_83] : memref<16x1025xf32, #tpu.memory_space<vmem>> -> memref<16x1024xf32, #tpu.memory_space<vmem>>
      %dma_wait3A_85 = arith.constant 0 : i32
      %dma_wait3A_86 = tpu.memref_slice %arg2[%dma_wait3A_85, %mul3A_81] : memref<16x1000000xf32, #tpu.memory_space<hbm>> -> memref<16x1024xf32, #tpu.memory_space<hbm>>
      %dma_wait3A_87 = arith.constant 0 : i32
      %dma_wait3A_88 = arith.constant 0 : i32
      %dma_wait3A_89 = tpu.memref_slice %arg6[%dma_wait3A_87, %dma_wait3A_88] : memref<16x1025xf32, #tpu.memory_space<vmem>> -> memref<16x1024xf32, #tpu.memory_space<vmem>>
      %dma_wait3A_90 = arith.constant 0 : i32
      %dma_wait3A_91 = tpu.memref_slice %arg2[%dma_wait3A_90, %mul3A_81] : memref<16x1000000xf32, #tpu.memory_space<hbm>> -> memref<16x1024xf32, #tpu.memory_space<hbm>>
      tpu.wait_dma2 semaphore(%arg11 : memref<!tpu.dma_semaphore, #tpu.memory_space<semaphore_mem>>) src(%dma_wait3A_91 : memref<16x1024xf32, #tpu.memory_space<hbm>>) dst(%dma_wait3A_89 : memref<16x1024xf32, #tpu.memory_space<vmem>>)
      %scan3A_92 = arith.constant 0 : i32
      %scan3A_93 = arith.constant 0 : i32
      %scan3A_94 = arith.constant 32 : i32
      %scan3A_95 = arith.addi %scan3A_93, %scan3A_94 : i32
      %scan3A_96 = arith.constant 1 : i32
      scf.for %scan3A_106 = %scan3A_93 to %scan3A_95 step %scan3A_96  : i32 {
        %mul3A_107 = arith.constant 32 : i32
        %mul3A_108 = arith.muli %scan3A_106, %mul3A_107 : i32
        %broadcast_in_dim3A = vector.broadcast %mul3A_108 : i32 to vector<16xi32>
        %add3A_109 = arith.constant 0 : i32
        %add3A_110 = vector.broadcast %add3A_109 : i32 to vector<16xi32>
        %add3A_111 = arith.addi %broadcast_in_dim3A, %add3A_110 : vector<16xi32>
        %gather3A = tpu.vector_load_idx %arg6[%iota3A, %add3A_111] : memref<16x1025xf32, #tpu.memory_space<vmem>>[vector<16xi32>, vector<16xi32>], vector<16xf32>,
        %add3A_112 = arith.constant 1 : i32
        %add3A_113 = vector.broadcast %add3A_112 : i32 to vector<16xi32>
        %add3A_114 = arith.addi %broadcast_in_dim3A, %add3A_113 : vector<16xi32>
        %gather3A_115 = tpu.vector_load_idx %arg6[%iota3A, %add3A_114] : memref<16x1025xf32, #tpu.memory_space<vmem>>[vector<16xi32>, vector<16xi32>], vector<16xf32>,
        %add3A_116 = arith.constant 2 : i32
        %add3A_117 = vector.broadcast %add3A_116 : i32 to vector<16xi32>
        %add3A_118 = arith.addi %broadcast_in_dim3A, %add3A_117 : vector<16xi32>
        %gather3A_119 = tpu.vector_load_idx %arg6[%iota3A, %add3A_118] : memref<16x1025xf32, #tpu.memory_space<vmem>>[vector<16xi32>, vector<16xi32>], vector<16xf32>,
        %add3A_120 = arith.constant 3 : i32
        %add3A_121 = vector.broadcast %add3A_120 : i32 to vector<16xi32>
        %add3A_122 = arith.addi %broadcast_in_dim3A, %add3A_121 : vector<16xi32>
        %gather3A_123 = tpu.vector_load_idx %arg6[%iota3A, %add3A_122] : memref<16x1025xf32, #tpu.memory_space<vmem>>[vector<16xi32>, vector<16xi32>], vector<16xf32>,
        %add3A_124 = arith.constant 4 : i32
        %add3A_125 = vector.broadcast %add3A_124 : i32 to vector<16xi32>
        %add3A_126 = arith.addi %broadcast_in_dim3A, %add3A_125 : vector<16xi32>
        %gather3A_127 = tpu.vector_load_idx %arg6[%iota3A, %add3A_126] : memref<16x1025xf32, #tpu.memory_space<vmem>>[vector<16xi32>, vector<16xi32>], vector<16xf32>,
        %add3A_128 = arith.constant 5 : i32
        %add3A_129 = vector.broadcast %add3A_128 : i32 to vector<16xi32>
        %add3A_130 = arith.addi %broadcast_in_dim3A, %add3A_129 : vector<16xi32>
        %gather3A_131 = tpu.vector_load_idx %arg6[%iota3A, %add3A_130] : memref<16x1025xf32, #tpu.memory_space<vmem>>[vector<16xi32>, vector<16xi32>], vector<16xf32>,
        %add3A_132 = arith.constant 6 : i32
        %add3A_133 = vector.broadcast %add3A_132 : i32 to vector<16xi32>
        %add3A_134 = arith.addi %broadcast_in_dim3A, %add3A_133 : vector<16xi32>
        %gather3A_135 = tpu.vector_load_idx %arg6[%iota3A, %add3A_134] : memref<16x1025xf32, #tpu.memory_space<vmem>>[vector<16xi32>, vector<16xi32>], vector<16xf32>,
        %add3A_136 = arith.constant 7 : i32
        %add3A_137 = vector.broadcast %add3A_136 : i32 to vector<16xi32>
        %add3A_138 = arith.addi %broadcast_in_dim3A, %add3A_137 : vector<16xi32>
        %gather3A_139 = tpu.vector_load_idx %arg6[%iota3A, %add3A_138] : memref<16x1025xf32, #tpu.memory_space<vmem>>[vector<16xi32>, vector<16xi32>], vector<16xf32>,
        %add3A_140 = arith.constant 8 : i32
        %add3A_141 = vector.broadcast %add3A_140 : i32 to vector<16xi32>
        %add3A_142 = arith.addi %broadcast_in_dim3A, %add3A_141 : vector<16xi32>
        %gather3A_143 = tpu.vector_load_idx %arg6[%iota3A, %add3A_142] : memref<16x1025xf32, #tpu.memory_space<vmem>>[vector<16xi32>, vector<16xi32>], vector<16xf32>,
        %add3A_144 = arith.constant 9 : i32
        %add3A_145 = vector.broadcast %add3A_144 : i32 to vector<16xi32>
        %add3A_146 = arith.addi %broadcast_in_dim3A, %add3A_145 : vector<16xi32>
        %gather3A_147 = tpu.vector_load_idx %arg6[%iota3A, %add3A_146] : memref<16x1025xf32, #tpu.memory_space<vmem>>[vector<16xi32>, vector<16xi32>], vector<16xf32>,
        %add3A_148 = arith.constant 10 : i32
        %add3A_149 = vector.broadcast %add3A_148 : i32 to vector<16xi32>
        %add3A_150 = arith.addi %broadcast_in_dim3A, %add3A_149 : vector<16xi32>
        %gather3A_151 = tpu.vector_load_idx %arg6[%iota3A, %add3A_150] : memref<16x1025xf32, #tpu.memory_space<vmem>>[vector<16xi32>, vector<16xi32>], vector<16xf32>,
        %add3A_152 = arith.constant 11 : i32
        %add3A_153 = vector.broadcast %add3A_152 : i32 to vector<16xi32>
        %add3A_154 = arith.addi %broadcast_in_dim3A, %add3A_153 : vector<16xi32>
        %gather3A_155 = tpu.vector_load_idx %arg6[%iota3A, %add3A_154] : memref<16x1025xf32, #tpu.memory_space<vmem>>[vector<16xi32>, vector<16xi32>], vector<16xf32>,
        %add3A_156 = arith.constant 12 : i32
        %add3A_157 = vector.broadcast %add3A_156 : i32 to vector<16xi32>
        %add3A_158 = arith.addi %broadcast_in_dim3A, %add3A_157 : vector<16xi32>
        %gather3A_159 = tpu.vector_load_idx %arg6[%iota3A, %add3A_158] : memref<16x1025xf32, #tpu.memory_space<vmem>>[vector<16xi32>, vector<16xi32>], vector<16xf32>,
        %add3A_160 = arith.constant 13 : i32
        %add3A_161 = vector.broadcast %add3A_160 : i32 to vector<16xi32>
        %add3A_162 = arith.addi %broadcast_in_dim3A, %add3A_161 : vector<16xi32>
        %gather3A_163 = tpu.vector_load_idx %arg6[%iota3A, %add3A_162] : memref<16x1025xf32, #tpu.memory_space<vmem>>[vector<16xi32>, vector<16xi32>], vector<16xf32>,
        %add3A_164 = arith.constant 14 : i32
        %add3A_165 = vector.broadcast %add3A_164 : i32 to vector<16xi32>
        %add3A_166 = arith.addi %broadcast_in_dim3A, %add3A_165 : vector<16xi32>
        %gather3A_167 = tpu.vector_load_idx %arg6[%iota3A, %add3A_166] : memref<16x1025xf32, #tpu.memory_space<vmem>>[vector<16xi32>, vector<16xi32>], vector<16xf32>,
        %add3A_168 = arith.constant 15 : i32
        %add3A_169 = vector.broadcast %add3A_168 : i32 to vector<16xi32>
        %add3A_170 = arith.addi %broadcast_in_dim3A, %add3A_169 : vector<16xi32>
        %gather3A_171 = tpu.vector_load_idx %arg6[%iota3A, %add3A_170] : memref<16x1025xf32, #tpu.memory_space<vmem>>[vector<16xi32>, vector<16xi32>], vector<16xf32>,
        %mul3A_172 = arith.constant 32 : i32
        %mul3A_173 = arith.muli %scan3A_106, %mul3A_172 : i32
        %add3A_174 = arith.constant 0 : i32
        %add3A_175 = arith.addi %mul3A_173, %add3A_174 : i32
        %add3A_176 = arith.constant 0 : i32
        %add3A_177 = arith.addi %add3A_175, %add3A_176 : i32
        %mul3A_178 = arith.constant 16 : i32
        %mul3A_179 = arith.muli %add3A_177, %mul3A_178 : i32
        %swap3A = arith.index_cast %mul3A_179 : i32 to index
        %swap3A_180 = tpu.vector_load %arg8[%swap3A] {strides = array<i32>} : memref<16384xf32, #tpu.memory_space<vmem>>, vector<16xf32>,
        tpu.vector_store %arg8[%swap3A], %gather3A {strides = array<i32>} : memref<16384xf32, #tpu.memory_space<vmem>>, vector<16xf32>,
        %mul3A_181 = arith.constant 32 : i32
        %mul3A_182 = arith.muli %scan3A_106, %mul3A_181 : i32
        %add3A_183 = arith.constant 0 : i32
        %add3A_184 = arith.addi %mul3A_182, %add3A_183 : i32
        %add3A_185 = arith.constant 1 : i32
        %add3A_186 = arith.addi %add3A_184, %add3A_185 : i32
        %mul3A_187 = arith.constant 16 : i32
        %mul3A_188 = arith.muli %add3A_186, %mul3A_187 : i32
        %swap3A_189 = arith.index_cast %mul3A_188 : i32 to index
        %swap3A_190 = tpu.vector_load %arg8[%swap3A_189] {strides = array<i32>} : memref<16384xf32, #tpu.memory_space<vmem>>, vector<16xf32>,
        tpu.vector_store %arg8[%swap3A_189], %gather3A_115 {strides = array<i32>} : memref<16384xf32, #tpu.memory_space<vmem>>, vector<16xf32>,
        %mul3A_191 = arith.constant 32 : i32
        %mul3A_192 = arith.muli %scan3A_106, %mul3A_191 : i32
        %add3A_193 = arith.constant 0 : i32
        %add3A_194 = arith.addi %mul3A_192, %add3A_193 : i32
        %add3A_195 = arith.constant 2 : i32
        %add3A_196 = arith.addi %add3A_194, %add3A_195 : i32
        %mul3A_197 = arith.constant 16 : i32
        %mul3A_198 = arith.muli %add3A_196, %mul3A_197 : i32
        %swap3A_199 = arith.index_cast %mul3A_198 : i32 to index
        %swap3A_200 = tpu.vector_load %arg8[%swap3A_199] {strides = array<i32>} : memref<16384xf32, #tpu.memory_space<vmem>>, vector<16xf32>,
        tpu.vector_store %arg8[%swap3A_199], %gather3A_119 {strides = array<i32>} : memref<16384xf32, #tpu.memory_space<vmem>>, vector<16xf32>,
        %mul3A_201 = arith.constant 32 : i32
        %mul3A_202 = arith.muli %scan3A_106, %mul3A_201 : i32
        %add3A_203 = arith.constant 0 : i32
        %add3A_204 = arith.addi %mul3A_202, %add3A_203 : i32
        %add3A_205 = arith.constant 3 : i32
        %add3A_206 = arith.addi %add3A_204, %add3A_205 : i32
        %mul3A_207 = arith.constant 16 : i32
        %mul3A_208 = arith.muli %add3A_206, %mul3A_207 : i32
        %swap3A_209 = arith.index_cast %mul3A_208 : i32 to index
        %swap3A_210 = tpu.vector_load %arg8[%swap3A_209] {strides = array<i32>} : memref<16384xf32, #tpu.memory_space<vmem>>, vector<16xf32>,
        tpu.vector_store %arg8[%swap3A_209], %gather3A_123 {strides = array<i32>} : memref<16384xf32, #tpu.memory_space<vmem>>, vector<16xf32>,
        %mul3A_211 = arith.constant 32 : i32
        %mul3A_212 = arith.muli %scan3A_106, %mul3A_211 : i32
        %add3A_213 = arith.constant 0 : i32
        %add3A_214 = arith.addi %mul3A_212, %add3A_213 : i32
        %add3A_215 = arith.constant 4 : i32
        %add3A_216 = arith.addi %add3A_214, %add3A_215 : i32
        %mul3A_217 = arith.constant 16 : i32
        %mul3A_218 = arith.muli %add3A_216, %mul3A_217 : i32
        %swap3A_219 = arith.index_cast %mul3A_218 : i32 to index
        %swap3A_220 = tpu.vector_load %arg8[%swap3A_219] {strides = array<i32>} : memref<16384xf32, #tpu.memory_space<vmem>>, vector<16xf32>,
        tpu.vector_store %arg8[%swap3A_219], %gather3A_127 {strides = array<i32>} : memref<16384xf32, #tpu.memory_space<vmem>>, vector<16xf32>,
        %mul3A_221 = arith.constant 32 : i32
        %mul3A_222 = arith.muli %scan3A_106, %mul3A_221 : i32
        %add3A_223 = arith.constant 0 : i32
        %add3A_224 = arith.addi %mul3A_222, %add3A_223 : i32
        %add3A_225 = arith.constant 5 : i32
        %add3A_226 = arith.addi %add3A_224, %add3A_225 : i32
        %mul3A_227 = arith.constant 16 : i32
        %mul3A_228 = arith.muli %add3A_226, %mul3A_227 : i32
        %swap3A_229 = arith.index_cast %mul3A_228 : i32 to index
        %swap3A_230 = tpu.vector_load %arg8[%swap3A_229] {strides = array<i32>} : memref<16384xf32, #tpu.memory_space<vmem>>, vector<16xf32>,
        tpu.vector_store %arg8[%swap3A_229], %gather3A_131 {strides = array<i32>} : memref<16384xf32, #tpu.memory_space<vmem>>, vector<16xf32>,
        %mul3A_231 = arith.constant 32 : i32
        %mul3A_232 = arith.muli %scan3A_106, %mul3A_231 : i32
        %add3A_233 = arith.constant 0 : i32
        %add3A_234 = arith.addi %mul3A_232, %add3A_233 : i32
        %add3A_235 = arith.constant 6 : i32
        %add3A_236 = arith.addi %add3A_234, %add3A_235 : i32
        %mul3A_237 = arith.constant 16 : i32
        %mul3A_238 = arith.muli %add3A_236, %mul3A_237 : i32
        %swap3A_239 = arith.index_cast %mul3A_238 : i32 to index
        %swap3A_240 = tpu.vector_load %arg8[%swap3A_239] {strides = array<i32>} : memref<16384xf32, #tpu.memory_space<vmem>>, vector<16xf32>,
        tpu.vector_store %arg8[%swap3A_239], %gather3A_135 {strides = array<i32>} : memref<16384xf32, #tpu.memory_space<vmem>>, vector<16xf32>,
        %mul3A_241 = arith.constant 32 : i32
        %mul3A_242 = arith.muli %scan3A_106, %mul3A_241 : i32
        %add3A_243 = arith.constant 0 : i32
        %add3A_244 = arith.addi %mul3A_242, %add3A_243 : i32
        %add3A_245 = arith.constant 7 : i32
        %add3A_246 = arith.addi %add3A_244, %add3A_245 : i32
        %mul3A_247 = arith.constant 16 : i32
        %mul3A_248 = arith.muli %add3A_246, %mul3A_247 : i32
        %swap3A_249 = arith.index_cast %mul3A_248 : i32 to index
        %swap3A_250 = tpu.vector_load %arg8[%swap3A_249] {strides = array<i32>} : memref<16384xf32, #tpu.memory_space<vmem>>, vector<16xf32>,
        tpu.vector_store %arg8[%swap3A_249], %gather3A_139 {strides = array<i32>} : memref<16384xf32, #tpu.memory_space<vmem>>, vector<16xf32>,
        %mul3A_251 = arith.constant 32 : i32
        %mul3A_252 = arith.muli %scan3A_106, %mul3A_251 : i32
        %add3A_253 = arith.constant 0 : i32
        %add3A_254 = arith.addi %mul3A_252, %add3A_253 : i32
        %add3A_255 = arith.constant 8 : i32
        %add3A_256 = arith.addi %add3A_254, %add3A_255 : i32
        %mul3A_257 = arith.constant 16 : i32
        %mul3A_258 = arith.muli %add3A_256, %mul3A_257 : i32
        %swap3A_259 = arith.index_cast %mul3A_258 : i32 to index
        %swap3A_260 = tpu.vector_load %arg8[%swap3A_259] {strides = array<i32>} : memref<16384xf32, #tpu.memory_space<vmem>>, vector<16xf32>,
        tpu.vector_store %arg8[%swap3A_259], %gather3A_143 {strides = array<i32>} : memref<16384xf32, #tpu.memory_space<vmem>>, vector<16xf32>,
        %mul3A_261 = arith.constant 32 : i32
        %mul3A_262 = arith.muli %scan3A_106, %mul3A_261 : i32
        %add3A_263 = arith.constant 0 : i32
        %add3A_264 = arith.addi %mul3A_262, %add3A_263 : i32
        %add3A_265 = arith.constant 9 : i32
        %add3A_266 = arith.addi %add3A_264, %add3A_265 : i32
        %mul3A_267 = arith.constant 16 : i32
        %mul3A_268 = arith.muli %add3A_266, %mul3A_267 : i32
        %swap3A_269 = arith.index_cast %mul3A_268 : i32 to index
        %swap3A_270 = tpu.vector_load %arg8[%swap3A_269] {strides = array<i32>} : memref<16384xf32, #tpu.memory_space<vmem>>, vector<16xf32>,
        tpu.vector_store %arg8[%swap3A_269], %gather3A_147 {strides = array<i32>} : memref<16384xf32, #tpu.memory_space<vmem>>, vector<16xf32>,
        %mul3A_271 = arith.constant 32 : i32
        %mul3A_272 = arith.muli %scan3A_106, %mul3A_271 : i32
        %add3A_273 = arith.constant 0 : i32
        %add3A_274 = arith.addi %mul3A_272, %add3A_273 : i32
        %add3A_275 = arith.constant 10 : i32
        %add3A_276 = arith.addi %add3A_274, %add3A_275 : i32
        %mul3A_277 = arith.constant 16 : i32
        %mul3A_278 = arith.muli %add3A_276, %mul3A_277 : i32
        %swap3A_279 = arith.index_cast %mul3A_278 : i32 to index
        %swap3A_280 = tpu.vector_load %arg8[%swap3A_279] {strides = array<i32>} : memref<16384xf32, #tpu.memory_space<vmem>>, vector<16xf32>,
        tpu.vector_store %arg8[%swap3A_279], %gather3A_151 {strides = array<i32>} : memref<16384xf32, #tpu.memory_space<vmem>>, vector<16xf32>,
        %mul3A_281 = arith.constant 32 : i32
        %mul3A_282 = arith.muli %scan3A_106, %mul3A_281 : i32
        %add3A_283 = arith.constant 0 : i32
        %add3A_284 = arith.addi %mul3A_282, %add3A_283 : i32
        %add3A_285 = arith.constant 11 : i32
        %add3A_286 = arith.addi %add3A_284, %add3A_285 : i32
        %mul3A_287 = arith.constant 16 : i32
        %mul3A_288 = arith.muli %add3A_286, %mul3A_287 : i32
        %swap3A_289 = arith.index_cast %mul3A_288 : i32 to index
        %swap3A_290 = tpu.vector_load %arg8[%swap3A_289] {strides = array<i32>} : memref<16384xf32, #tpu.memory_space<vmem>>, vector<16xf32>,
        tpu.vector_store %arg8[%swap3A_289], %gather3A_155 {strides = array<i32>} : memref<16384xf32, #tpu.memory_space<vmem>>, vector<16xf32>,
        %mul3A_291 = arith.constant 32 : i32
        %mul3A_292 = arith.muli %scan3A_106, %mul3A_291 : i32
        %add3A_293 = arith.constant 0 : i32
        %add3A_294 = arith.addi %mul3A_292, %add3A_293 : i32
        %add3A_295 = arith.constant 12 : i32
        %add3A_296 = arith.addi %add3A_294, %add3A_295 : i32
        %mul3A_297 = arith.constant 16 : i32
        %mul3A_298 = arith.muli %add3A_296, %mul3A_297 : i32
        %swap3A_299 = arith.index_cast %mul3A_298 : i32 to index
        %swap3A_300 = tpu.vector_load %arg8[%swap3A_299] {strides = array<i32>} : memref<16384xf32, #tpu.memory_space<vmem>>, vector<16xf32>,
        tpu.vector_store %arg8[%swap3A_299], %gather3A_159 {strides = array<i32>} : memref<16384xf32, #tpu.memory_space<vmem>>, vector<16xf32>,
        %mul3A_301 = arith.constant 32 : i32
        %mul3A_302 = arith.muli %scan3A_106, %mul3A_301 : i32
        %add3A_303 = arith.constant 0 : i32
        %add3A_304 = arith.addi %mul3A_302, %add3A_303 : i32
        %add3A_305 = arith.constant 13 : i32
        %add3A_306 = arith.addi %add3A_304, %add3A_305 : i32
        %mul3A_307 = arith.constant 16 : i32
        %mul3A_308 = arith.muli %add3A_306, %mul3A_307 : i32
        %swap3A_309 = arith.index_cast %mul3A_308 : i32 to index
        %swap3A_310 = tpu.vector_load %arg8[%swap3A_309] {strides = array<i32>} : memref<16384xf32, #tpu.memory_space<vmem>>, vector<16xf32>,
        tpu.vector_store %arg8[%swap3A_309], %gather3A_163 {strides = array<i32>} : memref<16384xf32, #tpu.memory_space<vmem>>, vector<16xf32>,
        %mul3A_311 = arith.constant 32 : i32
        %mul3A_312 = arith.muli %scan3A_106, %mul3A_311 : i32
        %add3A_313 = arith.constant 0 : i32
        %add3A_314 = arith.addi %mul3A_312, %add3A_313 : i32
        %add3A_315 = arith.constant 14 : i32
        %add3A_316 = arith.addi %add3A_314, %add3A_315 : i32
        %mul3A_317 = arith.constant 16 : i32
        %mul3A_318 = arith.muli %add3A_316, %mul3A_317 : i32
        %swap3A_319 = arith.index_cast %mul3A_318 : i32 to index
        %swap3A_320 = tpu.vector_load %arg8[%swap3A_319] {strides = array<i32>} : memref<16384xf32, #tpu.memory_space<vmem>>, vector<16xf32>,
        tpu.vector_store %arg8[%swap3A_319], %gather3A_167 {strides = array<i32>} : memref<16384xf32, #tpu.memory_space<vmem>>, vector<16xf32>,
        %mul3A_321 = arith.constant 32 : i32
        %mul3A_322 = arith.muli %scan3A_106, %mul3A_321 : i32
        %add3A_323 = arith.constant 0 : i32
        %add3A_324 = arith.addi %mul3A_322, %add3A_323 : i32
        %add3A_325 = arith.constant 15 : i32
        %add3A_326 = arith.addi %add3A_324, %add3A_325 : i32
        %mul3A_327 = arith.constant 16 : i32
        %mul3A_328 = arith.muli %add3A_326, %mul3A_327 : i32
        %swap3A_329 = arith.index_cast %mul3A_328 : i32 to index
        %swap3A_330 = tpu.vector_load %arg8[%swap3A_329] {strides = array<i32>} : memref<16384xf32, #tpu.memory_space<vmem>>, vector<16xf32>,
        tpu.vector_store %arg8[%swap3A_329], %gather3A_171 {strides = array<i32>} : memref<16384xf32, #tpu.memory_space<vmem>>, vector<16xf32>,
        %add3A_331 = arith.constant 16 : i32
        %add3A_332 = vector.broadcast %add3A_331 : i32 to vector<16xi32>
        %add3A_333 = arith.addi %broadcast_in_dim3A, %add3A_332 : vector<16xi32>
        %gather3A_334 = tpu.vector_load_idx %arg6[%iota3A, %add3A_333] : memref<16x1025xf32, #tpu.memory_space<vmem>>[vector<16xi32>, vector<16xi32>], vector<16xf32>,
        %add3A_335 = arith.constant 17 : i32
        %add3A_336 = vector.broadcast %add3A_335 : i32 to vector<16xi32>
        %add3A_337 = arith.addi %broadcast_in_dim3A, %add3A_336 : vector<16xi32>
        %gather3A_338 = tpu.vector_load_idx %arg6[%iota3A, %add3A_337] : memref<16x1025xf32, #tpu.memory_space<vmem>>[vector<16xi32>, vector<16xi32>], vector<16xf32>,
        %add3A_339 = arith.constant 18 : i32
        %add3A_340 = vector.broadcast %add3A_339 : i32 to vector<16xi32>
        %add3A_341 = arith.addi %broadcast_in_dim3A, %add3A_340 : vector<16xi32>
        %gather3A_342 = tpu.vector_load_idx %arg6[%iota3A, %add3A_341] : memref<16x1025xf32, #tpu.memory_space<vmem>>[vector<16xi32>, vector<16xi32>], vector<16xf32>,
        %add3A_343 = arith.constant 19 : i32
        %add3A_344 = vector.broadcast %add3A_343 : i32 to vector<16xi32>
        %add3A_345 = arith.addi %broadcast_in_dim3A, %add3A_344 : vector<16xi32>
        %gather3A_346 = tpu.vector_load_idx %arg6[%iota3A, %add3A_345] : memref<16x1025xf32, #tpu.memory_space<vmem>>[vector<16xi32>, vector<16xi32>], vector<16xf32>,
        %add3A_347 = arith.constant 20 : i32
        %add3A_348 = vector.broadcast %add3A_347 : i32 to vector<16xi32>
        %add3A_349 = arith.addi %broadcast_in_dim3A, %add3A_348 : vector<16xi32>
        %gather3A_350 = tpu.vector_load_idx %arg6[%iota3A, %add3A_349] : memref<16x1025xf32, #tpu.memory_space<vmem>>[vector<16xi32>, vector<16xi32>], vector<16xf32>,
        %add3A_351 = arith.constant 21 : i32
        %add3A_352 = vector.broadcast %add3A_351 : i32 to vector<16xi32>
        %add3A_353 = arith.addi %broadcast_in_dim3A, %add3A_352 : vector<16xi32>
        %gather3A_354 = tpu.vector_load_idx %arg6[%iota3A, %add3A_353] : memref<16x1025xf32, #tpu.memory_space<vmem>>[vector<16xi32>, vector<16xi32>], vector<16xf32>,
        %add3A_355 = arith.constant 22 : i32
        %add3A_356 = vector.broadcast %add3A_355 : i32 to vector<16xi32>
        %add3A_357 = arith.addi %broadcast_in_dim3A, %add3A_356 : vector<16xi32>
        %gather3A_358 = tpu.vector_load_idx %arg6[%iota3A, %add3A_357] : memref<16x1025xf32, #tpu.memory_space<vmem>>[vector<16xi32>, vector<16xi32>], vector<16xf32>,
        %add3A_359 = arith.constant 23 : i32
        %add3A_360 = vector.broadcast %add3A_359 : i32 to vector<16xi32>
        %add3A_361 = arith.addi %broadcast_in_dim3A, %add3A_360 : vector<16xi32>
        %gather3A_362 = tpu.vector_load_idx %arg6[%iota3A, %add3A_361] : memref<16x1025xf32, #tpu.memory_space<vmem>>[vector<16xi32>, vector<16xi32>], vector<16xf32>,
        %add3A_363 = arith.constant 24 : i32
        %add3A_364 = vector.broadcast %add3A_363 : i32 to vector<16xi32>
        %add3A_365 = arith.addi %broadcast_in_dim3A, %add3A_364 : vector<16xi32>
        %gather3A_366 = tpu.vector_load_idx %arg6[%iota3A, %add3A_365] : memref<16x1025xf32, #tpu.memory_space<vmem>>[vector<16xi32>, vector<16xi32>], vector<16xf32>,
        %add3A_367 = arith.constant 25 : i32
        %add3A_368 = vector.broadcast %add3A_367 : i32 to vector<16xi32>
        %add3A_369 = arith.addi %broadcast_in_dim3A, %add3A_368 : vector<16xi32>
        %gather3A_370 = tpu.vector_load_idx %arg6[%iota3A, %add3A_369] : memref<16x1025xf32, #tpu.memory_space<vmem>>[vector<16xi32>, vector<16xi32>], vector<16xf32>,
        %add3A_371 = arith.constant 26 : i32
        %add3A_372 = vector.broadcast %add3A_371 : i32 to vector<16xi32>
        %add3A_373 = arith.addi %broadcast_in_dim3A, %add3A_372 : vector<16xi32>
        %gather3A_374 = tpu.vector_load_idx %arg6[%iota3A, %add3A_373] : memref<16x1025xf32, #tpu.memory_space<vmem>>[vector<16xi32>, vector<16xi32>], vector<16xf32>,
        %add3A_375 = arith.constant 27 : i32
        %add3A_376 = vector.broadcast %add3A_375 : i32 to vector<16xi32>
        %add3A_377 = arith.addi %broadcast_in_dim3A, %add3A_376 : vector<16xi32>
        %gather3A_378 = tpu.vector_load_idx %arg6[%iota3A, %add3A_377] : memref<16x1025xf32, #tpu.memory_space<vmem>>[vector<16xi32>, vector<16xi32>], vector<16xf32>,
        %add3A_379 = arith.constant 28 : i32
        %add3A_380 = vector.broadcast %add3A_379 : i32 to vector<16xi32>
        %add3A_381 = arith.addi %broadcast_in_dim3A, %add3A_380 : vector<16xi32>
        %gather3A_382 = tpu.vector_load_idx %arg6[%iota3A, %add3A_381] : memref<16x1025xf32, #tpu.memory_space<vmem>>[vector<16xi32>, vector<16xi32>], vector<16xf32>,
        %add3A_383 = arith.constant 29 : i32
        %add3A_384 = vector.broadcast %add3A_383 : i32 to vector<16xi32>
        %add3A_385 = arith.addi %broadcast_in_dim3A, %add3A_384 : vector<16xi32>
        %gather3A_386 = tpu.vector_load_idx %arg6[%iota3A, %add3A_385] : memref<16x1025xf32, #tpu.memory_space<vmem>>[vector<16xi32>, vector<16xi32>], vector<16xf32>,
        %add3A_387 = arith.constant 30 : i32
        %add3A_388 = vector.broadcast %add3A_387 : i32 to vector<16xi32>
        %add3A_389 = arith.addi %broadcast_in_dim3A, %add3A_388 : vector<16xi32>
        %gather3A_390 = tpu.vector_load_idx %arg6[%iota3A, %add3A_389] : memref<16x1025xf32, #tpu.memory_space<vmem>>[vector<16xi32>, vector<16xi32>], vector<16xf32>,
        %add3A_391 = arith.constant 31 : i32
        %add3A_392 = vector.broadcast %add3A_391 : i32 to vector<16xi32>
        %add3A_393 = arith.addi %broadcast_in_dim3A, %add3A_392 : vector<16xi32>
        %gather3A_394 = tpu.vector_load_idx %arg6[%iota3A, %add3A_393] : memref<16x1025xf32, #tpu.memory_space<vmem>>[vector<16xi32>, vector<16xi32>], vector<16xf32>,
        %mul3A_395 = arith.constant 32 : i32
        %mul3A_396 = arith.muli %scan3A_106, %mul3A_395 : i32
        %add3A_397 = arith.constant 16 : i32
        %add3A_398 = arith.addi %mul3A_396, %add3A_397 : i32
        %add3A_399 = arith.constant 0 : i32
        %add3A_400 = arith.addi %add3A_398, %add3A_399 : i32
        %mul3A_401 = arith.constant 16 : i32
        %mul3A_402 = arith.muli %add3A_400, %mul3A_401 : i32
        %swap3A_403 = arith.index_cast %mul3A_402 : i32 to index
        %swap3A_404 = tpu.vector_load %arg8[%swap3A_403] {strides = array<i32>} : memref<16384xf32, #tpu.memory_space<vmem>>, vector<16xf32>,
        tpu.vector_store %arg8[%swap3A_403], %gather3A_334 {strides = array<i32>} : memref<16384xf32, #tpu.memory_space<vmem>>, vector<16xf32>,
        %mul3A_405 = arith.constant 32 : i32
        %mul3A_406 = arith.muli %scan3A_106, %mul3A_405 : i32
        %add3A_407 = arith.constant 16 : i32
        %add3A_408 = arith.addi %mul3A_406, %add3A_407 : i32
        %add3A_409 = arith.constant 1 : i32
        %add3A_410 = arith.addi %add3A_408, %add3A_409 : i32
        %mul3A_411 = arith.constant 16 : i32
        %mul3A_412 = arith.muli %add3A_410, %mul3A_411 : i32
        %swap3A_413 = arith.index_cast %mul3A_412 : i32 to index
        %swap3A_414 = tpu.vector_load %arg8[%swap3A_413] {strides = array<i32>} : memref<16384xf32, #tpu.memory_space<vmem>>, vector<16xf32>,
        tpu.vector_store %arg8[%swap3A_413], %gather3A_338 {strides = array<i32>} : memref<16384xf32, #tpu.memory_space<vmem>>, vector<16xf32>,
        %mul3A_415 = arith.constant 32 : i32
        %mul3A_416 = arith.muli %scan3A_106, %mul3A_415 : i32
        %add3A_417 = arith.constant 16 : i32
        %add3A_418 = arith.addi %mul3A_416, %add3A_417 : i32
        %add3A_419 = arith.constant 2 : i32
        %add3A_420 = arith.addi %add3A_418, %add3A_419 : i32
        %mul3A_421 = arith.constant 16 : i32
        %mul3A_422 = arith.muli %add3A_420, %mul3A_421 : i32
        %swap3A_423 = arith.index_cast %mul3A_422 : i32 to index
        %swap3A_424 = tpu.vector_load %arg8[%swap3A_423] {strides = array<i32>} : memref<16384xf32, #tpu.memory_space<vmem>>, vector<16xf32>,
        tpu.vector_store %arg8[%swap3A_423], %gather3A_342 {strides = array<i32>} : memref<16384xf32, #tpu.memory_space<vmem>>, vector<16xf32>,
        %mul3A_425 = arith.constant 32 : i32
        %mul3A_426 = arith.muli %scan3A_106, %mul3A_425 : i32
        %add3A_427 = arith.constant 16 : i32
        %add3A_428 = arith.addi %mul3A_426, %add3A_427 : i32
        %add3A_429 = arith.constant 3 : i32
        %add3A_430 = arith.addi %add3A_428, %add3A_429 : i32
        %mul3A_431 = arith.constant 16 : i32
        %mul3A_432 = arith.muli %add3A_430, %mul3A_431 : i32
        %swap3A_433 = arith.index_cast %mul3A_432 : i32 to index
        %swap3A_434 = tpu.vector_load %arg8[%swap3A_433] {strides = array<i32>} : memref<16384xf32, #tpu.memory_space<vmem>>, vector<16xf32>,
        tpu.vector_store %arg8[%swap3A_433], %gather3A_346 {strides = array<i32>} : memref<16384xf32, #tpu.memory_space<vmem>>, vector<16xf32>,
        %mul3A_435 = arith.constant 32 : i32
        %mul3A_436 = arith.muli %scan3A_106, %mul3A_435 : i32
        %add3A_437 = arith.constant 16 : i32
        %add3A_438 = arith.addi %mul3A_436, %add3A_437 : i32
        %add3A_439 = arith.constant 4 : i32
        %add3A_440 = arith.addi %add3A_438, %add3A_439 : i32
        %mul3A_441 = arith.constant 16 : i32
        %mul3A_442 = arith.muli %add3A_440, %mul3A_441 : i32
        %swap3A_443 = arith.index_cast %mul3A_442 : i32 to index
        %swap3A_444 = tpu.vector_load %arg8[%swap3A_443] {strides = array<i32>} : memref<16384xf32, #tpu.memory_space<vmem>>, vector<16xf32>,
        tpu.vector_store %arg8[%swap3A_443], %gather3A_350 {strides = array<i32>} : memref<16384xf32, #tpu.memory_space<vmem>>, vector<16xf32>,
        %mul3A_445 = arith.constant 32 : i32
        %mul3A_446 = arith.muli %scan3A_106, %mul3A_445 : i32
        %add3A_447 = arith.constant 16 : i32
        %add3A_448 = arith.addi %mul3A_446, %add3A_447 : i32
        %add3A_449 = arith.constant 5 : i32
        %add3A_450 = arith.addi %add3A_448, %add3A_449 : i32
        %mul3A_451 = arith.constant 16 : i32
        %mul3A_452 = arith.muli %add3A_450, %mul3A_451 : i32
        %swap3A_453 = arith.index_cast %mul3A_452 : i32 to index
        %swap3A_454 = tpu.vector_load %arg8[%swap3A_453] {strides = array<i32>} : memref<16384xf32, #tpu.memory_space<vmem>>, vector<16xf32>,
        tpu.vector_store %arg8[%swap3A_453], %gather3A_354 {strides = array<i32>} : memref<16384xf32, #tpu.memory_space<vmem>>, vector<16xf32>,
        %mul3A_455 = arith.constant 32 : i32
        %mul3A_456 = arith.muli %scan3A_106, %mul3A_455 : i32
        %add3A_457 = arith.constant 16 : i32
        %add3A_458 = arith.addi %mul3A_456, %add3A_457 : i32
        %add3A_459 = arith.constant 6 : i32
        %add3A_460 = arith.addi %add3A_458, %add3A_459 : i32
        %mul3A_461 = arith.constant 16 : i32
        %mul3A_462 = arith.muli %add3A_460, %mul3A_461 : i32
        %swap3A_463 = arith.index_cast %mul3A_462 : i32 to index
        %swap3A_464 = tpu.vector_load %arg8[%swap3A_463] {strides = array<i32>} : memref<16384xf32, #tpu.memory_space<vmem>>, vector<16xf32>,
        tpu.vector_store %arg8[%swap3A_463], %gather3A_358 {strides = array<i32>} : memref<16384xf32, #tpu.memory_space<vmem>>, vector<16xf32>,
        %mul3A_465 = arith.constant 32 : i32
        %mul3A_466 = arith.muli %scan3A_106, %mul3A_465 : i32
        %add3A_467 = arith.constant 16 : i32
        %add3A_468 = arith.addi %mul3A_466, %add3A_467 : i32
        %add3A_469 = arith.constant 7 : i32
        %add3A_470 = arith.addi %add3A_468, %add3A_469 : i32
        %mul3A_471 = arith.constant 16 : i32
        %mul3A_472 = arith.muli %add3A_470, %mul3A_471 : i32
        %swap3A_473 = arith.index_cast %mul3A_472 : i32 to index
        %swap3A_474 = tpu.vector_load %arg8[%swap3A_473] {strides = array<i32>} : memref<16384xf32, #tpu.memory_space<vmem>>, vector<16xf32>,
        tpu.vector_store %arg8[%swap3A_473], %gather3A_362 {strides = array<i32>} : memref<16384xf32, #tpu.memory_space<vmem>>, vector<16xf32>,
        %mul3A_475 = arith.constant 32 : i32
        %mul3A_476 = arith.muli %scan3A_106, %mul3A_475 : i32
        %add3A_477 = arith.constant 16 : i32
        %add3A_478 = arith.addi %mul3A_476, %add3A_477 : i32
        %add3A_479 = arith.constant 8 : i32
        %add3A_480 = arith.addi %add3A_478, %add3A_479 : i32
        %mul3A_481 = arith.constant 16 : i32
        %mul3A_482 = arith.muli %add3A_480, %mul3A_481 : i32
        %swap3A_483 = arith.index_cast %mul3A_482 : i32 to index
        %swap3A_484 = tpu.vector_load %arg8[%swap3A_483] {strides = array<i32>} : memref<16384xf32, #tpu.memory_space<vmem>>, vector<16xf32>,
        tpu.vector_store %arg8[%swap3A_483], %gather3A_366 {strides = array<i32>} : memref<16384xf32, #tpu.memory_space<vmem>>, vector<16xf32>,
        %mul3A_485 = arith.constant 32 : i32
        %mul3A_486 = arith.muli %scan3A_106, %mul3A_485 : i32
        %add3A_487 = arith.constant 16 : i32
        %add3A_488 = arith.addi %mul3A_486, %add3A_487 : i32
        %add3A_489 = arith.constant 9 : i32
        %add3A_490 = arith.addi %add3A_488, %add3A_489 : i32
        %mul3A_491 = arith.constant 16 : i32
        %mul3A_492 = arith.muli %add3A_490, %mul3A_491 : i32
        %swap3A_493 = arith.index_cast %mul3A_492 : i32 to index
        %swap3A_494 = tpu.vector_load %arg8[%swap3A_493] {strides = array<i32>} : memref<16384xf32, #tpu.memory_space<vmem>>, vector<16xf32>,
        tpu.vector_store %arg8[%swap3A_493], %gather3A_370 {strides = array<i32>} : memref<16384xf32, #tpu.memory_space<vmem>>, vector<16xf32>,
        %mul3A_495 = arith.constant 32 : i32
        %mul3A_496 = arith.muli %scan3A_106, %mul3A_495 : i32
        %add3A_497 = arith.constant 16 : i32
        %add3A_498 = arith.addi %mul3A_496, %add3A_497 : i32
        %add3A_499 = arith.constant 10 : i32
        %add3A_500 = arith.addi %add3A_498, %add3A_499 : i32
        %mul3A_501 = arith.constant 16 : i32
        %mul3A_502 = arith.muli %add3A_500, %mul3A_501 : i32
        %swap3A_503 = arith.index_cast %mul3A_502 : i32 to index
        %swap3A_504 = tpu.vector_load %arg8[%swap3A_503] {strides = array<i32>} : memref<16384xf32, #tpu.memory_space<vmem>>, vector<16xf32>,
        tpu.vector_store %arg8[%swap3A_503], %gather3A_374 {strides = array<i32>} : memref<16384xf32, #tpu.memory_space<vmem>>, vector<16xf32>,
        %mul3A_505 = arith.constant 32 : i32
        %mul3A_506 = arith.muli %scan3A_106, %mul3A_505 : i32
        %add3A_507 = arith.constant 16 : i32
        %add3A_508 = arith.addi %mul3A_506, %add3A_507 : i32
        %add3A_509 = arith.constant 11 : i32
        %add3A_510 = arith.addi %add3A_508, %add3A_509 : i32
        %mul3A_511 = arith.constant 16 : i32
        %mul3A_512 = arith.muli %add3A_510, %mul3A_511 : i32
        %swap3A_513 = arith.index_cast %mul3A_512 : i32 to index
        %swap3A_514 = tpu.vector_load %arg8[%swap3A_513] {strides = array<i32>} : memref<16384xf32, #tpu.memory_space<vmem>>, vector<16xf32>,
        tpu.vector_store %arg8[%swap3A_513], %gather3A_378 {strides = array<i32>} : memref<16384xf32, #tpu.memory_space<vmem>>, vector<16xf32>,
        %mul3A_515 = arith.constant 32 : i32
        %mul3A_516 = arith.muli %scan3A_106, %mul3A_515 : i32
        %add3A_517 = arith.constant 16 : i32
        %add3A_518 = arith.addi %mul3A_516, %add3A_517 : i32
        %add3A_519 = arith.constant 12 : i32
        %add3A_520 = arith.addi %add3A_518, %add3A_519 : i32
        %mul3A_521 = arith.constant 16 : i32
        %mul3A_522 = arith.muli %add3A_520, %mul3A_521 : i32
        %swap3A_523 = arith.index_cast %mul3A_522 : i32 to index
        %swap3A_524 = tpu.vector_load %arg8[%swap3A_523] {strides = array<i32>} : memref<16384xf32, #tpu.memory_space<vmem>>, vector<16xf32>,
        tpu.vector_store %arg8[%swap3A_523], %gather3A_382 {strides = array<i32>} : memref<16384xf32, #tpu.memory_space<vmem>>, vector<16xf32>,
        %mul3A_525 = arith.constant 32 : i32
        %mul3A_526 = arith.muli %scan3A_106, %mul3A_525 : i32
        %add3A_527 = arith.constant 16 : i32
        %add3A_528 = arith.addi %mul3A_526, %add3A_527 : i32
        %add3A_529 = arith.constant 13 : i32
        %add3A_530 = arith.addi %add3A_528, %add3A_529 : i32
        %mul3A_531 = arith.constant 16 : i32
        %mul3A_532 = arith.muli %add3A_530, %mul3A_531 : i32
        %swap3A_533 = arith.index_cast %mul3A_532 : i32 to index
        %swap3A_534 = tpu.vector_load %arg8[%swap3A_533] {strides = array<i32>} : memref<16384xf32, #tpu.memory_space<vmem>>, vector<16xf32>,
        tpu.vector_store %arg8[%swap3A_533], %gather3A_386 {strides = array<i32>} : memref<16384xf32, #tpu.memory_space<vmem>>, vector<16xf32>,
        %mul3A_535 = arith.constant 32 : i32
        %mul3A_536 = arith.muli %scan3A_106, %mul3A_535 : i32
        %add3A_537 = arith.constant 16 : i32
        %add3A_538 = arith.addi %mul3A_536, %add3A_537 : i32
        %add3A_539 = arith.constant 14 : i32
        %add3A_540 = arith.addi %add3A_538, %add3A_539 : i32
        %mul3A_541 = arith.constant 16 : i32
        %mul3A_542 = arith.muli %add3A_540, %mul3A_541 : i32
        %swap3A_543 = arith.index_cast %mul3A_542 : i32 to index
        %swap3A_544 = tpu.vector_load %arg8[%swap3A_543] {strides = array<i32>} : memref<16384xf32, #tpu.memory_space<vmem>>, vector<16xf32>,
        tpu.vector_store %arg8[%swap3A_543], %gather3A_390 {strides = array<i32>} : memref<16384xf32, #tpu.memory_space<vmem>>, vector<16xf32>,
        %mul3A_545 = arith.constant 32 : i32
        %mul3A_546 = arith.muli %scan3A_106, %mul3A_545 : i32
        %add3A_547 = arith.constant 16 : i32
        %add3A_548 = arith.addi %mul3A_546, %add3A_547 : i32
        %add3A_549 = arith.constant 15 : i32
        %add3A_550 = arith.addi %add3A_548, %add3A_549 : i32
        %mul3A_551 = arith.constant 16 : i32
        %mul3A_552 = arith.muli %add3A_550, %mul3A_551 : i32
        %swap3A_553 = arith.index_cast %mul3A_552 : i32 to index
        %swap3A_554 = tpu.vector_load %arg8[%swap3A_553] {strides = array<i32>} : memref<16384xf32, #tpu.memory_space<vmem>>, vector<16xf32>,
        tpu.vector_store %arg8[%swap3A_553], %gather3A_394 {strides = array<i32>} : memref<16384xf32, #tpu.memory_space<vmem>>, vector<16xf32>,
      }
      %scan3A_97 = arith.constant 32 : i32
      %add3A_98 = arith.constant 32 : i32
      %add3A_99 = arith.addi %add3A, %add3A_98 : i32
      %mul3A_100 = arith.constant 1024 : i32
      %mul3A_101 = arith.muli %add3A_99, %mul3A_100 : i32
      %mul3A_102 = arith.constant 16 : i32
      %mul3A_103 = arith.muli %mul3A_101, %mul3A_102 : i32
      %dma_start3A_104 = tpu.memref_slice %arg4[%mul3A_103] : memref<16000000xf32, #tpu.memory_space<hbm>> -> memref<16384xf32, #tpu.memory_space<hbm>>
      %dma_start3A_105 = tpu.memref_slice %arg4[%mul3A_103] : memref<16000000xf32, #tpu.memory_space<hbm>> -> memref<16384xf32, #tpu.memory_space<hbm>>
      tpu.enqueue_dma source(%arg8 : memref<16384xf32, #tpu.memory_space<vmem>>) target(%dma_start3A_105 : memref<16384xf32, #tpu.memory_space<hbm>>) target_semaphore(%arg13 : memref<!tpu.dma_semaphore, #tpu.memory_space<semaphore_mem>>)
    } else {
    }
    %add3A_46 = arith.constant 96 : i32
    %add3A_47 = arith.addi %add3A, %add3A_46 : i32
    %lt3A_48 = arith.constant 976 : i32
    %lt3A_49 = arith.cmpi slt, %add3A_47, %lt3A_48 : i32
    %and3A_50 = arith.andi %lt3A_42, %lt3A_49 : i1
    %convert_element_type3A_51 = arith.extui %and3A_50 : i1 to i32
    %cond3A_52 = arith.constant 0 : i32
    %cond3A_53 = arith.cmpi ne, %convert_element_type3A_51, %cond3A_52 : i32
    scf.if %cond3A_53 {
      %add3A_78 = arith.constant 96 : i32
      %add3A_79 = arith.addi %add3A, %add3A_78 : i32
      %mul3A_80 = arith.constant 1024 : i32
      %mul3A_81 = arith.muli %add3A_79, %mul3A_80 : i32
      %dma_start3A_82 = arith.constant 0 : i32
      %dma_start3A_83 = arith.constant 0 : i32
      %dma_start3A_84 = tpu.memref_slice %arg6[%dma_start3A_82, %dma_start3A_83] : memref<16x1025xf32, #tpu.memory_space<vmem>> -> memref<16x1024xf32, #tpu.memory_space<vmem>>
      %dma_start3A_85 = arith.constant 0 : i32
      %dma_start3A_86 = tpu.memref_slice %arg2[%dma_start3A_85, %mul3A_81] : memref<16x1000000xf32, #tpu.memory_space<hbm>> -> memref<16x1024xf32, #tpu.memory_space<hbm>>
      %dma_start3A_87 = arith.constant 0 : i32
      %dma_start3A_88 = arith.constant 0 : i32
      %dma_start3A_89 = tpu.memref_slice %arg6[%dma_start3A_87, %dma_start3A_88] : memref<16x1025xf32, #tpu.memory_space<vmem>> -> memref<16x1024xf32, #tpu.memory_space<vmem>>
      %dma_start3A_90 = arith.constant 0 : i32
      %dma_start3A_91 = tpu.memref_slice %arg2[%dma_start3A_90, %mul3A_81] : memref<16x1000000xf32, #tpu.memory_space<hbm>> -> memref<16x1024xf32, #tpu.memory_space<hbm>>
      tpu.enqueue_dma source(%dma_start3A_91 : memref<16x1024xf32, #tpu.memory_space<hbm>>) target(%dma_start3A_89 : memref<16x1024xf32, #tpu.memory_space<vmem>>) target_semaphore(%arg11 : memref<!tpu.dma_semaphore, #tpu.memory_space<semaphore_mem>>)
    } else {
    }
    %scan3A = arith.constant 0 : i32
    %scan3A_54 = arith.constant 0 : i32
    %scan3A_55 = arith.constant 15 : i32
    %scan3A_56 = arith.addi %scan3A_54, %scan3A_55 : i32
    %scan3A_57 = arith.constant 1 : i32
    scf.for %scan3A_78 = %scan3A_54 to %scan3A_56 step %scan3A_57  : i32 {
      %mul3A_79 = arith.constant 2 : i32
      %mul3A_80 = arith.muli %mul3A_79, %scan3A_78 : i32
      %add3A_81 = arith.constant 2 : i32
      %add3A_82 = arith.addi %add3A_81, %mul3A_80 : i32
      %mul3A_83 = arith.constant 32 : i32
      %mul3A_84 = arith.muli %add3A_82, %mul3A_83 : i32
      %add3A_85 = arith.addi %add3A, %mul3A_84 : i32
      %lt3A_86 = arith.constant 976 : i32
      %lt3A_87 = arith.cmpi slt, %add3A_85, %lt3A_86 : i32
      %convert_element_type3A_88 = arith.extui %lt3A_87 : i1 to i32
      %cond3A_89 = arith.constant 0 : i32
      %cond3A_90 = arith.cmpi ne, %convert_element_type3A_88, %cond3A_89 : i32
      scf.if %cond3A_90 {
        %mul3A_125 = arith.constant 32 : i32
        %mul3A_126 = arith.muli %add3A_82, %mul3A_125 : i32
        %add3A_127 = arith.addi %add3A, %mul3A_126 : i32
        %mul3A_128 = arith.constant 1024 : i32
        %mul3A_129 = arith.muli %add3A_127, %mul3A_128 : i32
        %dma_wait3A_130 = arith.constant 0 : i32
        %dma_wait3A_131 = arith.constant 0 : i32
        %dma_wait3A_132 = tpu.memref_slice %arg5[%dma_wait3A_130, %dma_wait3A_131] : memref<16x1025xf32, #tpu.memory_space<vmem>> -> memref<16x1024xf32, #tpu.memory_space<vmem>>
        %dma_wait3A_133 = arith.constant 0 : i32
        %dma_wait3A_134 = tpu.memref_slice %arg2[%dma_wait3A_133, %mul3A_129] : memref<16x1000000xf32, #tpu.memory_space<hbm>> -> memref<16x1024xf32, #tpu.memory_space<hbm>>
        %dma_wait3A_135 = arith.constant 0 : i32
        %dma_wait3A_136 = arith.constant 0 : i32
        %dma_wait3A_137 = tpu.memref_slice %arg5[%dma_wait3A_135, %dma_wait3A_136] : memref<16x1025xf32, #tpu.memory_space<vmem>> -> memref<16x1024xf32, #tpu.memory_space<vmem>>
        %dma_wait3A_138 = arith.constant 0 : i32
        %dma_wait3A_139 = tpu.memref_slice %arg2[%dma_wait3A_138, %mul3A_129] : memref<16x1000000xf32, #tpu.memory_space<hbm>> -> memref<16x1024xf32, #tpu.memory_space<hbm>>
        tpu.wait_dma2 semaphore(%arg10 : memref<!tpu.dma_semaphore, #tpu.memory_space<semaphore_mem>>) src(%dma_wait3A_139 : memref<16x1024xf32, #tpu.memory_space<hbm>>) dst(%dma_wait3A_137 : memref<16x1024xf32, #tpu.memory_space<vmem>>)
        %mul3A_140 = arith.constant 32 : i32
        %mul3A_141 = arith.muli %add3A_82, %mul3A_140 : i32
        %add3A_142 = arith.addi %add3A, %mul3A_141 : i32
        %mul3A_143 = arith.constant 1024 : i32
        %mul3A_144 = arith.muli %add3A_142, %mul3A_143 : i32
        %mul3A_145 = arith.constant 16 : i32
        %mul3A_146 = arith.muli %mul3A_144, %mul3A_145 : i32
        %dma_wait3A_147 = tpu.memref_slice %arg4[%mul3A_146] : memref<16000000xf32, #tpu.memory_space<hbm>> -> memref<16384xf32, #tpu.memory_space<hbm>>
        %dma_wait3A_148 = tpu.memref_slice %arg4[%mul3A_146] : memref<16000000xf32, #tpu.memory_space<hbm>> -> memref<16384xf32, #tpu.memory_space<hbm>>
        tpu.wait_dma2 semaphore(%arg12 : memref<!tpu.dma_semaphore, #tpu.memory_space<semaphore_mem>>) src(%arg7 : memref<16384xf32, #tpu.memory_space<vmem>>) dst(%dma_wait3A_148 : memref<16384xf32, #tpu.memory_space<hbm>>)
        %scan3A_149 = arith.constant 0 : i32
        %scan3A_150 = arith.constant 0 : i32
        %scan3A_151 = arith.constant 32 : i32
        %scan3A_152 = arith.addi %scan3A_150, %scan3A_151 : i32
        %scan3A_153 = arith.constant 1 : i32
        scf.for %scan3A_164 = %scan3A_150 to %scan3A_152 step %scan3A_153  : i32 {
          %mul3A_165 = arith.constant 32 : i32
          %mul3A_166 = arith.muli %scan3A_164, %mul3A_165 : i32
          %broadcast_in_dim3A = vector.broadcast %mul3A_166 : i32 to vector<16xi32>
          %add3A_167 = arith.constant 0 : i32
          %add3A_168 = vector.broadcast %add3A_167 : i32 to vector<16xi32>
          %add3A_169 = arith.addi %broadcast_in_dim3A, %add3A_168 : vector<16xi32>
          %gather3A = tpu.vector_load_idx %arg5[%iota3A, %add3A_169] : memref<16x1025xf32, #tpu.memory_space<vmem>>[vector<16xi32>, vector<16xi32>], vector<16xf32>,
          %add3A_170 = arith.constant 1 : i32
          %add3A_171 = vector.broadcast %add3A_170 : i32 to vector<16xi32>
          %add3A_172 = arith.addi %broadcast_in_dim3A, %add3A_171 : vector<16xi32>
          %gather3A_173 = tpu.vector_load_idx %arg5[%iota3A, %add3A_172] : memref<16x1025xf32, #tpu.memory_space<vmem>>[vector<16xi32>, vector<16xi32>], vector<16xf32>,
          %add3A_174 = arith.constant 2 : i32
          %add3A_175 = vector.broadcast %add3A_174 : i32 to vector<16xi32>
          %add3A_176 = arith.addi %broadcast_in_dim3A, %add3A_175 : vector<16xi32>
          %gather3A_177 = tpu.vector_load_idx %arg5[%iota3A, %add3A_176] : memref<16x1025xf32, #tpu.memory_space<vmem>>[vector<16xi32>, vector<16xi32>], vector<16xf32>,
          %add3A_178 = arith.constant 3 : i32
          %add3A_179 = vector.broadcast %add3A_178 : i32 to vector<16xi32>
          %add3A_180 = arith.addi %broadcast_in_dim3A, %add3A_179 : vector<16xi32>
          %gather3A_181 = tpu.vector_load_idx %arg5[%iota3A, %add3A_180] : memref<16x1025xf32, #tpu.memory_space<vmem>>[vector<16xi32>, vector<16xi32>], vector<16xf32>,
          %add3A_182 = arith.constant 4 : i32
          %add3A_183 = vector.broadcast %add3A_182 : i32 to vector<16xi32>
          %add3A_184 = arith.addi %broadcast_in_dim3A, %add3A_183 : vector<16xi32>
          %gather3A_185 = tpu.vector_load_idx %arg5[%iota3A, %add3A_184] : memref<16x1025xf32, #tpu.memory_space<vmem>>[vector<16xi32>, vector<16xi32>], vector<16xf32>,
          %add3A_186 = arith.constant 5 : i32
          %add3A_187 = vector.broadcast %add3A_186 : i32 to vector<16xi32>
          %add3A_188 = arith.addi %broadcast_in_dim3A, %add3A_187 : vector<16xi32>
          %gather3A_189 = tpu.vector_load_idx %arg5[%iota3A, %add3A_188] : memref<16x1025xf32, #tpu.memory_space<vmem>>[vector<16xi32>, vector<16xi32>], vector<16xf32>,
          %add3A_190 = arith.constant 6 : i32
          %add3A_191 = vector.broadcast %add3A_190 : i32 to vector<16xi32>
          %add3A_192 = arith.addi %broadcast_in_dim3A, %add3A_191 : vector<16xi32>
          %gather3A_193 = tpu.vector_load_idx %arg5[%iota3A, %add3A_192] : memref<16x1025xf32, #tpu.memory_space<vmem>>[vector<16xi32>, vector<16xi32>], vector<16xf32>,
          %add3A_194 = arith.constant 7 : i32
          %add3A_195 = vector.broadcast %add3A_194 : i32 to vector<16xi32>
          %add3A_196 = arith.addi %broadcast_in_dim3A, %add3A_195 : vector<16xi32>
          %gather3A_197 = tpu.vector_load_idx %arg5[%iota3A, %add3A_196] : memref<16x1025xf32, #tpu.memory_space<vmem>>[vector<16xi32>, vector<16xi32>], vector<16xf32>,
          %add3A_198 = arith.constant 8 : i32
          %add3A_199 = vector.broadcast %add3A_198 : i32 to vector<16xi32>
          %add3A_200 = arith.addi %broadcast_in_dim3A, %add3A_199 : vector<16xi32>
          %gather3A_201 = tpu.vector_load_idx %arg5[%iota3A, %add3A_200] : memref<16x1025xf32, #tpu.memory_space<vmem>>[vector<16xi32>, vector<16xi32>], vector<16xf32>,
          %add3A_202 = arith.constant 9 : i32
          %add3A_203 = vector.broadcast %add3A_202 : i32 to vector<16xi32>
          %add3A_204 = arith.addi %broadcast_in_dim3A, %add3A_203 : vector<16xi32>
          %gather3A_205 = tpu.vector_load_idx %arg5[%iota3A, %add3A_204] : memref<16x1025xf32, #tpu.memory_space<vmem>>[vector<16xi32>, vector<16xi32>], vector<16xf32>,
          %add3A_206 = arith.constant 10 : i32
          %add3A_207 = vector.broadcast %add3A_206 : i32 to vector<16xi32>
          %add3A_208 = arith.addi %broadcast_in_dim3A, %add3A_207 : vector<16xi32>
          %gather3A_209 = tpu.vector_load_idx %arg5[%iota3A, %add3A_208] : memref<16x1025xf32, #tpu.memory_space<vmem>>[vector<16xi32>, vector<16xi32>], vector<16xf32>,
          %add3A_210 = arith.constant 11 : i32
          %add3A_211 = vector.broadcast %add3A_210 : i32 to vector<16xi32>
          %add3A_212 = arith.addi %broadcast_in_dim3A, %add3A_211 : vector<16xi32>
          %gather3A_213 = tpu.vector_load_idx %arg5[%iota3A, %add3A_212] : memref<16x1025xf32, #tpu.memory_space<vmem>>[vector<16xi32>, vector<16xi32>], vector<16xf32>,
          %add3A_214 = arith.constant 12 : i32
          %add3A_215 = vector.broadcast %add3A_214 : i32 to vector<16xi32>
          %add3A_216 = arith.addi %broadcast_in_dim3A, %add3A_215 : vector<16xi32>
          %gather3A_217 = tpu.vector_load_idx %arg5[%iota3A, %add3A_216] : memref<16x1025xf32, #tpu.memory_space<vmem>>[vector<16xi32>, vector<16xi32>], vector<16xf32>,
          %add3A_218 = arith.constant 13 : i32
          %add3A_219 = vector.broadcast %add3A_218 : i32 to vector<16xi32>
          %add3A_220 = arith.addi %broadcast_in_dim3A, %add3A_219 : vector<16xi32>
          %gather3A_221 = tpu.vector_load_idx %arg5[%iota3A, %add3A_220] : memref<16x1025xf32, #tpu.memory_space<vmem>>[vector<16xi32>, vector<16xi32>], vector<16xf32>,
          %add3A_222 = arith.constant 14 : i32
          %add3A_223 = vector.broadcast %add3A_222 : i32 to vector<16xi32>
          %add3A_224 = arith.addi %broadcast_in_dim3A, %add3A_223 : vector<16xi32>
          %gather3A_225 = tpu.vector_load_idx %arg5[%iota3A, %add3A_224] : memref<16x1025xf32, #tpu.memory_space<vmem>>[vector<16xi32>, vector<16xi32>], vector<16xf32>,
          %add3A_226 = arith.constant 15 : i32
          %add3A_227 = vector.broadcast %add3A_226 : i32 to vector<16xi32>
          %add3A_228 = arith.addi %broadcast_in_dim3A, %add3A_227 : vector<16xi32>
          %gather3A_229 = tpu.vector_load_idx %arg5[%iota3A, %add3A_228] : memref<16x1025xf32, #tpu.memory_space<vmem>>[vector<16xi32>, vector<16xi32>], vector<16xf32>,
          %mul3A_230 = arith.constant 32 : i32
          %mul3A_231 = arith.muli %scan3A_164, %mul3A_230 : i32
          %add3A_232 = arith.constant 0 : i32
          %add3A_233 = arith.addi %mul3A_231, %add3A_232 : i32
          %add3A_234 = arith.constant 0 : i32
          %add3A_235 = arith.addi %add3A_233, %add3A_234 : i32
          %mul3A_236 = arith.constant 16 : i32
          %mul3A_237 = arith.muli %add3A_235, %mul3A_236 : i32
          %swap3A = arith.index_cast %mul3A_237 : i32 to index
          %swap3A_238 = tpu.vector_load %arg7[%swap3A] {strides = array<i32>} : memref<16384xf32, #tpu.memory_space<vmem>>, vector<16xf32>,
          tpu.vector_store %arg7[%swap3A], %gather3A {strides = array<i32>} : memref<16384xf32, #tpu.memory_space<vmem>>, vector<16xf32>,
          %mul3A_239 = arith.constant 32 : i32
          %mul3A_240 = arith.muli %scan3A_164, %mul3A_239 : i32
          %add3A_241 = arith.constant 0 : i32
          %add3A_242 = arith.addi %mul3A_240, %add3A_241 : i32
          %add3A_243 = arith.constant 1 : i32
          %add3A_244 = arith.addi %add3A_242, %add3A_243 : i32
          %mul3A_245 = arith.constant 16 : i32
          %mul3A_246 = arith.muli %add3A_244, %mul3A_245 : i32
          %swap3A_247 = arith.index_cast %mul3A_246 : i32 to index
          %swap3A_248 = tpu.vector_load %arg7[%swap3A_247] {strides = array<i32>} : memref<16384xf32, #tpu.memory_space<vmem>>, vector<16xf32>,
          tpu.vector_store %arg7[%swap3A_247], %gather3A_173 {strides = array<i32>} : memref<16384xf32, #tpu.memory_space<vmem>>, vector<16xf32>,
          %mul3A_249 = arith.constant 32 : i32
          %mul3A_250 = arith.muli %scan3A_164, %mul3A_249 : i32
          %add3A_251 = arith.constant 0 : i32
          %add3A_252 = arith.addi %mul3A_250, %add3A_251 : i32
          %add3A_253 = arith.constant 2 : i32
          %add3A_254 = arith.addi %add3A_252, %add3A_253 : i32
          %mul3A_255 = arith.constant 16 : i32
          %mul3A_256 = arith.muli %add3A_254, %mul3A_255 : i32
          %swap3A_257 = arith.index_cast %mul3A_256 : i32 to index
          %swap3A_258 = tpu.vector_load %arg7[%swap3A_257] {strides = array<i32>} : memref<16384xf32, #tpu.memory_space<vmem>>, vector<16xf32>,
          tpu.vector_store %arg7[%swap3A_257], %gather3A_177 {strides = array<i32>} : memref<16384xf32, #tpu.memory_space<vmem>>, vector<16xf32>,
          %mul3A_259 = arith.constant 32 : i32
          %mul3A_260 = arith.muli %scan3A_164, %mul3A_259 : i32
          %add3A_261 = arith.constant 0 : i32
          %add3A_262 = arith.addi %mul3A_260, %add3A_261 : i32
          %add3A_263 = arith.constant 3 : i32
          %add3A_264 = arith.addi %add3A_262, %add3A_263 : i32
          %mul3A_265 = arith.constant 16 : i32
          %mul3A_266 = arith.muli %add3A_264, %mul3A_265 : i32
          %swap3A_267 = arith.index_cast %mul3A_266 : i32 to index
          %swap3A_268 = tpu.vector_load %arg7[%swap3A_267] {strides = array<i32>} : memref<16384xf32, #tpu.memory_space<vmem>>, vector<16xf32>,
          tpu.vector_store %arg7[%swap3A_267], %gather3A_181 {strides = array<i32>} : memref<16384xf32, #tpu.memory_space<vmem>>, vector<16xf32>,
          %mul3A_269 = arith.constant 32 : i32
          %mul3A_270 = arith.muli %scan3A_164, %mul3A_269 : i32
          %add3A_271 = arith.constant 0 : i32
          %add3A_272 = arith.addi %mul3A_270, %add3A_271 : i32
          %add3A_273 = arith.constant 4 : i32
          %add3A_274 = arith.addi %add3A_272, %add3A_273 : i32
          %mul3A_275 = arith.constant 16 : i32
          %mul3A_276 = arith.muli %add3A_274, %mul3A_275 : i32
          %swap3A_277 = arith.index_cast %mul3A_276 : i32 to index
          %swap3A_278 = tpu.vector_load %arg7[%swap3A_277] {strides = array<i32>} : memref<16384xf32, #tpu.memory_space<vmem>>, vector<16xf32>,
          tpu.vector_store %arg7[%swap3A_277], %gather3A_185 {strides = array<i32>} : memref<16384xf32, #tpu.memory_space<vmem>>, vector<16xf32>,
          %mul3A_279 = arith.constant 32 : i32
          %mul3A_280 = arith.muli %scan3A_164, %mul3A_279 : i32
          %add3A_281 = arith.constant 0 : i32
          %add3A_282 = arith.addi %mul3A_280, %add3A_281 : i32
          %add3A_283 = arith.constant 5 : i32
          %add3A_284 = arith.addi %add3A_282, %add3A_283 : i32
          %mul3A_285 = arith.constant 16 : i32
          %mul3A_286 = arith.muli %add3A_284, %mul3A_285 : i32
          %swap3A_287 = arith.index_cast %mul3A_286 : i32 to index
          %swap3A_288 = tpu.vector_load %arg7[%swap3A_287] {strides = array<i32>} : memref<16384xf32, #tpu.memory_space<vmem>>, vector<16xf32>,
          tpu.vector_store %arg7[%swap3A_287], %gather3A_189 {strides = array<i32>} : memref<16384xf32, #tpu.memory_space<vmem>>, vector<16xf32>,
          %mul3A_289 = arith.constant 32 : i32
          %mul3A_290 = arith.muli %scan3A_164, %mul3A_289 : i32
          %add3A_291 = arith.constant 0 : i32
          %add3A_292 = arith.addi %mul3A_290, %add3A_291 : i32
          %add3A_293 = arith.constant 6 : i32
          %add3A_294 = arith.addi %add3A_292, %add3A_293 : i32
          %mul3A_295 = arith.constant 16 : i32
          %mul3A_296 = arith.muli %add3A_294, %mul3A_295 : i32
          %swap3A_297 = arith.index_cast %mul3A_296 : i32 to index
          %swap3A_298 = tpu.vector_load %arg7[%swap3A_297] {strides = array<i32>} : memref<16384xf32, #tpu.memory_space<vmem>>, vector<16xf32>,
          tpu.vector_store %arg7[%swap3A_297], %gather3A_193 {strides = array<i32>} : memref<16384xf32, #tpu.memory_space<vmem>>, vector<16xf32>,
          %mul3A_299 = arith.constant 32 : i32
          %mul3A_300 = arith.muli %scan3A_164, %mul3A_299 : i32
          %add3A_301 = arith.constant 0 : i32
          %add3A_302 = arith.addi %mul3A_300, %add3A_301 : i32
          %add3A_303 = arith.constant 7 : i32
          %add3A_304 = arith.addi %add3A_302, %add3A_303 : i32
          %mul3A_305 = arith.constant 16 : i32
          %mul3A_306 = arith.muli %add3A_304, %mul3A_305 : i32
          %swap3A_307 = arith.index_cast %mul3A_306 : i32 to index
          %swap3A_308 = tpu.vector_load %arg7[%swap3A_307] {strides = array<i32>} : memref<16384xf32, #tpu.memory_space<vmem>>, vector<16xf32>,
          tpu.vector_store %arg7[%swap3A_307], %gather3A_197 {strides = array<i32>} : memref<16384xf32, #tpu.memory_space<vmem>>, vector<16xf32>,
          %mul3A_309 = arith.constant 32 : i32
          %mul3A_310 = arith.muli %scan3A_164, %mul3A_309 : i32
          %add3A_311 = arith.constant 0 : i32
          %add3A_312 = arith.addi %mul3A_310, %add3A_311 : i32
          %add3A_313 = arith.constant 8 : i32
          %add3A_314 = arith.addi %add3A_312, %add3A_313 : i32
          %mul3A_315 = arith.constant 16 : i32
          %mul3A_316 = arith.muli %add3A_314, %mul3A_315 : i32
          %swap3A_317 = arith.index_cast %mul3A_316 : i32 to index
          %swap3A_318 = tpu.vector_load %arg7[%swap3A_317] {strides = array<i32>} : memref<16384xf32, #tpu.memory_space<vmem>>, vector<16xf32>,
          tpu.vector_store %arg7[%swap3A_317], %gather3A_201 {strides = array<i32>} : memref<16384xf32, #tpu.memory_space<vmem>>, vector<16xf32>,
          %mul3A_319 = arith.constant 32 : i32
          %mul3A_320 = arith.muli %scan3A_164, %mul3A_319 : i32
          %add3A_321 = arith.constant 0 : i32
          %add3A_322 = arith.addi %mul3A_320, %add3A_321 : i32
          %add3A_323 = arith.constant 9 : i32
          %add3A_324 = arith.addi %add3A_322, %add3A_323 : i32
          %mul3A_325 = arith.constant 16 : i32
          %mul3A_326 = arith.muli %add3A_324, %mul3A_325 : i32
          %swap3A_327 = arith.index_cast %mul3A_326 : i32 to index
          %swap3A_328 = tpu.vector_load %arg7[%swap3A_327] {strides = array<i32>} : memref<16384xf32, #tpu.memory_space<vmem>>, vector<16xf32>,
          tpu.vector_store %arg7[%swap3A_327], %gather3A_205 {strides = array<i32>} : memref<16384xf32, #tpu.memory_space<vmem>>, vector<16xf32>,
          %mul3A_329 = arith.constant 32 : i32
          %mul3A_330 = arith.muli %scan3A_164, %mul3A_329 : i32
          %add3A_331 = arith.constant 0 : i32
          %add3A_332 = arith.addi %mul3A_330, %add3A_331 : i32
          %add3A_333 = arith.constant 10 : i32
          %add3A_334 = arith.addi %add3A_332, %add3A_333 : i32
          %mul3A_335 = arith.constant 16 : i32
          %mul3A_336 = arith.muli %add3A_334, %mul3A_335 : i32
          %swap3A_337 = arith.index_cast %mul3A_336 : i32 to index
          %swap3A_338 = tpu.vector_load %arg7[%swap3A_337] {strides = array<i32>} : memref<16384xf32, #tpu.memory_space<vmem>>, vector<16xf32>,
          tpu.vector_store %arg7[%swap3A_337], %gather3A_209 {strides = array<i32>} : memref<16384xf32, #tpu.memory_space<vmem>>, vector<16xf32>,
          %mul3A_339 = arith.constant 32 : i32
          %mul3A_340 = arith.muli %scan3A_164, %mul3A_339 : i32
          %add3A_341 = arith.constant 0 : i32
          %add3A_342 = arith.addi %mul3A_340, %add3A_341 : i32
          %add3A_343 = arith.constant 11 : i32
          %add3A_344 = arith.addi %add3A_342, %add3A_343 : i32
          %mul3A_345 = arith.constant 16 : i32
          %mul3A_346 = arith.muli %add3A_344, %mul3A_345 : i32
          %swap3A_347 = arith.index_cast %mul3A_346 : i32 to index
          %swap3A_348 = tpu.vector_load %arg7[%swap3A_347] {strides = array<i32>} : memref<16384xf32, #tpu.memory_space<vmem>>, vector<16xf32>,
          tpu.vector_store %arg7[%swap3A_347], %gather3A_213 {strides = array<i32>} : memref<16384xf32, #tpu.memory_space<vmem>>, vector<16xf32>,
          %mul3A_349 = arith.constant 32 : i32
          %mul3A_350 = arith.muli %scan3A_164, %mul3A_349 : i32
          %add3A_351 = arith.constant 0 : i32
          %add3A_352 = arith.addi %mul3A_350, %add3A_351 : i32
          %add3A_353 = arith.constant 12 : i32
          %add3A_354 = arith.addi %add3A_352, %add3A_353 : i32
          %mul3A_355 = arith.constant 16 : i32
          %mul3A_356 = arith.muli %add3A_354, %mul3A_355 : i32
          %swap3A_357 = arith.index_cast %mul3A_356 : i32 to index
          %swap3A_358 = tpu.vector_load %arg7[%swap3A_357] {strides = array<i32>} : memref<16384xf32, #tpu.memory_space<vmem>>, vector<16xf32>,
          tpu.vector_store %arg7[%swap3A_357], %gather3A_217 {strides = array<i32>} : memref<16384xf32, #tpu.memory_space<vmem>>, vector<16xf32>,
          %mul3A_359 = arith.constant 32 : i32
          %mul3A_360 = arith.muli %scan3A_164, %mul3A_359 : i32
          %add3A_361 = arith.constant 0 : i32
          %add3A_362 = arith.addi %mul3A_360, %add3A_361 : i32
          %add3A_363 = arith.constant 13 : i32
          %add3A_364 = arith.addi %add3A_362, %add3A_363 : i32
          %mul3A_365 = arith.constant 16 : i32
          %mul3A_366 = arith.muli %add3A_364, %mul3A_365 : i32
          %swap3A_367 = arith.index_cast %mul3A_366 : i32 to index
          %swap3A_368 = tpu.vector_load %arg7[%swap3A_367] {strides = array<i32>} : memref<16384xf32, #tpu.memory_space<vmem>>, vector<16xf32>,
          tpu.vector_store %arg7[%swap3A_367], %gather3A_221 {strides = array<i32>} : memref<16384xf32, #tpu.memory_space<vmem>>, vector<16xf32>,
          %mul3A_369 = arith.constant 32 : i32
          %mul3A_370 = arith.muli %scan3A_164, %mul3A_369 : i32
          %add3A_371 = arith.constant 0 : i32
          %add3A_372 = arith.addi %mul3A_370, %add3A_371 : i32
          %add3A_373 = arith.constant 14 : i32
          %add3A_374 = arith.addi %add3A_372, %add3A_373 : i32
          %mul3A_375 = arith.constant 16 : i32
          %mul3A_376 = arith.muli %add3A_374, %mul3A_375 : i32
          %swap3A_377 = arith.index_cast %mul3A_376 : i32 to index
          %swap3A_378 = tpu.vector_load %arg7[%swap3A_377] {strides = array<i32>} : memref<16384xf32, #tpu.memory_space<vmem>>, vector<16xf32>,
          tpu.vector_store %arg7[%swap3A_377], %gather3A_225 {strides = array<i32>} : memref<16384xf32, #tpu.memory_space<vmem>>, vector<16xf32>,
          %mul3A_379 = arith.constant 32 : i32
          %mul3A_380 = arith.muli %scan3A_164, %mul3A_379 : i32
          %add3A_381 = arith.constant 0 : i32
          %add3A_382 = arith.addi %mul3A_380, %add3A_381 : i32
          %add3A_383 = arith.constant 15 : i32
          %add3A_384 = arith.addi %add3A_382, %add3A_383 : i32
          %mul3A_385 = arith.constant 16 : i32
          %mul3A_386 = arith.muli %add3A_384, %mul3A_385 : i32
          %swap3A_387 = arith.index_cast %mul3A_386 : i32 to index
          %swap3A_388 = tpu.vector_load %arg7[%swap3A_387] {strides = array<i32>} : memref<16384xf32, #tpu.memory_space<vmem>>, vector<16xf32>,
          tpu.vector_store %arg7[%swap3A_387], %gather3A_229 {strides = array<i32>} : memref<16384xf32, #tpu.memory_space<vmem>>, vector<16xf32>,
          %add3A_389 = arith.constant 16 : i32
          %add3A_390 = vector.broadcast %add3A_389 : i32 to vector<16xi32>
          %add3A_391 = arith.addi %broadcast_in_dim3A, %add3A_390 : vector<16xi32>
          %gather3A_392 = tpu.vector_load_idx %arg5[%iota3A, %add3A_391] : memref<16x1025xf32, #tpu.memory_space<vmem>>[vector<16xi32>, vector<16xi32>], vector<16xf32>,
          %add3A_393 = arith.constant 17 : i32
          %add3A_394 = vector.broadcast %add3A_393 : i32 to vector<16xi32>
          %add3A_395 = arith.addi %broadcast_in_dim3A, %add3A_394 : vector<16xi32>
          %gather3A_396 = tpu.vector_load_idx %arg5[%iota3A, %add3A_395] : memref<16x1025xf32, #tpu.memory_space<vmem>>[vector<16xi32>, vector<16xi32>], vector<16xf32>,
          %add3A_397 = arith.constant 18 : i32
          %add3A_398 = vector.broadcast %add3A_397 : i32 to vector<16xi32>
          %add3A_399 = arith.addi %broadcast_in_dim3A, %add3A_398 : vector<16xi32>
          %gather3A_400 = tpu.vector_load_idx %arg5[%iota3A, %add3A_399] : memref<16x1025xf32, #tpu.memory_space<vmem>>[vector<16xi32>, vector<16xi32>], vector<16xf32>,
          %add3A_401 = arith.constant 19 : i32
          %add3A_402 = vector.broadcast %add3A_401 : i32 to vector<16xi32>
          %add3A_403 = arith.addi %broadcast_in_dim3A, %add3A_402 : vector<16xi32>
          %gather3A_404 = tpu.vector_load_idx %arg5[%iota3A, %add3A_403] : memref<16x1025xf32, #tpu.memory_space<vmem>>[vector<16xi32>, vector<16xi32>], vector<16xf32>,
          %add3A_405 = arith.constant 20 : i32
          %add3A_406 = vector.broadcast %add3A_405 : i32 to vector<16xi32>
          %add3A_407 = arith.addi %broadcast_in_dim3A, %add3A_406 : vector<16xi32>
          %gather3A_408 = tpu.vector_load_idx %arg5[%iota3A, %add3A_407] : memref<16x1025xf32, #tpu.memory_space<vmem>>[vector<16xi32>, vector<16xi32>], vector<16xf32>,
          %add3A_409 = arith.constant 21 : i32
          %add3A_410 = vector.broadcast %add3A_409 : i32 to vector<16xi32>
          %add3A_411 = arith.addi %broadcast_in_dim3A, %add3A_410 : vector<16xi32>
          %gather3A_412 = tpu.vector_load_idx %arg5[%iota3A, %add3A_411] : memref<16x1025xf32, #tpu.memory_space<vmem>>[vector<16xi32>, vector<16xi32>], vector<16xf32>,
          %add3A_413 = arith.constant 22 : i32
          %add3A_414 = vector.broadcast %add3A_413 : i32 to vector<16xi32>
          %add3A_415 = arith.addi %broadcast_in_dim3A, %add3A_414 : vector<16xi32>
          %gather3A_416 = tpu.vector_load_idx %arg5[%iota3A, %add3A_415] : memref<16x1025xf32, #tpu.memory_space<vmem>>[vector<16xi32>, vector<16xi32>], vector<16xf32>,
          %add3A_417 = arith.constant 23 : i32
          %add3A_418 = vector.broadcast %add3A_417 : i32 to vector<16xi32>
          %add3A_419 = arith.addi %broadcast_in_dim3A, %add3A_418 : vector<16xi32>
          %gather3A_420 = tpu.vector_load_idx %arg5[%iota3A, %add3A_419] : memref<16x1025xf32, #tpu.memory_space<vmem>>[vector<16xi32>, vector<16xi32>], vector<16xf32>,
          %add3A_421 = arith.constant 24 : i32
          %add3A_422 = vector.broadcast %add3A_421 : i32 to vector<16xi32>
          %add3A_423 = arith.addi %broadcast_in_dim3A, %add3A_422 : vector<16xi32>
          %gather3A_424 = tpu.vector_load_idx %arg5[%iota3A, %add3A_423] : memref<16x1025xf32, #tpu.memory_space<vmem>>[vector<16xi32>, vector<16xi32>], vector<16xf32>,
          %add3A_425 = arith.constant 25 : i32
          %add3A_426 = vector.broadcast %add3A_425 : i32 to vector<16xi32>
          %add3A_427 = arith.addi %broadcast_in_dim3A, %add3A_426 : vector<16xi32>
          %gather3A_428 = tpu.vector_load_idx %arg5[%iota3A, %add3A_427] : memref<16x1025xf32, #tpu.memory_space<vmem>>[vector<16xi32>, vector<16xi32>], vector<16xf32>,
          %add3A_429 = arith.constant 26 : i32
          %add3A_430 = vector.broadcast %add3A_429 : i32 to vector<16xi32>
          %add3A_431 = arith.addi %broadcast_in_dim3A, %add3A_430 : vector<16xi32>
          %gather3A_432 = tpu.vector_load_idx %arg5[%iota3A, %add3A_431] : memref<16x1025xf32, #tpu.memory_space<vmem>>[vector<16xi32>, vector<16xi32>], vector<16xf32>,
          %add3A_433 = arith.constant 27 : i32
          %add3A_434 = vector.broadcast %add3A_433 : i32 to vector<16xi32>
          %add3A_435 = arith.addi %broadcast_in_dim3A, %add3A_434 : vector<16xi32>
          %gather3A_436 = tpu.vector_load_idx %arg5[%iota3A, %add3A_435] : memref<16x1025xf32, #tpu.memory_space<vmem>>[vector<16xi32>, vector<16xi32>], vector<16xf32>,
          %add3A_437 = arith.constant 28 : i32
          %add3A_438 = vector.broadcast %add3A_437 : i32 to vector<16xi32>
          %add3A_439 = arith.addi %broadcast_in_dim3A, %add3A_438 : vector<16xi32>
          %gather3A_440 = tpu.vector_load_idx %arg5[%iota3A, %add3A_439] : memref<16x1025xf32, #tpu.memory_space<vmem>>[vector<16xi32>, vector<16xi32>], vector<16xf32>,
          %add3A_441 = arith.constant 29 : i32
          %add3A_442 = vector.broadcast %add3A_441 : i32 to vector<16xi32>
          %add3A_443 = arith.addi %broadcast_in_dim3A, %add3A_442 : vector<16xi32>
          %gather3A_444 = tpu.vector_load_idx %arg5[%iota3A, %add3A_443] : memref<16x1025xf32, #tpu.memory_space<vmem>>[vector<16xi32>, vector<16xi32>], vector<16xf32>,
          %add3A_445 = arith.constant 30 : i32
          %add3A_446 = vector.broadcast %add3A_445 : i32 to vector<16xi32>
          %add3A_447 = arith.addi %broadcast_in_dim3A, %add3A_446 : vector<16xi32>
          %gather3A_448 = tpu.vector_load_idx %arg5[%iota3A, %add3A_447] : memref<16x1025xf32, #tpu.memory_space<vmem>>[vector<16xi32>, vector<16xi32>], vector<16xf32>,
          %add3A_449 = arith.constant 31 : i32
          %add3A_450 = vector.broadcast %add3A_449 : i32 to vector<16xi32>
          %add3A_451 = arith.addi %broadcast_in_dim3A, %add3A_450 : vector<16xi32>
          %gather3A_452 = tpu.vector_load_idx %arg5[%iota3A, %add3A_451] : memref<16x1025xf32, #tpu.memory_space<vmem>>[vector<16xi32>, vector<16xi32>], vector<16xf32>,
          %mul3A_453 = arith.constant 32 : i32
          %mul3A_454 = arith.muli %scan3A_164, %mul3A_453 : i32
          %add3A_455 = arith.constant 16 : i32
          %add3A_456 = arith.addi %mul3A_454, %add3A_455 : i32
          %add3A_457 = arith.constant 0 : i32
          %add3A_458 = arith.addi %add3A_456, %add3A_457 : i32
          %mul3A_459 = arith.constant 16 : i32
          %mul3A_460 = arith.muli %add3A_458, %mul3A_459 : i32
          %swap3A_461 = arith.index_cast %mul3A_460 : i32 to index
          %swap3A_462 = tpu.vector_load %arg7[%swap3A_461] {strides = array<i32>} : memref<16384xf32, #tpu.memory_space<vmem>>, vector<16xf32>,
          tpu.vector_store %arg7[%swap3A_461], %gather3A_392 {strides = array<i32>} : memref<16384xf32, #tpu.memory_space<vmem>>, vector<16xf32>,
          %mul3A_463 = arith.constant 32 : i32
          %mul3A_464 = arith.muli %scan3A_164, %mul3A_463 : i32
          %add3A_465 = arith.constant 16 : i32
          %add3A_466 = arith.addi %mul3A_464, %add3A_465 : i32
          %add3A_467 = arith.constant 1 : i32
          %add3A_468 = arith.addi %add3A_466, %add3A_467 : i32
          %mul3A_469 = arith.constant 16 : i32
          %mul3A_470 = arith.muli %add3A_468, %mul3A_469 : i32
          %swap3A_471 = arith.index_cast %mul3A_470 : i32 to index
          %swap3A_472 = tpu.vector_load %arg7[%swap3A_471] {strides = array<i32>} : memref<16384xf32, #tpu.memory_space<vmem>>, vector<16xf32>,
          tpu.vector_store %arg7[%swap3A_471], %gather3A_396 {strides = array<i32>} : memref<16384xf32, #tpu.memory_space<vmem>>, vector<16xf32>,
          %mul3A_473 = arith.constant 32 : i32
          %mul3A_474 = arith.muli %scan3A_164, %mul3A_473 : i32
          %add3A_475 = arith.constant 16 : i32
          %add3A_476 = arith.addi %mul3A_474, %add3A_475 : i32
          %add3A_477 = arith.constant 2 : i32
          %add3A_478 = arith.addi %add3A_476, %add3A_477 : i32
          %mul3A_479 = arith.constant 16 : i32
          %mul3A_480 = arith.muli %add3A_478, %mul3A_479 : i32
          %swap3A_481 = arith.index_cast %mul3A_480 : i32 to index
          %swap3A_482 = tpu.vector_load %arg7[%swap3A_481] {strides = array<i32>} : memref<16384xf32, #tpu.memory_space<vmem>>, vector<16xf32>,
          tpu.vector_store %arg7[%swap3A_481], %gather3A_400 {strides = array<i32>} : memref<16384xf32, #tpu.memory_space<vmem>>, vector<16xf32>,
          %mul3A_483 = arith.constant 32 : i32
          %mul3A_484 = arith.muli %scan3A_164, %mul3A_483 : i32
          %add3A_485 = arith.constant 16 : i32
          %add3A_486 = arith.addi %mul3A_484, %add3A_485 : i32
          %add3A_487 = arith.constant 3 : i32
          %add3A_488 = arith.addi %add3A_486, %add3A_487 : i32
          %mul3A_489 = arith.constant 16 : i32
          %mul3A_490 = arith.muli %add3A_488, %mul3A_489 : i32
          %swap3A_491 = arith.index_cast %mul3A_490 : i32 to index
          %swap3A_492 = tpu.vector_load %arg7[%swap3A_491] {strides = array<i32>} : memref<16384xf32, #tpu.memory_space<vmem>>, vector<16xf32>,
          tpu.vector_store %arg7[%swap3A_491], %gather3A_404 {strides = array<i32>} : memref<16384xf32, #tpu.memory_space<vmem>>, vector<16xf32>,
          %mul3A_493 = arith.constant 32 : i32
          %mul3A_494 = arith.muli %scan3A_164, %mul3A_493 : i32
          %add3A_495 = arith.constant 16 : i32
          %add3A_496 = arith.addi %mul3A_494, %add3A_495 : i32
          %add3A_497 = arith.constant 4 : i32
          %add3A_498 = arith.addi %add3A_496, %add3A_497 : i32
          %mul3A_499 = arith.constant 16 : i32
          %mul3A_500 = arith.muli %add3A_498, %mul3A_499 : i32
          %swap3A_501 = arith.index_cast %mul3A_500 : i32 to index
          %swap3A_502 = tpu.vector_load %arg7[%swap3A_501] {strides = array<i32>} : memref<16384xf32, #tpu.memory_space<vmem>>, vector<16xf32>,
          tpu.vector_store %arg7[%swap3A_501], %gather3A_408 {strides = array<i32>} : memref<16384xf32, #tpu.memory_space<vmem>>, vector<16xf32>,
          %mul3A_503 = arith.constant 32 : i32
          %mul3A_504 = arith.muli %scan3A_164, %mul3A_503 : i32
          %add3A_505 = arith.constant 16 : i32
          %add3A_506 = arith.addi %mul3A_504, %add3A_505 : i32
          %add3A_507 = arith.constant 5 : i32
          %add3A_508 = arith.addi %add3A_506, %add3A_507 : i32
          %mul3A_509 = arith.constant 16 : i32
          %mul3A_510 = arith.muli %add3A_508, %mul3A_509 : i32
          %swap3A_511 = arith.index_cast %mul3A_510 : i32 to index
          %swap3A_512 = tpu.vector_load %arg7[%swap3A_511] {strides = array<i32>} : memref<16384xf32, #tpu.memory_space<vmem>>, vector<16xf32>,
          tpu.vector_store %arg7[%swap3A_511], %gather3A_412 {strides = array<i32>} : memref<16384xf32, #tpu.memory_space<vmem>>, vector<16xf32>,
          %mul3A_513 = arith.constant 32 : i32
          %mul3A_514 = arith.muli %scan3A_164, %mul3A_513 : i32
          %add3A_515 = arith.constant 16 : i32
          %add3A_516 = arith.addi %mul3A_514, %add3A_515 : i32
          %add3A_517 = arith.constant 6 : i32
          %add3A_518 = arith.addi %add3A_516, %add3A_517 : i32
          %mul3A_519 = arith.constant 16 : i32
          %mul3A_520 = arith.muli %add3A_518, %mul3A_519 : i32
          %swap3A_521 = arith.index_cast %mul3A_520 : i32 to index
          %swap3A_522 = tpu.vector_load %arg7[%swap3A_521] {strides = array<i32>} : memref<16384xf32, #tpu.memory_space<vmem>>, vector<16xf32>,
          tpu.vector_store %arg7[%swap3A_521], %gather3A_416 {strides = array<i32>} : memref<16384xf32, #tpu.memory_space<vmem>>, vector<16xf32>,
          %mul3A_523 = arith.constant 32 : i32
          %mul3A_524 = arith.muli %scan3A_164, %mul3A_523 : i32
          %add3A_525 = arith.constant 16 : i32
          %add3A_526 = arith.addi %mul3A_524, %add3A_525 : i32
          %add3A_527 = arith.constant 7 : i32
          %add3A_528 = arith.addi %add3A_526, %add3A_527 : i32
          %mul3A_529 = arith.constant 16 : i32
          %mul3A_530 = arith.muli %add3A_528, %mul3A_529 : i32
          %swap3A_531 = arith.index_cast %mul3A_530 : i32 to index
          %swap3A_532 = tpu.vector_load %arg7[%swap3A_531] {strides = array<i32>} : memref<16384xf32, #tpu.memory_space<vmem>>, vector<16xf32>,
          tpu.vector_store %arg7[%swap3A_531], %gather3A_420 {strides = array<i32>} : memref<16384xf32, #tpu.memory_space<vmem>>, vector<16xf32>,
          %mul3A_533 = arith.constant 32 : i32
          %mul3A_534 = arith.muli %scan3A_164, %mul3A_533 : i32
          %add3A_535 = arith.constant 16 : i32
          %add3A_536 = arith.addi %mul3A_534, %add3A_535 : i32
          %add3A_537 = arith.constant 8 : i32
          %add3A_538 = arith.addi %add3A_536, %add3A_537 : i32
          %mul3A_539 = arith.constant 16 : i32
          %mul3A_540 = arith.muli %add3A_538, %mul3A_539 : i32
          %swap3A_541 = arith.index_cast %mul3A_540 : i32 to index
          %swap3A_542 = tpu.vector_load %arg7[%swap3A_541] {strides = array<i32>} : memref<16384xf32, #tpu.memory_space<vmem>>, vector<16xf32>,
          tpu.vector_store %arg7[%swap3A_541], %gather3A_424 {strides = array<i32>} : memref<16384xf32, #tpu.memory_space<vmem>>, vector<16xf32>,
          %mul3A_543 = arith.constant 32 : i32
          %mul3A_544 = arith.muli %scan3A_164, %mul3A_543 : i32
          %add3A_545 = arith.constant 16 : i32
          %add3A_546 = arith.addi %mul3A_544, %add3A_545 : i32
          %add3A_547 = arith.constant 9 : i32
          %add3A_548 = arith.addi %add3A_546, %add3A_547 : i32
          %mul3A_549 = arith.constant 16 : i32
          %mul3A_550 = arith.muli %add3A_548, %mul3A_549 : i32
          %swap3A_551 = arith.index_cast %mul3A_550 : i32 to index
          %swap3A_552 = tpu.vector_load %arg7[%swap3A_551] {strides = array<i32>} : memref<16384xf32, #tpu.memory_space<vmem>>, vector<16xf32>,
          tpu.vector_store %arg7[%swap3A_551], %gather3A_428 {strides = array<i32>} : memref<16384xf32, #tpu.memory_space<vmem>>, vector<16xf32>,
          %mul3A_553 = arith.constant 32 : i32
          %mul3A_554 = arith.muli %scan3A_164, %mul3A_553 : i32
          %add3A_555 = arith.constant 16 : i32
          %add3A_556 = arith.addi %mul3A_554, %add3A_555 : i32
          %add3A_557 = arith.constant 10 : i32
          %add3A_558 = arith.addi %add3A_556, %add3A_557 : i32
          %mul3A_559 = arith.constant 16 : i32
          %mul3A_560 = arith.muli %add3A_558, %mul3A_559 : i32
          %swap3A_561 = arith.index_cast %mul3A_560 : i32 to index
          %swap3A_562 = tpu.vector_load %arg7[%swap3A_561] {strides = array<i32>} : memref<16384xf32, #tpu.memory_space<vmem>>, vector<16xf32>,
          tpu.vector_store %arg7[%swap3A_561], %gather3A_432 {strides = array<i32>} : memref<16384xf32, #tpu.memory_space<vmem>>, vector<16xf32>,
          %mul3A_563 = arith.constant 32 : i32
          %mul3A_564 = arith.muli %scan3A_164, %mul3A_563 : i32
          %add3A_565 = arith.constant 16 : i32
          %add3A_566 = arith.addi %mul3A_564, %add3A_565 : i32
          %add3A_567 = arith.constant 11 : i32
          %add3A_568 = arith.addi %add3A_566, %add3A_567 : i32
          %mul3A_569 = arith.constant 16 : i32
          %mul3A_570 = arith.muli %add3A_568, %mul3A_569 : i32
          %swap3A_571 = arith.index_cast %mul3A_570 : i32 to index
          %swap3A_572 = tpu.vector_load %arg7[%swap3A_571] {strides = array<i32>} : memref<16384xf32, #tpu.memory_space<vmem>>, vector<16xf32>,
          tpu.vector_store %arg7[%swap3A_571], %gather3A_436 {strides = array<i32>} : memref<16384xf32, #tpu.memory_space<vmem>>, vector<16xf32>,
          %mul3A_573 = arith.constant 32 : i32
          %mul3A_574 = arith.muli %scan3A_164, %mul3A_573 : i32
          %add3A_575 = arith.constant 16 : i32
          %add3A_576 = arith.addi %mul3A_574, %add3A_575 : i32
          %add3A_577 = arith.constant 12 : i32
          %add3A_578 = arith.addi %add3A_576, %add3A_577 : i32
          %mul3A_579 = arith.constant 16 : i32
          %mul3A_580 = arith.muli %add3A_578, %mul3A_579 : i32
          %swap3A_581 = arith.index_cast %mul3A_580 : i32 to index
          %swap3A_582 = tpu.vector_load %arg7[%swap3A_581] {strides = array<i32>} : memref<16384xf32, #tpu.memory_space<vmem>>, vector<16xf32>,
          tpu.vector_store %arg7[%swap3A_581], %gather3A_440 {strides = array<i32>} : memref<16384xf32, #tpu.memory_space<vmem>>, vector<16xf32>,
          %mul3A_583 = arith.constant 32 : i32
          %mul3A_584 = arith.muli %scan3A_164, %mul3A_583 : i32
          %add3A_585 = arith.constant 16 : i32
          %add3A_586 = arith.addi %mul3A_584, %add3A_585 : i32
          %add3A_587 = arith.constant 13 : i32
          %add3A_588 = arith.addi %add3A_586, %add3A_587 : i32
          %mul3A_589 = arith.constant 16 : i32
          %mul3A_590 = arith.muli %add3A_588, %mul3A_589 : i32
          %swap3A_591 = arith.index_cast %mul3A_590 : i32 to index
          %swap3A_592 = tpu.vector_load %arg7[%swap3A_591] {strides = array<i32>} : memref<16384xf32, #tpu.memory_space<vmem>>, vector<16xf32>,
          tpu.vector_store %arg7[%swap3A_591], %gather3A_444 {strides = array<i32>} : memref<16384xf32, #tpu.memory_space<vmem>>, vector<16xf32>,
          %mul3A_593 = arith.constant 32 : i32
          %mul3A_594 = arith.muli %scan3A_164, %mul3A_593 : i32
          %add3A_595 = arith.constant 16 : i32
          %add3A_596 = arith.addi %mul3A_594, %add3A_595 : i32
          %add3A_597 = arith.constant 14 : i32
          %add3A_598 = arith.addi %add3A_596, %add3A_597 : i32
          %mul3A_599 = arith.constant 16 : i32
          %mul3A_600 = arith.muli %add3A_598, %mul3A_599 : i32
          %swap3A_601 = arith.index_cast %mul3A_600 : i32 to index
          %swap3A_602 = tpu.vector_load %arg7[%swap3A_601] {strides = array<i32>} : memref<16384xf32, #tpu.memory_space<vmem>>, vector<16xf32>,
          tpu.vector_store %arg7[%swap3A_601], %gather3A_448 {strides = array<i32>} : memref<16384xf32, #tpu.memory_space<vmem>>, vector<16xf32>,
          %mul3A_603 = arith.constant 32 : i32
          %mul3A_604 = arith.muli %scan3A_164, %mul3A_603 : i32
          %add3A_605 = arith.constant 16 : i32
          %add3A_606 = arith.addi %mul3A_604, %add3A_605 : i32
          %add3A_607 = arith.constant 15 : i32
          %add3A_608 = arith.addi %add3A_606, %add3A_607 : i32
          %mul3A_609 = arith.constant 16 : i32
          %mul3A_610 = arith.muli %add3A_608, %mul3A_609 : i32
          %swap3A_611 = arith.index_cast %mul3A_610 : i32 to index
          %swap3A_612 = tpu.vector_load %arg7[%swap3A_611] {strides = array<i32>} : memref<16384xf32, #tpu.memory_space<vmem>>, vector<16xf32>,
          tpu.vector_store %arg7[%swap3A_611], %gather3A_452 {strides = array<i32>} : memref<16384xf32, #tpu.memory_space<vmem>>, vector<16xf32>,
        }
        %scan3A_154 = arith.constant 32 : i32
        %mul3A_155 = arith.constant 32 : i32
        %mul3A_156 = arith.muli %add3A_82, %mul3A_155 : i32
        %add3A_157 = arith.addi %add3A, %mul3A_156 : i32
        %mul3A_158 = arith.constant 1024 : i32
        %mul3A_159 = arith.muli %add3A_157, %mul3A_158 : i32
        %mul3A_160 = arith.constant 16 : i32
        %mul3A_161 = arith.muli %mul3A_159, %mul3A_160 : i32
        %dma_start3A_162 = tpu.memref_slice %arg4[%mul3A_161] : memref<16000000xf32, #tpu.memory_space<hbm>> -> memref<16384xf32, #tpu.memory_space<hbm>>
        %dma_start3A_163 = tpu.memref_slice %arg4[%mul3A_161] : memref<16000000xf32, #tpu.memory_space<hbm>> -> memref<16384xf32, #tpu.memory_space<hbm>>
        tpu.enqueue_dma source(%arg7 : memref<16384xf32, #tpu.memory_space<vmem>>) target(%dma_start3A_163 : memref<16384xf32, #tpu.memory_space<hbm>>) target_semaphore(%arg12 : memref<!tpu.dma_semaphore, #tpu.memory_space<semaphore_mem>>)
      } else {
      }
      %add3A_91 = arith.constant 2 : i32
      %add3A_92 = arith.addi %add3A_82, %add3A_91 : i32
      %mul3A_93 = arith.constant 32 : i32
      %mul3A_94 = arith.muli %add3A_92, %mul3A_93 : i32
      %add3A_95 = arith.addi %add3A, %mul3A_94 : i32
      %lt3A_96 = arith.constant 976 : i32
      %lt3A_97 = arith.cmpi slt, %add3A_95, %lt3A_96 : i32
      %and3A_98 = arith.andi %lt3A_87, %lt3A_97 : i1
      %convert_element_type3A_99 = arith.extui %and3A_98 : i1 to i32
      %cond3A_100 = arith.constant 0 : i32
      %cond3A_101 = arith.cmpi ne, %convert_element_type3A_99, %cond3A_100 : i32
      scf.if %cond3A_101 {
        %add3A_125 = arith.constant 2 : i32
        %add3A_126 = arith.addi %add3A_82, %add3A_125 : i32
        %mul3A_127 = arith.constant 32 : i32
        %mul3A_128 = arith.muli %add3A_126, %mul3A_127 : i32
        %add3A_129 = arith.addi %add3A, %mul3A_128 : i32
        %mul3A_130 = arith.constant 1024 : i32
        %mul3A_131 = arith.muli %add3A_129, %mul3A_130 : i32
        %dma_start3A_132 = arith.constant 0 : i32
        %dma_start3A_133 = arith.constant 0 : i32
        %dma_start3A_134 = tpu.memref_slice %arg5[%dma_start3A_132, %dma_start3A_133] : memref<16x1025xf32, #tpu.memory_space<vmem>> -> memref<16x1024xf32, #tpu.memory_space<vmem>>
        %dma_start3A_135 = arith.constant 0 : i32
        %dma_start3A_136 = tpu.memref_slice %arg2[%dma_start3A_135, %mul3A_131] : memref<16x1000000xf32, #tpu.memory_space<hbm>> -> memref<16x1024xf32, #tpu.memory_space<hbm>>
        %dma_start3A_137 = arith.constant 0 : i32
        %dma_start3A_138 = arith.constant 0 : i32
        %dma_start3A_139 = tpu.memref_slice %arg5[%dma_start3A_137, %dma_start3A_138] : memref<16x1025xf32, #tpu.memory_space<vmem>> -> memref<16x1024xf32, #tpu.memory_space<vmem>>
        %dma_start3A_140 = arith.constant 0 : i32
        %dma_start3A_141 = tpu.memref_slice %arg2[%dma_start3A_140, %mul3A_131] : memref<16x1000000xf32, #tpu.memory_space<hbm>> -> memref<16x1024xf32, #tpu.memory_space<hbm>>
        tpu.enqueue_dma source(%dma_start3A_141 : memref<16x1024xf32, #tpu.memory_space<hbm>>) target(%dma_start3A_139 : memref<16x1024xf32, #tpu.memory_space<vmem>>) target_semaphore(%arg10 : memref<!tpu.dma_semaphore, #tpu.memory_space<semaphore_mem>>)
      } else {
      }
      %mul3A_102 = arith.constant 2 : i32
      %mul3A_103 = arith.muli %mul3A_102, %scan3A_78 : i32
      %add3A_104 = arith.constant 3 : i32
      %add3A_105 = arith.addi %add3A_104, %mul3A_103 : i32
      %mul3A_106 = arith.constant 32 : i32
      %mul3A_107 = arith.muli %add3A_105, %mul3A_106 : i32
      %add3A_108 = arith.addi %add3A, %mul3A_107 : i32
      %lt3A_109 = arith.constant 976 : i32
      %lt3A_110 = arith.cmpi slt, %add3A_108, %lt3A_109 : i32
      %convert_element_type3A_111 = arith.extui %lt3A_110 : i1 to i32
      %cond3A_112 = arith.constant 0 : i32
      %cond3A_113 = arith.cmpi ne, %convert_element_type3A_111, %cond3A_112 : i32
      scf.if %cond3A_113 {
        %mul3A_125 = arith.constant 32 : i32
        %mul3A_126 = arith.muli %add3A_105, %mul3A_125 : i32
        %add3A_127 = arith.addi %add3A, %mul3A_126 : i32
        %mul3A_128 = arith.constant 1024 : i32
        %mul3A_129 = arith.muli %add3A_127, %mul3A_128 : i32
        %dma_wait3A_130 = arith.constant 0 : i32
        %dma_wait3A_131 = arith.constant 0 : i32
        %dma_wait3A_132 = tpu.memref_slice %arg6[%dma_wait3A_130, %dma_wait3A_131] : memref<16x1025xf32, #tpu.memory_space<vmem>> -> memref<16x1024xf32, #tpu.memory_space<vmem>>
        %dma_wait3A_133 = arith.constant 0 : i32
        %dma_wait3A_134 = tpu.memref_slice %arg2[%dma_wait3A_133, %mul3A_129] : memref<16x1000000xf32, #tpu.memory_space<hbm>> -> memref<16x1024xf32, #tpu.memory_space<hbm>>
        %dma_wait3A_135 = arith.constant 0 : i32
        %dma_wait3A_136 = arith.constant 0 : i32
        %dma_wait3A_137 = tpu.memref_slice %arg6[%dma_wait3A_135, %dma_wait3A_136] : memref<16x1025xf32, #tpu.memory_space<vmem>> -> memref<16x1024xf32, #tpu.memory_space<vmem>>
        %dma_wait3A_138 = arith.constant 0 : i32
        %dma_wait3A_139 = tpu.memref_slice %arg2[%dma_wait3A_138, %mul3A_129] : memref<16x1000000xf32, #tpu.memory_space<hbm>> -> memref<16x1024xf32, #tpu.memory_space<hbm>>
        tpu.wait_dma2 semaphore(%arg11 : memref<!tpu.dma_semaphore, #tpu.memory_space<semaphore_mem>>) src(%dma_wait3A_139 : memref<16x1024xf32, #tpu.memory_space<hbm>>) dst(%dma_wait3A_137 : memref<16x1024xf32, #tpu.memory_space<vmem>>)
        %mul3A_140 = arith.constant 32 : i32
        %mul3A_141 = arith.muli %add3A_105, %mul3A_140 : i32
        %add3A_142 = arith.addi %add3A, %mul3A_141 : i32
        %mul3A_143 = arith.constant 1024 : i32
        %mul3A_144 = arith.muli %add3A_142, %mul3A_143 : i32
        %mul3A_145 = arith.constant 16 : i32
        %mul3A_146 = arith.muli %mul3A_144, %mul3A_145 : i32
        %dma_wait3A_147 = tpu.memref_slice %arg4[%mul3A_146] : memref<16000000xf32, #tpu.memory_space<hbm>> -> memref<16384xf32, #tpu.memory_space<hbm>>
        %dma_wait3A_148 = tpu.memref_slice %arg4[%mul3A_146] : memref<16000000xf32, #tpu.memory_space<hbm>> -> memref<16384xf32, #tpu.memory_space<hbm>>
        tpu.wait_dma2 semaphore(%arg13 : memref<!tpu.dma_semaphore, #tpu.memory_space<semaphore_mem>>) src(%arg8 : memref<16384xf32, #tpu.memory_space<vmem>>) dst(%dma_wait3A_148 : memref<16384xf32, #tpu.memory_space<hbm>>)
        %scan3A_149 = arith.constant 0 : i32
        %scan3A_150 = arith.constant 0 : i32
        %scan3A_151 = arith.constant 32 : i32
        %scan3A_152 = arith.addi %scan3A_150, %scan3A_151 : i32
        %scan3A_153 = arith.constant 1 : i32
        scf.for %scan3A_164 = %scan3A_150 to %scan3A_152 step %scan3A_153  : i32 {
          %mul3A_165 = arith.constant 32 : i32
          %mul3A_166 = arith.muli %scan3A_164, %mul3A_165 : i32
          %broadcast_in_dim3A = vector.broadcast %mul3A_166 : i32 to vector<16xi32>
          %add3A_167 = arith.constant 0 : i32
          %add3A_168 = vector.broadcast %add3A_167 : i32 to vector<16xi32>
          %add3A_169 = arith.addi %broadcast_in_dim3A, %add3A_168 : vector<16xi32>
          %gather3A = tpu.vector_load_idx %arg6[%iota3A, %add3A_169] : memref<16x1025xf32, #tpu.memory_space<vmem>>[vector<16xi32>, vector<16xi32>], vector<16xf32>,
          %add3A_170 = arith.constant 1 : i32
          %add3A_171 = vector.broadcast %add3A_170 : i32 to vector<16xi32>
          %add3A_172 = arith.addi %broadcast_in_dim3A, %add3A_171 : vector<16xi32>
          %gather3A_173 = tpu.vector_load_idx %arg6[%iota3A, %add3A_172] : memref<16x1025xf32, #tpu.memory_space<vmem>>[vector<16xi32>, vector<16xi32>], vector<16xf32>,
          %add3A_174 = arith.constant 2 : i32
          %add3A_175 = vector.broadcast %add3A_174 : i32 to vector<16xi32>
          %add3A_176 = arith.addi %broadcast_in_dim3A, %add3A_175 : vector<16xi32>
          %gather3A_177 = tpu.vector_load_idx %arg6[%iota3A, %add3A_176] : memref<16x1025xf32, #tpu.memory_space<vmem>>[vector<16xi32>, vector<16xi32>], vector<16xf32>,
          %add3A_178 = arith.constant 3 : i32
          %add3A_179 = vector.broadcast %add3A_178 : i32 to vector<16xi32>
          %add3A_180 = arith.addi %broadcast_in_dim3A, %add3A_179 : vector<16xi32>
          %gather3A_181 = tpu.vector_load_idx %arg6[%iota3A, %add3A_180] : memref<16x1025xf32, #tpu.memory_space<vmem>>[vector<16xi32>, vector<16xi32>], vector<16xf32>,
          %add3A_182 = arith.constant 4 : i32
          %add3A_183 = vector.broadcast %add3A_182 : i32 to vector<16xi32>
          %add3A_184 = arith.addi %broadcast_in_dim3A, %add3A_183 : vector<16xi32>
          %gather3A_185 = tpu.vector_load_idx %arg6[%iota3A, %add3A_184] : memref<16x1025xf32, #tpu.memory_space<vmem>>[vector<16xi32>, vector<16xi32>], vector<16xf32>,
          %add3A_186 = arith.constant 5 : i32
          %add3A_187 = vector.broadcast %add3A_186 : i32 to vector<16xi32>
          %add3A_188 = arith.addi %broadcast_in_dim3A, %add3A_187 : vector<16xi32>
          %gather3A_189 = tpu.vector_load_idx %arg6[%iota3A, %add3A_188] : memref<16x1025xf32, #tpu.memory_space<vmem>>[vector<16xi32>, vector<16xi32>], vector<16xf32>,
          %add3A_190 = arith.constant 6 : i32
          %add3A_191 = vector.broadcast %add3A_190 : i32 to vector<16xi32>
          %add3A_192 = arith.addi %broadcast_in_dim3A, %add3A_191 : vector<16xi32>
          %gather3A_193 = tpu.vector_load_idx %arg6[%iota3A, %add3A_192] : memref<16x1025xf32, #tpu.memory_space<vmem>>[vector<16xi32>, vector<16xi32>], vector<16xf32>,
          %add3A_194 = arith.constant 7 : i32
          %add3A_195 = vector.broadcast %add3A_194 : i32 to vector<16xi32>
          %add3A_196 = arith.addi %broadcast_in_dim3A, %add3A_195 : vector<16xi32>
          %gather3A_197 = tpu.vector_load_idx %arg6[%iota3A, %add3A_196] : memref<16x1025xf32, #tpu.memory_space<vmem>>[vector<16xi32>, vector<16xi32>], vector<16xf32>,
          %add3A_198 = arith.constant 8 : i32
          %add3A_199 = vector.broadcast %add3A_198 : i32 to vector<16xi32>
          %add3A_200 = arith.addi %broadcast_in_dim3A, %add3A_199 : vector<16xi32>
          %gather3A_201 = tpu.vector_load_idx %arg6[%iota3A, %add3A_200] : memref<16x1025xf32, #tpu.memory_space<vmem>>[vector<16xi32>, vector<16xi32>], vector<16xf32>,
          %add3A_202 = arith.constant 9 : i32
          %add3A_203 = vector.broadcast %add3A_202 : i32 to vector<16xi32>
          %add3A_204 = arith.addi %broadcast_in_dim3A, %add3A_203 : vector<16xi32>
          %gather3A_205 = tpu.vector_load_idx %arg6[%iota3A, %add3A_204] : memref<16x1025xf32, #tpu.memory_space<vmem>>[vector<16xi32>, vector<16xi32>], vector<16xf32>,
          %add3A_206 = arith.constant 10 : i32
          %add3A_207 = vector.broadcast %add3A_206 : i32 to vector<16xi32>
          %add3A_208 = arith.addi %broadcast_in_dim3A, %add3A_207 : vector<16xi32>
          %gather3A_209 = tpu.vector_load_idx %arg6[%iota3A, %add3A_208] : memref<16x1025xf32, #tpu.memory_space<vmem>>[vector<16xi32>, vector<16xi32>], vector<16xf32>,
          %add3A_210 = arith.constant 11 : i32
          %add3A_211 = vector.broadcast %add3A_210 : i32 to vector<16xi32>
          %add3A_212 = arith.addi %broadcast_in_dim3A, %add3A_211 : vector<16xi32>
          %gather3A_213 = tpu.vector_load_idx %arg6[%iota3A, %add3A_212] : memref<16x1025xf32, #tpu.memory_space<vmem>>[vector<16xi32>, vector<16xi32>], vector<16xf32>,
          %add3A_214 = arith.constant 12 : i32
          %add3A_215 = vector.broadcast %add3A_214 : i32 to vector<16xi32>
          %add3A_216 = arith.addi %broadcast_in_dim3A, %add3A_215 : vector<16xi32>
          %gather3A_217 = tpu.vector_load_idx %arg6[%iota3A, %add3A_216] : memref<16x1025xf32, #tpu.memory_space<vmem>>[vector<16xi32>, vector<16xi32>], vector<16xf32>,
          %add3A_218 = arith.constant 13 : i32
          %add3A_219 = vector.broadcast %add3A_218 : i32 to vector<16xi32>
          %add3A_220 = arith.addi %broadcast_in_dim3A, %add3A_219 : vector<16xi32>
          %gather3A_221 = tpu.vector_load_idx %arg6[%iota3A, %add3A_220] : memref<16x1025xf32, #tpu.memory_space<vmem>>[vector<16xi32>, vector<16xi32>], vector<16xf32>,
          %add3A_222 = arith.constant 14 : i32
          %add3A_223 = vector.broadcast %add3A_222 : i32 to vector<16xi32>
          %add3A_224 = arith.addi %broadcast_in_dim3A, %add3A_223 : vector<16xi32>
          %gather3A_225 = tpu.vector_load_idx %arg6[%iota3A, %add3A_224] : memref<16x1025xf32, #tpu.memory_space<vmem>>[vector<16xi32>, vector<16xi32>], vector<16xf32>,
          %add3A_226 = arith.constant 15 : i32
          %add3A_227 = vector.broadcast %add3A_226 : i32 to vector<16xi32>
          %add3A_228 = arith.addi %broadcast_in_dim3A, %add3A_227 : vector<16xi32>
          %gather3A_229 = tpu.vector_load_idx %arg6[%iota3A, %add3A_228] : memref<16x1025xf32, #tpu.memory_space<vmem>>[vector<16xi32>, vector<16xi32>], vector<16xf32>,
          %mul3A_230 = arith.constant 32 : i32
          %mul3A_231 = arith.muli %scan3A_164, %mul3A_230 : i32
          %add3A_232 = arith.constant 0 : i32
          %add3A_233 = arith.addi %mul3A_231, %add3A_232 : i32
          %add3A_234 = arith.constant 0 : i32
          %add3A_235 = arith.addi %add3A_233, %add3A_234 : i32
          %mul3A_236 = arith.constant 16 : i32
          %mul3A_237 = arith.muli %add3A_235, %mul3A_236 : i32
          %swap3A = arith.index_cast %mul3A_237 : i32 to index
          %swap3A_238 = tpu.vector_load %arg8[%swap3A] {strides = array<i32>} : memref<16384xf32, #tpu.memory_space<vmem>>, vector<16xf32>,
          tpu.vector_store %arg8[%swap3A], %gather3A {strides = array<i32>} : memref<16384xf32, #tpu.memory_space<vmem>>, vector<16xf32>,
          %mul3A_239 = arith.constant 32 : i32
          %mul3A_240 = arith.muli %scan3A_164, %mul3A_239 : i32
          %add3A_241 = arith.constant 0 : i32
          %add3A_242 = arith.addi %mul3A_240, %add3A_241 : i32
          %add3A_243 = arith.constant 1 : i32
          %add3A_244 = arith.addi %add3A_242, %add3A_243 : i32
          %mul3A_245 = arith.constant 16 : i32
          %mul3A_246 = arith.muli %add3A_244, %mul3A_245 : i32
          %swap3A_247 = arith.index_cast %mul3A_246 : i32 to index
          %swap3A_248 = tpu.vector_load %arg8[%swap3A_247] {strides = array<i32>} : memref<16384xf32, #tpu.memory_space<vmem>>, vector<16xf32>,
          tpu.vector_store %arg8[%swap3A_247], %gather3A_173 {strides = array<i32>} : memref<16384xf32, #tpu.memory_space<vmem>>, vector<16xf32>,
          %mul3A_249 = arith.constant 32 : i32
          %mul3A_250 = arith.muli %scan3A_164, %mul3A_249 : i32
          %add3A_251 = arith.constant 0 : i32
          %add3A_252 = arith.addi %mul3A_250, %add3A_251 : i32
          %add3A_253 = arith.constant 2 : i32
          %add3A_254 = arith.addi %add3A_252, %add3A_253 : i32
          %mul3A_255 = arith.constant 16 : i32
          %mul3A_256 = arith.muli %add3A_254, %mul3A_255 : i32
          %swap3A_257 = arith.index_cast %mul3A_256 : i32 to index
          %swap3A_258 = tpu.vector_load %arg8[%swap3A_257] {strides = array<i32>} : memref<16384xf32, #tpu.memory_space<vmem>>, vector<16xf32>,
          tpu.vector_store %arg8[%swap3A_257], %gather3A_177 {strides = array<i32>} : memref<16384xf32, #tpu.memory_space<vmem>>, vector<16xf32>,
          %mul3A_259 = arith.constant 32 : i32
          %mul3A_260 = arith.muli %scan3A_164, %mul3A_259 : i32
          %add3A_261 = arith.constant 0 : i32
          %add3A_262 = arith.addi %mul3A_260, %add3A_261 : i32
          %add3A_263 = arith.constant 3 : i32
          %add3A_264 = arith.addi %add3A_262, %add3A_263 : i32
          %mul3A_265 = arith.constant 16 : i32
          %mul3A_266 = arith.muli %add3A_264, %mul3A_265 : i32
          %swap3A_267 = arith.index_cast %mul3A_266 : i32 to index
          %swap3A_268 = tpu.vector_load %arg8[%swap3A_267] {strides = array<i32>} : memref<16384xf32, #tpu.memory_space<vmem>>, vector<16xf32>,
          tpu.vector_store %arg8[%swap3A_267], %gather3A_181 {strides = array<i32>} : memref<16384xf32, #tpu.memory_space<vmem>>, vector<16xf32>,
          %mul3A_269 = arith.constant 32 : i32
          %mul3A_270 = arith.muli %scan3A_164, %mul3A_269 : i32
          %add3A_271 = arith.constant 0 : i32
          %add3A_272 = arith.addi %mul3A_270, %add3A_271 : i32
          %add3A_273 = arith.constant 4 : i32
          %add3A_274 = arith.addi %add3A_272, %add3A_273 : i32
          %mul3A_275 = arith.constant 16 : i32
          %mul3A_276 = arith.muli %add3A_274, %mul3A_275 : i32
          %swap3A_277 = arith.index_cast %mul3A_276 : i32 to index
          %swap3A_278 = tpu.vector_load %arg8[%swap3A_277] {strides = array<i32>} : memref<16384xf32, #tpu.memory_space<vmem>>, vector<16xf32>,
          tpu.vector_store %arg8[%swap3A_277], %gather3A_185 {strides = array<i32>} : memref<16384xf32, #tpu.memory_space<vmem>>, vector<16xf32>,
          %mul3A_279 = arith.constant 32 : i32
          %mul3A_280 = arith.muli %scan3A_164, %mul3A_279 : i32
          %add3A_281 = arith.constant 0 : i32
          %add3A_282 = arith.addi %mul3A_280, %add3A_281 : i32
          %add3A_283 = arith.constant 5 : i32
          %add3A_284 = arith.addi %add3A_282, %add3A_283 : i32
          %mul3A_285 = arith.constant 16 : i32
          %mul3A_286 = arith.muli %add3A_284, %mul3A_285 : i32
          %swap3A_287 = arith.index_cast %mul3A_286 : i32 to index
          %swap3A_288 = tpu.vector_load %arg8[%swap3A_287] {strides = array<i32>} : memref<16384xf32, #tpu.memory_space<vmem>>, vector<16xf32>,
          tpu.vector_store %arg8[%swap3A_287], %gather3A_189 {strides = array<i32>} : memref<16384xf32, #tpu.memory_space<vmem>>, vector<16xf32>,
          %mul3A_289 = arith.constant 32 : i32
          %mul3A_290 = arith.muli %scan3A_164, %mul3A_289 : i32
          %add3A_291 = arith.constant 0 : i32
          %add3A_292 = arith.addi %mul3A_290, %add3A_291 : i32
          %add3A_293 = arith.constant 6 : i32
          %add3A_294 = arith.addi %add3A_292, %add3A_293 : i32
          %mul3A_295 = arith.constant 16 : i32
          %mul3A_296 = arith.muli %add3A_294, %mul3A_295 : i32
          %swap3A_297 = arith.index_cast %mul3A_296 : i32 to index
          %swap3A_298 = tpu.vector_load %arg8[%swap3A_297] {strides = array<i32>} : memref<16384xf32, #tpu.memory_space<vmem>>, vector<16xf32>,
          tpu.vector_store %arg8[%swap3A_297], %gather3A_193 {strides = array<i32>} : memref<16384xf32, #tpu.memory_space<vmem>>, vector<16xf32>,
          %mul3A_299 = arith.constant 32 : i32
          %mul3A_300 = arith.muli %scan3A_164, %mul3A_299 : i32
          %add3A_301 = arith.constant 0 : i32
          %add3A_302 = arith.addi %mul3A_300, %add3A_301 : i32
          %add3A_303 = arith.constant 7 : i32
          %add3A_304 = arith.addi %add3A_302, %add3A_303 : i32
          %mul3A_305 = arith.constant 16 : i32
          %mul3A_306 = arith.muli %add3A_304, %mul3A_305 : i32
          %swap3A_307 = arith.index_cast %mul3A_306 : i32 to index
          %swap3A_308 = tpu.vector_load %arg8[%swap3A_307] {strides = array<i32>} : memref<16384xf32, #tpu.memory_space<vmem>>, vector<16xf32>,
          tpu.vector_store %arg8[%swap3A_307], %gather3A_197 {strides = array<i32>} : memref<16384xf32, #tpu.memory_space<vmem>>, vector<16xf32>,
          %mul3A_309 = arith.constant 32 : i32
          %mul3A_310 = arith.muli %scan3A_164, %mul3A_309 : i32
          %add3A_311 = arith.constant 0 : i32
          %add3A_312 = arith.addi %mul3A_310, %add3A_311 : i32
          %add3A_313 = arith.constant 8 : i32
          %add3A_314 = arith.addi %add3A_312, %add3A_313 : i32
          %mul3A_315 = arith.constant 16 : i32
          %mul3A_316 = arith.muli %add3A_314, %mul3A_315 : i32
          %swap3A_317 = arith.index_cast %mul3A_316 : i32 to index
          %swap3A_318 = tpu.vector_load %arg8[%swap3A_317] {strides = array<i32>} : memref<16384xf32, #tpu.memory_space<vmem>>, vector<16xf32>,
          tpu.vector_store %arg8[%swap3A_317], %gather3A_201 {strides = array<i32>} : memref<16384xf32, #tpu.memory_space<vmem>>, vector<16xf32>,
          %mul3A_319 = arith.constant 32 : i32
          %mul3A_320 = arith.muli %scan3A_164, %mul3A_319 : i32
          %add3A_321 = arith.constant 0 : i32
          %add3A_322 = arith.addi %mul3A_320, %add3A_321 : i32
          %add3A_323 = arith.constant 9 : i32
          %add3A_324 = arith.addi %add3A_322, %add3A_323 : i32
          %mul3A_325 = arith.constant 16 : i32
          %mul3A_326 = arith.muli %add3A_324, %mul3A_325 : i32
          %swap3A_327 = arith.index_cast %mul3A_326 : i32 to index
          %swap3A_328 = tpu.vector_load %arg8[%swap3A_327] {strides = array<i32>} : memref<16384xf32, #tpu.memory_space<vmem>>, vector<16xf32>,
          tpu.vector_store %arg8[%swap3A_327], %gather3A_205 {strides = array<i32>} : memref<16384xf32, #tpu.memory_space<vmem>>, vector<16xf32>,
          %mul3A_329 = arith.constant 32 : i32
          %mul3A_330 = arith.muli %scan3A_164, %mul3A_329 : i32
          %add3A_331 = arith.constant 0 : i32
          %add3A_332 = arith.addi %mul3A_330, %add3A_331 : i32
          %add3A_333 = arith.constant 10 : i32
          %add3A_334 = arith.addi %add3A_332, %add3A_333 : i32
          %mul3A_335 = arith.constant 16 : i32
          %mul3A_336 = arith.muli %add3A_334, %mul3A_335 : i32
          %swap3A_337 = arith.index_cast %mul3A_336 : i32 to index
          %swap3A_338 = tpu.vector_load %arg8[%swap3A_337] {strides = array<i32>} : memref<16384xf32, #tpu.memory_space<vmem>>, vector<16xf32>,
          tpu.vector_store %arg8[%swap3A_337], %gather3A_209 {strides = array<i32>} : memref<16384xf32, #tpu.memory_space<vmem>>, vector<16xf32>,
          %mul3A_339 = arith.constant 32 : i32
          %mul3A_340 = arith.muli %scan3A_164, %mul3A_339 : i32
          %add3A_341 = arith.constant 0 : i32
          %add3A_342 = arith.addi %mul3A_340, %add3A_341 : i32
          %add3A_343 = arith.constant 11 : i32
          %add3A_344 = arith.addi %add3A_342, %add3A_343 : i32
          %mul3A_345 = arith.constant 16 : i32
          %mul3A_346 = arith.muli %add3A_344, %mul3A_345 : i32
          %swap3A_347 = arith.index_cast %mul3A_346 : i32 to index
          %swap3A_348 = tpu.vector_load %arg8[%swap3A_347] {strides = array<i32>} : memref<16384xf32, #tpu.memory_space<vmem>>, vector<16xf32>,
          tpu.vector_store %arg8[%swap3A_347], %gather3A_213 {strides = array<i32>} : memref<16384xf32, #tpu.memory_space<vmem>>, vector<16xf32>,
          %mul3A_349 = arith.constant 32 : i32
          %mul3A_350 = arith.muli %scan3A_164, %mul3A_349 : i32
          %add3A_351 = arith.constant 0 : i32
          %add3A_352 = arith.addi %mul3A_350, %add3A_351 : i32
          %add3A_353 = arith.constant 12 : i32
          %add3A_354 = arith.addi %add3A_352, %add3A_353 : i32
          %mul3A_355 = arith.constant 16 : i32
          %mul3A_356 = arith.muli %add3A_354, %mul3A_355 : i32
          %swap3A_357 = arith.index_cast %mul3A_356 : i32 to index
          %swap3A_358 = tpu.vector_load %arg8[%swap3A_357] {strides = array<i32>} : memref<16384xf32, #tpu.memory_space<vmem>>, vector<16xf32>,
          tpu.vector_store %arg8[%swap3A_357], %gather3A_217 {strides = array<i32>} : memref<16384xf32, #tpu.memory_space<vmem>>, vector<16xf32>,
          %mul3A_359 = arith.constant 32 : i32
          %mul3A_360 = arith.muli %scan3A_164, %mul3A_359 : i32
          %add3A_361 = arith.constant 0 : i32
          %add3A_362 = arith.addi %mul3A_360, %add3A_361 : i32
          %add3A_363 = arith.constant 13 : i32
          %add3A_364 = arith.addi %add3A_362, %add3A_363 : i32
          %mul3A_365 = arith.constant 16 : i32
          %mul3A_366 = arith.muli %add3A_364, %mul3A_365 : i32
          %swap3A_367 = arith.index_cast %mul3A_366 : i32 to index
          %swap3A_368 = tpu.vector_load %arg8[%swap3A_367] {strides = array<i32>} : memref<16384xf32, #tpu.memory_space<vmem>>, vector<16xf32>,
          tpu.vector_store %arg8[%swap3A_367], %gather3A_221 {strides = array<i32>} : memref<16384xf32, #tpu.memory_space<vmem>>, vector<16xf32>,
          %mul3A_369 = arith.constant 32 : i32
          %mul3A_370 = arith.muli %scan3A_164, %mul3A_369 : i32
          %add3A_371 = arith.constant 0 : i32
          %add3A_372 = arith.addi %mul3A_370, %add3A_371 : i32
          %add3A_373 = arith.constant 14 : i32
          %add3A_374 = arith.addi %add3A_372, %add3A_373 : i32
          %mul3A_375 = arith.constant 16 : i32
          %mul3A_376 = arith.muli %add3A_374, %mul3A_375 : i32
          %swap3A_377 = arith.index_cast %mul3A_376 : i32 to index
          %swap3A_378 = tpu.vector_load %arg8[%swap3A_377] {strides = array<i32>} : memref<16384xf32, #tpu.memory_space<vmem>>, vector<16xf32>,
          tpu.vector_store %arg8[%swap3A_377], %gather3A_225 {strides = array<i32>} : memref<16384xf32, #tpu.memory_space<vmem>>, vector<16xf32>,
          %mul3A_379 = arith.constant 32 : i32
          %mul3A_380 = arith.muli %scan3A_164, %mul3A_379 : i32
          %add3A_381 = arith.constant 0 : i32
          %add3A_382 = arith.addi %mul3A_380, %add3A_381 : i32
          %add3A_383 = arith.constant 15 : i32
          %add3A_384 = arith.addi %add3A_382, %add3A_383 : i32
          %mul3A_385 = arith.constant 16 : i32
          %mul3A_386 = arith.muli %add3A_384, %mul3A_385 : i32
          %swap3A_387 = arith.index_cast %mul3A_386 : i32 to index
          %swap3A_388 = tpu.vector_load %arg8[%swap3A_387] {strides = array<i32>} : memref<16384xf32, #tpu.memory_space<vmem>>, vector<16xf32>,
          tpu.vector_store %arg8[%swap3A_387], %gather3A_229 {strides = array<i32>} : memref<16384xf32, #tpu.memory_space<vmem>>, vector<16xf32>,
          %add3A_389 = arith.constant 16 : i32
          %add3A_390 = vector.broadcast %add3A_389 : i32 to vector<16xi32>
          %add3A_391 = arith.addi %broadcast_in_dim3A, %add3A_390 : vector<16xi32>
          %gather3A_392 = tpu.vector_load_idx %arg6[%iota3A, %add3A_391] : memref<16x1025xf32, #tpu.memory_space<vmem>>[vector<16xi32>, vector<16xi32>], vector<16xf32>,
          %add3A_393 = arith.constant 17 : i32
          %add3A_394 = vector.broadcast %add3A_393 : i32 to vector<16xi32>
          %add3A_395 = arith.addi %broadcast_in_dim3A, %add3A_394 : vector<16xi32>
          %gather3A_396 = tpu.vector_load_idx %arg6[%iota3A, %add3A_395] : memref<16x1025xf32, #tpu.memory_space<vmem>>[vector<16xi32>, vector<16xi32>], vector<16xf32>,
          %add3A_397 = arith.constant 18 : i32
          %add3A_398 = vector.broadcast %add3A_397 : i32 to vector<16xi32>
          %add3A_399 = arith.addi %broadcast_in_dim3A, %add3A_398 : vector<16xi32>
          %gather3A_400 = tpu.vector_load_idx %arg6[%iota3A, %add3A_399] : memref<16x1025xf32, #tpu.memory_space<vmem>>[vector<16xi32>, vector<16xi32>], vector<16xf32>,
          %add3A_401 = arith.constant 19 : i32
          %add3A_402 = vector.broadcast %add3A_401 : i32 to vector<16xi32>
          %add3A_403 = arith.addi %broadcast_in_dim3A, %add3A_402 : vector<16xi32>
          %gather3A_404 = tpu.vector_load_idx %arg6[%iota3A, %add3A_403] : memref<16x1025xf32, #tpu.memory_space<vmem>>[vector<16xi32>, vector<16xi32>], vector<16xf32>,
          %add3A_405 = arith.constant 20 : i32
          %add3A_406 = vector.broadcast %add3A_405 : i32 to vector<16xi32>
          %add3A_407 = arith.addi %broadcast_in_dim3A, %add3A_406 : vector<16xi32>
          %gather3A_408 = tpu.vector_load_idx %arg6[%iota3A, %add3A_407] : memref<16x1025xf32, #tpu.memory_space<vmem>>[vector<16xi32>, vector<16xi32>], vector<16xf32>,
          %add3A_409 = arith.constant 21 : i32
          %add3A_410 = vector.broadcast %add3A_409 : i32 to vector<16xi32>
          %add3A_411 = arith.addi %broadcast_in_dim3A, %add3A_410 : vector<16xi32>
          %gather3A_412 = tpu.vector_load_idx %arg6[%iota3A, %add3A_411] : memref<16x1025xf32, #tpu.memory_space<vmem>>[vector<16xi32>, vector<16xi32>], vector<16xf32>,
          %add3A_413 = arith.constant 22 : i32
          %add3A_414 = vector.broadcast %add3A_413 : i32 to vector<16xi32>
          %add3A_415 = arith.addi %broadcast_in_dim3A, %add3A_414 : vector<16xi32>
          %gather3A_416 = tpu.vector_load_idx %arg6[%iota3A, %add3A_415] : memref<16x1025xf32, #tpu.memory_space<vmem>>[vector<16xi32>, vector<16xi32>], vector<16xf32>,
          %add3A_417 = arith.constant 23 : i32
          %add3A_418 = vector.broadcast %add3A_417 : i32 to vector<16xi32>
          %add3A_419 = arith.addi %broadcast_in_dim3A, %add3A_418 : vector<16xi32>
          %gather3A_420 = tpu.vector_load_idx %arg6[%iota3A, %add3A_419] : memref<16x1025xf32, #tpu.memory_space<vmem>>[vector<16xi32>, vector<16xi32>], vector<16xf32>,
          %add3A_421 = arith.constant 24 : i32
          %add3A_422 = vector.broadcast %add3A_421 : i32 to vector<16xi32>
          %add3A_423 = arith.addi %broadcast_in_dim3A, %add3A_422 : vector<16xi32>
          %gather3A_424 = tpu.vector_load_idx %arg6[%iota3A, %add3A_423] : memref<16x1025xf32, #tpu.memory_space<vmem>>[vector<16xi32>, vector<16xi32>], vector<16xf32>,
          %add3A_425 = arith.constant 25 : i32
          %add3A_426 = vector.broadcast %add3A_425 : i32 to vector<16xi32>
          %add3A_427 = arith.addi %broadcast_in_dim3A, %add3A_426 : vector<16xi32>
          %gather3A_428 = tpu.vector_load_idx %arg6[%iota3A, %add3A_427] : memref<16x1025xf32, #tpu.memory_space<vmem>>[vector<16xi32>, vector<16xi32>], vector<16xf32>,
          %add3A_429 = arith.constant 26 : i32
          %add3A_430 = vector.broadcast %add3A_429 : i32 to vector<16xi32>
          %add3A_431 = arith.addi %broadcast_in_dim3A, %add3A_430 : vector<16xi32>
          %gather3A_432 = tpu.vector_load_idx %arg6[%iota3A, %add3A_431] : memref<16x1025xf32, #tpu.memory_space<vmem>>[vector<16xi32>, vector<16xi32>], vector<16xf32>,
          %add3A_433 = arith.constant 27 : i32
          %add3A_434 = vector.broadcast %add3A_433 : i32 to vector<16xi32>
          %add3A_435 = arith.addi %broadcast_in_dim3A, %add3A_434 : vector<16xi32>
          %gather3A_436 = tpu.vector_load_idx %arg6[%iota3A, %add3A_435] : memref<16x1025xf32, #tpu.memory_space<vmem>>[vector<16xi32>, vector<16xi32>], vector<16xf32>,
          %add3A_437 = arith.constant 28 : i32
          %add3A_438 = vector.broadcast %add3A_437 : i32 to vector<16xi32>
          %add3A_439 = arith.addi %broadcast_in_dim3A, %add3A_438 : vector<16xi32>
          %gather3A_440 = tpu.vector_load_idx %arg6[%iota3A, %add3A_439] : memref<16x1025xf32, #tpu.memory_space<vmem>>[vector<16xi32>, vector<16xi32>], vector<16xf32>,
          %add3A_441 = arith.constant 29 : i32
          %add3A_442 = vector.broadcast %add3A_441 : i32 to vector<16xi32>
          %add3A_443 = arith.addi %broadcast_in_dim3A, %add3A_442 : vector<16xi32>
          %gather3A_444 = tpu.vector_load_idx %arg6[%iota3A, %add3A_443] : memref<16x1025xf32, #tpu.memory_space<vmem>>[vector<16xi32>, vector<16xi32>], vector<16xf32>,
          %add3A_445 = arith.constant 30 : i32
          %add3A_446 = vector.broadcast %add3A_445 : i32 to vector<16xi32>
          %add3A_447 = arith.addi %broadcast_in_dim3A, %add3A_446 : vector<16xi32>
          %gather3A_448 = tpu.vector_load_idx %arg6[%iota3A, %add3A_447] : memref<16x1025xf32, #tpu.memory_space<vmem>>[vector<16xi32>, vector<16xi32>], vector<16xf32>,
          %add3A_449 = arith.constant 31 : i32
          %add3A_450 = vector.broadcast %add3A_449 : i32 to vector<16xi32>
          %add3A_451 = arith.addi %broadcast_in_dim3A, %add3A_450 : vector<16xi32>
          %gather3A_452 = tpu.vector_load_idx %arg6[%iota3A, %add3A_451] : memref<16x1025xf32, #tpu.memory_space<vmem>>[vector<16xi32>, vector<16xi32>], vector<16xf32>,
          %mul3A_453 = arith.constant 32 : i32
          %mul3A_454 = arith.muli %scan3A_164, %mul3A_453 : i32
          %add3A_455 = arith.constant 16 : i32
          %add3A_456 = arith.addi %mul3A_454, %add3A_455 : i32
          %add3A_457 = arith.constant 0 : i32
          %add3A_458 = arith.addi %add3A_456, %add3A_457 : i32
          %mul3A_459 = arith.constant 16 : i32
          %mul3A_460 = arith.muli %add3A_458, %mul3A_459 : i32
          %swap3A_461 = arith.index_cast %mul3A_460 : i32 to index
          %swap3A_462 = tpu.vector_load %arg8[%swap3A_461] {strides = array<i32>} : memref<16384xf32, #tpu.memory_space<vmem>>, vector<16xf32>,
          tpu.vector_store %arg8[%swap3A_461], %gather3A_392 {strides = array<i32>} : memref<16384xf32, #tpu.memory_space<vmem>>, vector<16xf32>,
          %mul3A_463 = arith.constant 32 : i32
          %mul3A_464 = arith.muli %scan3A_164, %mul3A_463 : i32
          %add3A_465 = arith.constant 16 : i32
          %add3A_466 = arith.addi %mul3A_464, %add3A_465 : i32
          %add3A_467 = arith.constant 1 : i32
          %add3A_468 = arith.addi %add3A_466, %add3A_467 : i32
          %mul3A_469 = arith.constant 16 : i32
          %mul3A_470 = arith.muli %add3A_468, %mul3A_469 : i32
          %swap3A_471 = arith.index_cast %mul3A_470 : i32 to index
          %swap3A_472 = tpu.vector_load %arg8[%swap3A_471] {strides = array<i32>} : memref<16384xf32, #tpu.memory_space<vmem>>, vector<16xf32>,
          tpu.vector_store %arg8[%swap3A_471], %gather3A_396 {strides = array<i32>} : memref<16384xf32, #tpu.memory_space<vmem>>, vector<16xf32>,
          %mul3A_473 = arith.constant 32 : i32
          %mul3A_474 = arith.muli %scan3A_164, %mul3A_473 : i32
          %add3A_475 = arith.constant 16 : i32
          %add3A_476 = arith.addi %mul3A_474, %add3A_475 : i32
          %add3A_477 = arith.constant 2 : i32
          %add3A_478 = arith.addi %add3A_476, %add3A_477 : i32
          %mul3A_479 = arith.constant 16 : i32
          %mul3A_480 = arith.muli %add3A_478, %mul3A_479 : i32
          %swap3A_481 = arith.index_cast %mul3A_480 : i32 to index
          %swap3A_482 = tpu.vector_load %arg8[%swap3A_481] {strides = array<i32>} : memref<16384xf32, #tpu.memory_space<vmem>>, vector<16xf32>,
          tpu.vector_store %arg8[%swap3A_481], %gather3A_400 {strides = array<i32>} : memref<16384xf32, #tpu.memory_space<vmem>>, vector<16xf32>,
          %mul3A_483 = arith.constant 32 : i32
          %mul3A_484 = arith.muli %scan3A_164, %mul3A_483 : i32
          %add3A_485 = arith.constant 16 : i32
          %add3A_486 = arith.addi %mul3A_484, %add3A_485 : i32
          %add3A_487 = arith.constant 3 : i32
          %add3A_488 = arith.addi %add3A_486, %add3A_487 : i32
          %mul3A_489 = arith.constant 16 : i32
          %mul3A_490 = arith.muli %add3A_488, %mul3A_489 : i32
          %swap3A_491 = arith.index_cast %mul3A_490 : i32 to index
          %swap3A_492 = tpu.vector_load %arg8[%swap3A_491] {strides = array<i32>} : memref<16384xf32, #tpu.memory_space<vmem>>, vector<16xf32>,
          tpu.vector_store %arg8[%swap3A_491], %gather3A_404 {strides = array<i32>} : memref<16384xf32, #tpu.memory_space<vmem>>, vector<16xf32>,
          %mul3A_493 = arith.constant 32 : i32
          %mul3A_494 = arith.muli %scan3A_164, %mul3A_493 : i32
          %add3A_495 = arith.constant 16 : i32
          %add3A_496 = arith.addi %mul3A_494, %add3A_495 : i32
          %add3A_497 = arith.constant 4 : i32
          %add3A_498 = arith.addi %add3A_496, %add3A_497 : i32
          %mul3A_499 = arith.constant 16 : i32
          %mul3A_500 = arith.muli %add3A_498, %mul3A_499 : i32
          %swap3A_501 = arith.index_cast %mul3A_500 : i32 to index
          %swap3A_502 = tpu.vector_load %arg8[%swap3A_501] {strides = array<i32>} : memref<16384xf32, #tpu.memory_space<vmem>>, vector<16xf32>,
          tpu.vector_store %arg8[%swap3A_501], %gather3A_408 {strides = array<i32>} : memref<16384xf32, #tpu.memory_space<vmem>>, vector<16xf32>,
          %mul3A_503 = arith.constant 32 : i32
          %mul3A_504 = arith.muli %scan3A_164, %mul3A_503 : i32
          %add3A_505 = arith.constant 16 : i32
          %add3A_506 = arith.addi %mul3A_504, %add3A_505 : i32
          %add3A_507 = arith.constant 5 : i32
          %add3A_508 = arith.addi %add3A_506, %add3A_507 : i32
          %mul3A_509 = arith.constant 16 : i32
          %mul3A_510 = arith.muli %add3A_508, %mul3A_509 : i32
          %swap3A_511 = arith.index_cast %mul3A_510 : i32 to index
          %swap3A_512 = tpu.vector_load %arg8[%swap3A_511] {strides = array<i32>} : memref<16384xf32, #tpu.memory_space<vmem>>, vector<16xf32>,
          tpu.vector_store %arg8[%swap3A_511], %gather3A_412 {strides = array<i32>} : memref<16384xf32, #tpu.memory_space<vmem>>, vector<16xf32>,
          %mul3A_513 = arith.constant 32 : i32
          %mul3A_514 = arith.muli %scan3A_164, %mul3A_513 : i32
          %add3A_515 = arith.constant 16 : i32
          %add3A_516 = arith.addi %mul3A_514, %add3A_515 : i32
          %add3A_517 = arith.constant 6 : i32
          %add3A_518 = arith.addi %add3A_516, %add3A_517 : i32
          %mul3A_519 = arith.constant 16 : i32
          %mul3A_520 = arith.muli %add3A_518, %mul3A_519 : i32
          %swap3A_521 = arith.index_cast %mul3A_520 : i32 to index
          %swap3A_522 = tpu.vector_load %arg8[%swap3A_521] {strides = array<i32>} : memref<16384xf32, #tpu.memory_space<vmem>>, vector<16xf32>,
          tpu.vector_store %arg8[%swap3A_521], %gather3A_416 {strides = array<i32>} : memref<16384xf32, #tpu.memory_space<vmem>>, vector<16xf32>,
          %mul3A_523 = arith.constant 32 : i32
          %mul3A_524 = arith.muli %scan3A_164, %mul3A_523 : i32
          %add3A_525 = arith.constant 16 : i32
          %add3A_526 = arith.addi %mul3A_524, %add3A_525 : i32
          %add3A_527 = arith.constant 7 : i32
          %add3A_528 = arith.addi %add3A_526, %add3A_527 : i32
          %mul3A_529 = arith.constant 16 : i32
          %mul3A_530 = arith.muli %add3A_528, %mul3A_529 : i32
          %swap3A_531 = arith.index_cast %mul3A_530 : i32 to index
          %swap3A_532 = tpu.vector_load %arg8[%swap3A_531] {strides = array<i32>} : memref<16384xf32, #tpu.memory_space<vmem>>, vector<16xf32>,
          tpu.vector_store %arg8[%swap3A_531], %gather3A_420 {strides = array<i32>} : memref<16384xf32, #tpu.memory_space<vmem>>, vector<16xf32>,
          %mul3A_533 = arith.constant 32 : i32
          %mul3A_534 = arith.muli %scan3A_164, %mul3A_533 : i32
          %add3A_535 = arith.constant 16 : i32
          %add3A_536 = arith.addi %mul3A_534, %add3A_535 : i32
          %add3A_537 = arith.constant 8 : i32
          %add3A_538 = arith.addi %add3A_536, %add3A_537 : i32
          %mul3A_539 = arith.constant 16 : i32
          %mul3A_540 = arith.muli %add3A_538, %mul3A_539 : i32
          %swap3A_541 = arith.index_cast %mul3A_540 : i32 to index
          %swap3A_542 = tpu.vector_load %arg8[%swap3A_541] {strides = array<i32>} : memref<16384xf32, #tpu.memory_space<vmem>>, vector<16xf32>,
          tpu.vector_store %arg8[%swap3A_541], %gather3A_424 {strides = array<i32>} : memref<16384xf32, #tpu.memory_space<vmem>>, vector<16xf32>,
          %mul3A_543 = arith.constant 32 : i32
          %mul3A_544 = arith.muli %scan3A_164, %mul3A_543 : i32
          %add3A_545 = arith.constant 16 : i32
          %add3A_546 = arith.addi %mul3A_544, %add3A_545 : i32
          %add3A_547 = arith.constant 9 : i32
          %add3A_548 = arith.addi %add3A_546, %add3A_547 : i32
          %mul3A_549 = arith.constant 16 : i32
          %mul3A_550 = arith.muli %add3A_548, %mul3A_549 : i32
          %swap3A_551 = arith.index_cast %mul3A_550 : i32 to index
          %swap3A_552 = tpu.vector_load %arg8[%swap3A_551] {strides = array<i32>} : memref<16384xf32, #tpu.memory_space<vmem>>, vector<16xf32>,
          tpu.vector_store %arg8[%swap3A_551], %gather3A_428 {strides = array<i32>} : memref<16384xf32, #tpu.memory_space<vmem>>, vector<16xf32>,
          %mul3A_553 = arith.constant 32 : i32
          %mul3A_554 = arith.muli %scan3A_164, %mul3A_553 : i32
          %add3A_555 = arith.constant 16 : i32
          %add3A_556 = arith.addi %mul3A_554, %add3A_555 : i32
          %add3A_557 = arith.constant 10 : i32
          %add3A_558 = arith.addi %add3A_556, %add3A_557 : i32
          %mul3A_559 = arith.constant 16 : i32
          %mul3A_560 = arith.muli %add3A_558, %mul3A_559 : i32
          %swap3A_561 = arith.index_cast %mul3A_560 : i32 to index
          %swap3A_562 = tpu.vector_load %arg8[%swap3A_561] {strides = array<i32>} : memref<16384xf32, #tpu.memory_space<vmem>>, vector<16xf32>,
          tpu.vector_store %arg8[%swap3A_561], %gather3A_432 {strides = array<i32>} : memref<16384xf32, #tpu.memory_space<vmem>>, vector<16xf32>,
          %mul3A_563 = arith.constant 32 : i32
          %mul3A_564 = arith.muli %scan3A_164, %mul3A_563 : i32
          %add3A_565 = arith.constant 16 : i32
          %add3A_566 = arith.addi %mul3A_564, %add3A_565 : i32
          %add3A_567 = arith.constant 11 : i32
          %add3A_568 = arith.addi %add3A_566, %add3A_567 : i32
          %mul3A_569 = arith.constant 16 : i32
          %mul3A_570 = arith.muli %add3A_568, %mul3A_569 : i32
          %swap3A_571 = arith.index_cast %mul3A_570 : i32 to index
          %swap3A_572 = tpu.vector_load %arg8[%swap3A_571] {strides = array<i32>} : memref<16384xf32, #tpu.memory_space<vmem>>, vector<16xf32>,
          tpu.vector_store %arg8[%swap3A_571], %gather3A_436 {strides = array<i32>} : memref<16384xf32, #tpu.memory_space<vmem>>, vector<16xf32>,
          %mul3A_573 = arith.constant 32 : i32
          %mul3A_574 = arith.muli %scan3A_164, %mul3A_573 : i32
          %add3A_575 = arith.constant 16 : i32
          %add3A_576 = arith.addi %mul3A_574, %add3A_575 : i32
          %add3A_577 = arith.constant 12 : i32
          %add3A_578 = arith.addi %add3A_576, %add3A_577 : i32
          %mul3A_579 = arith.constant 16 : i32
          %mul3A_580 = arith.muli %add3A_578, %mul3A_579 : i32
          %swap3A_581 = arith.index_cast %mul3A_580 : i32 to index
          %swap3A_582 = tpu.vector_load %arg8[%swap3A_581] {strides = array<i32>} : memref<16384xf32, #tpu.memory_space<vmem>>, vector<16xf32>,
          tpu.vector_store %arg8[%swap3A_581], %gather3A_440 {strides = array<i32>} : memref<16384xf32, #tpu.memory_space<vmem>>, vector<16xf32>,
          %mul3A_583 = arith.constant 32 : i32
          %mul3A_584 = arith.muli %scan3A_164, %mul3A_583 : i32
          %add3A_585 = arith.constant 16 : i32
          %add3A_586 = arith.addi %mul3A_584, %add3A_585 : i32
          %add3A_587 = arith.constant 13 : i32
          %add3A_588 = arith.addi %add3A_586, %add3A_587 : i32
          %mul3A_589 = arith.constant 16 : i32
          %mul3A_590 = arith.muli %add3A_588, %mul3A_589 : i32
          %swap3A_591 = arith.index_cast %mul3A_590 : i32 to index
          %swap3A_592 = tpu.vector_load %arg8[%swap3A_591] {strides = array<i32>} : memref<16384xf32, #tpu.memory_space<vmem>>, vector<16xf32>,
          tpu.vector_store %arg8[%swap3A_591], %gather3A_444 {strides = array<i32>} : memref<16384xf32, #tpu.memory_space<vmem>>, vector<16xf32>,
          %mul3A_593 = arith.constant 32 : i32
          %mul3A_594 = arith.muli %scan3A_164, %mul3A_593 : i32
          %add3A_595 = arith.constant 16 : i32
          %add3A_596 = arith.addi %mul3A_594, %add3A_595 : i32
          %add3A_597 = arith.constant 14 : i32
          %add3A_598 = arith.addi %add3A_596, %add3A_597 : i32
          %mul3A_599 = arith.constant 16 : i32
          %mul3A_600 = arith.muli %add3A_598, %mul3A_599 : i32
          %swap3A_601 = arith.index_cast %mul3A_600 : i32 to index
          %swap3A_602 = tpu.vector_load %arg8[%swap3A_601] {strides = array<i32>} : memref<16384xf32, #tpu.memory_space<vmem>>, vector<16xf32>,
          tpu.vector_store %arg8[%swap3A_601], %gather3A_448 {strides = array<i32>} : memref<16384xf32, #tpu.memory_space<vmem>>, vector<16xf32>,
          %mul3A_603 = arith.constant 32 : i32
          %mul3A_604 = arith.muli %scan3A_164, %mul3A_603 : i32
          %add3A_605 = arith.constant 16 : i32
          %add3A_606 = arith.addi %mul3A_604, %add3A_605 : i32
          %add3A_607 = arith.constant 15 : i32
          %add3A_608 = arith.addi %add3A_606, %add3A_607 : i32
          %mul3A_609 = arith.constant 16 : i32
          %mul3A_610 = arith.muli %add3A_608, %mul3A_609 : i32
          %swap3A_611 = arith.index_cast %mul3A_610 : i32 to index
          %swap3A_612 = tpu.vector_load %arg8[%swap3A_611] {strides = array<i32>} : memref<16384xf32, #tpu.memory_space<vmem>>, vector<16xf32>,
          tpu.vector_store %arg8[%swap3A_611], %gather3A_452 {strides = array<i32>} : memref<16384xf32, #tpu.memory_space<vmem>>, vector<16xf32>,
        }
        %scan3A_154 = arith.constant 32 : i32
        %mul3A_155 = arith.constant 32 : i32
        %mul3A_156 = arith.muli %add3A_105, %mul3A_155 : i32
        %add3A_157 = arith.addi %add3A, %mul3A_156 : i32
        %mul3A_158 = arith.constant 1024 : i32
        %mul3A_159 = arith.muli %add3A_157, %mul3A_158 : i32
        %mul3A_160 = arith.constant 16 : i32
        %mul3A_161 = arith.muli %mul3A_159, %mul3A_160 : i32
        %dma_start3A_162 = tpu.memref_slice %arg4[%mul3A_161] : memref<16000000xf32, #tpu.memory_space<hbm>> -> memref<16384xf32, #tpu.memory_space<hbm>>
        %dma_start3A_163 = tpu.memref_slice %arg4[%mul3A_161] : memref<16000000xf32, #tpu.memory_space<hbm>> -> memref<16384xf32, #tpu.memory_space<hbm>>
        tpu.enqueue_dma source(%arg8 : memref<16384xf32, #tpu.memory_space<vmem>>) target(%dma_start3A_163 : memref<16384xf32, #tpu.memory_space<hbm>>) target_semaphore(%arg13 : memref<!tpu.dma_semaphore, #tpu.memory_space<semaphore_mem>>)
      } else {
      }
      %add3A_114 = arith.constant 2 : i32
      %add3A_115 = arith.addi %add3A_105, %add3A_114 : i32
      %mul3A_116 = arith.constant 32 : i32
      %mul3A_117 = arith.muli %add3A_115, %mul3A_116 : i32
      %add3A_118 = arith.addi %add3A, %mul3A_117 : i32
      %lt3A_119 = arith.constant 976 : i32
      %lt3A_120 = arith.cmpi slt, %add3A_118, %lt3A_119 : i32
      %and3A_121 = arith.andi %lt3A_110, %lt3A_120 : i1
      %convert_element_type3A_122 = arith.extui %and3A_121 : i1 to i32
      %cond3A_123 = arith.constant 0 : i32
      %cond3A_124 = arith.cmpi ne, %convert_element_type3A_122, %cond3A_123 : i32
      scf.if %cond3A_124 {
        %add3A_125 = arith.constant 2 : i32
        %add3A_126 = arith.addi %add3A_105, %add3A_125 : i32
        %mul3A_127 = arith.constant 32 : i32
        %mul3A_128 = arith.muli %add3A_126, %mul3A_127 : i32
        %add3A_129 = arith.addi %add3A, %mul3A_128 : i32
        %mul3A_130 = arith.constant 1024 : i32
        %mul3A_131 = arith.muli %add3A_129, %mul3A_130 : i32
        %dma_start3A_132 = arith.constant 0 : i32
        %dma_start3A_133 = arith.constant 0 : i32
        %dma_start3A_134 = tpu.memref_slice %arg6[%dma_start3A_132, %dma_start3A_133] : memref<16x1025xf32, #tpu.memory_space<vmem>> -> memref<16x1024xf32, #tpu.memory_space<vmem>>
        %dma_start3A_135 = arith.constant 0 : i32
        %dma_start3A_136 = tpu.memref_slice %arg2[%dma_start3A_135, %mul3A_131] : memref<16x1000000xf32, #tpu.memory_space<hbm>> -> memref<16x1024xf32, #tpu.memory_space<hbm>>
        %dma_start3A_137 = arith.constant 0 : i32
        %dma_start3A_138 = arith.constant 0 : i32
        %dma_start3A_139 = tpu.memref_slice %arg6[%dma_start3A_137, %dma_start3A_138] : memref<16x1025xf32, #tpu.memory_space<vmem>> -> memref<16x1024xf32, #tpu.memory_space<vmem>>
        %dma_start3A_140 = arith.constant 0 : i32
        %dma_start3A_141 = tpu.memref_slice %arg2[%dma_start3A_140, %mul3A_131] : memref<16x1000000xf32, #tpu.memory_space<hbm>> -> memref<16x1024xf32, #tpu.memory_space<hbm>>
        tpu.enqueue_dma source(%dma_start3A_141 : memref<16x1024xf32, #tpu.memory_space<hbm>>) target(%dma_start3A_139 : memref<16x1024xf32, #tpu.memory_space<vmem>>) target_semaphore(%arg11 : memref<!tpu.dma_semaphore, #tpu.memory_space<semaphore_mem>>)
      } else {
      }
    }
    %scan3A_58 = arith.constant 15 : i32
    %add3A_59 = arith.constant 0 : i32
    %add3A_60 = arith.addi %add3A, %add3A_59 : i32
    %mul3A_61 = arith.constant 1024 : i32
    %mul3A_62 = arith.muli %add3A_60, %mul3A_61 : i32
    %mul3A_63 = arith.constant 16 : i32
    %mul3A_64 = arith.muli %mul3A_62, %mul3A_63 : i32
    %dma_wait3A = tpu.memref_slice %arg4[%mul3A_64] : memref<16000000xf32, #tpu.memory_space<hbm>> -> memref<16384xf32, #tpu.memory_space<hbm>>
    %dma_wait3A_65 = tpu.memref_slice %arg4[%mul3A_64] : memref<16000000xf32, #tpu.memory_space<hbm>> -> memref<16384xf32, #tpu.memory_space<hbm>>
    tpu.wait_dma2 semaphore(%arg12 : memref<!tpu.dma_semaphore, #tpu.memory_space<semaphore_mem>>) src(%arg7 : memref<16384xf32, #tpu.memory_space<vmem>>) dst(%dma_wait3A_65 : memref<16384xf32, #tpu.memory_space<hbm>>)
    %add3A_66 = arith.constant 32 : i32
    %add3A_67 = arith.addi %add3A, %add3A_66 : i32
    %mul3A_68 = arith.constant 1024 : i32
    %mul3A_69 = arith.muli %add3A_67, %mul3A_68 : i32
    %mul3A_70 = arith.constant 16 : i32
    %mul3A_71 = arith.muli %mul3A_69, %mul3A_70 : i32
    %dma_wait3A_72 = tpu.memref_slice %arg4[%mul3A_71] : memref<16000000xf32, #tpu.memory_space<hbm>> -> memref<16384xf32, #tpu.memory_space<hbm>>
    %dma_wait3A_73 = tpu.memref_slice %arg4[%mul3A_71] : memref<16000000xf32, #tpu.memory_space<hbm>> -> memref<16384xf32, #tpu.memory_space<hbm>>
    tpu.wait_dma2 semaphore(%arg13 : memref<!tpu.dma_semaphore, #tpu.memory_space<semaphore_mem>>) src(%arg8 : memref<16384xf32, #tpu.memory_space<vmem>>) dst(%dma_wait3A_73 : memref<16384xf32, #tpu.memory_space<hbm>>)
    %eq3A = arith.constant 0 : i32
    %eq3A_74 = arith.cmpi eq, %add3A, %eq3A : i32
    %convert_element_type3A_75 = arith.extui %eq3A_74 : i1 to i32
    %cond3A_76 = arith.constant 0 : i32
    %cond3A_77 = arith.cmpi ne, %convert_element_type3A_75, %cond3A_76 : i32
    scf.if %cond3A_77 {
      tpu.enqueue_dma source(%arg3 : memref<9216xf32, #tpu.memory_space<hbm>>) target(%arg9 : memref<9216xf32, #tpu.memory_space<vmem>>) target_semaphore(%arg14 : memref<!tpu.dma_semaphore, #tpu.memory_space<semaphore_mem>>)
      tpu.wait_dma2 semaphore(%arg14 : memref<!tpu.dma_semaphore, #tpu.memory_space<semaphore_mem>>) src(%arg3 : memref<9216xf32, #tpu.memory_space<hbm>>) dst(%arg9 : memref<9216xf32, #tpu.memory_space<vmem>>)
      %dma_start3A_78 = arith.constant 15990784 : i32
      %dma_start3A_79 = tpu.memref_slice %arg4[%dma_start3A_78] : memref<16000000xf32, #tpu.memory_space<hbm>> -> memref<9216xf32, #tpu.memory_space<hbm>>
      %dma_start3A_80 = arith.constant 15990784 : i32
      %dma_start3A_81 = tpu.memref_slice %arg4[%dma_start3A_80] : memref<16000000xf32, #tpu.memory_space<hbm>> -> memref<9216xf32, #tpu.memory_space<hbm>>
      tpu.enqueue_dma source(%arg9 : memref<9216xf32, #tpu.memory_space<vmem>>) target(%dma_start3A_81 : memref<9216xf32, #tpu.memory_space<hbm>>) target_semaphore(%arg14 : memref<!tpu.dma_semaphore, #tpu.memory_space<semaphore_mem>>)
      %dma_wait3A_82 = arith.constant 15990784 : i32
      %dma_wait3A_83 = tpu.memref_slice %arg4[%dma_wait3A_82] : memref<16000000xf32, #tpu.memory_space<hbm>> -> memref<9216xf32, #tpu.memory_space<hbm>>
      %dma_wait3A_84 = arith.constant 15990784 : i32
      %dma_wait3A_85 = tpu.memref_slice %arg4[%dma_wait3A_84] : memref<16000000xf32, #tpu.memory_space<hbm>> -> memref<9216xf32, #tpu.memory_space<hbm>>
      tpu.wait_dma2 semaphore(%arg14 : memref<!tpu.dma_semaphore, #tpu.memory_space<semaphore_mem>>) src(%arg9 : memref<9216xf32, #tpu.memory_space<vmem>>) dst(%dma_wait3A_85 : memref<9216xf32, #tpu.memory_space<hbm>>)
    } else {
    }
    return
  }
}

#map = affine_map<(d0, d1) -> (0, 0)>
#map1 = affine_map<(d0, d1) -> (0, 0, 0)>
module attributes {stable_mosaic.version = 14 : i64} {
  func.func @_gather_body(%arg0: i32, %arg1: i32, %arg2: memref<1600x2048xi32, #tpu.memory_space<hbm>>, %arg3: memref<1000000x16xf32, #tpu.memory_space<hbm>>, %arg4: memref<1600x2048x16xf32, #tpu.memory_space<hbm>>, %arg5: memref<2048xi32, #tpu.memory_space<vmem>>, %arg6: memref<2048xi32, #tpu.memory_space<vmem>>, %arg7: memref<2048x16xf32, #tpu.memory_space<vmem>>, %arg8: memref<2048x16xf32, #tpu.memory_space<vmem>>, %arg9: memref<!tpu.dma_semaphore, #tpu.memory_space<semaphore_mem>>, %arg10: memref<!tpu.dma_semaphore, #tpu.memory_space<semaphore_mem>>, %arg11: memref<!tpu.dma_semaphore, #tpu.memory_space<semaphore_mem>>, %arg12: memref<!tpu.dma_semaphore, #tpu.memory_space<semaphore_mem>>, %arg13: memref<!tpu.dma_semaphore, #tpu.memory_space<semaphore_mem>>, %arg14: memref<!tpu.dma_semaphore, #tpu.memory_space<semaphore_mem>>) attributes {dimension_semantics = [#tpu.dimension_semantics<core_parallel>, #tpu.dimension_semantics<subcore_parallel>], iteration_bounds = array<i64: 2, 16>, scalar_prefetch = 0 : i64, scratch_operands = 10 : i64, tpu.core_type = #tpu.core_type<sc_vector_subcore>, window_params = [{transform_indices = #map}, {transform_indices = #map}, {transform_indices = #map1}]} {
    %mul3A = arith.constant 2 : i32
    %mul3A_0 = arith.muli %arg1, %mul3A : i32
    %add3A = arith.addi %mul3A_0, %arg0 : i32
    %mul3A_1 = arith.constant 50 : i32
    %mul3A_2 = arith.muli %add3A, %mul3A_1 : i32
    %add3A_3 = arith.constant 0 : i32
    %add3A_4 = arith.addi %mul3A_2, %add3A_3 : i32
    %dma_start3A = arith.constant 0 : i32
    %dma_start3A_5 = tpu.memref_slice %arg2[%add3A_4, %dma_start3A] : memref<1600x2048xi32, #tpu.memory_space<hbm>> -> memref<1x2048xi32, #tpu.memory_space<hbm>>
    %dma_start3A_6 = tpu.memref_squeeze %dma_start3A_5 : memref<1x2048xi32, #tpu.memory_space<hbm>> -> memref<2048xi32, #tpu.memory_space<hbm>>
    %dma_start3A_7 = arith.constant 0 : i32
    %dma_start3A_8 = tpu.memref_slice %arg2[%add3A_4, %dma_start3A_7] : memref<1600x2048xi32, #tpu.memory_space<hbm>> -> memref<1x2048xi32, #tpu.memory_space<hbm>>
    %dma_start3A_9 = tpu.memref_squeeze %dma_start3A_8 : memref<1x2048xi32, #tpu.memory_space<hbm>> -> memref<2048xi32, #tpu.memory_space<hbm>>
    tpu.enqueue_dma source(%dma_start3A_9 : memref<2048xi32, #tpu.memory_space<hbm>>) target(%arg5 : memref<2048xi32, #tpu.memory_space<vmem>>) target_semaphore(%arg9 : memref<!tpu.dma_semaphore, #tpu.memory_space<semaphore_mem>>)
    %add3A_10 = arith.constant 1 : i32
    %add3A_11 = arith.addi %mul3A_2, %add3A_10 : i32
    %dma_start3A_12 = arith.constant 0 : i32
    %dma_start3A_13 = tpu.memref_slice %arg2[%add3A_11, %dma_start3A_12] : memref<1600x2048xi32, #tpu.memory_space<hbm>> -> memref<1x2048xi32, #tpu.memory_space<hbm>>
    %dma_start3A_14 = tpu.memref_squeeze %dma_start3A_13 : memref<1x2048xi32, #tpu.memory_space<hbm>> -> memref<2048xi32, #tpu.memory_space<hbm>>
    %dma_start3A_15 = arith.constant 0 : i32
    %dma_start3A_16 = tpu.memref_slice %arg2[%add3A_11, %dma_start3A_15] : memref<1600x2048xi32, #tpu.memory_space<hbm>> -> memref<1x2048xi32, #tpu.memory_space<hbm>>
    %dma_start3A_17 = tpu.memref_squeeze %dma_start3A_16 : memref<1x2048xi32, #tpu.memory_space<hbm>> -> memref<2048xi32, #tpu.memory_space<hbm>>
    tpu.enqueue_dma source(%dma_start3A_17 : memref<2048xi32, #tpu.memory_space<hbm>>) target(%arg6 : memref<2048xi32, #tpu.memory_space<vmem>>) target_semaphore(%arg10 : memref<!tpu.dma_semaphore, #tpu.memory_space<semaphore_mem>>)
    %add3A_18 = arith.constant 0 : i32
    %add3A_19 = arith.addi %mul3A_2, %add3A_18 : i32
    %dma_wait3A = arith.constant 0 : i32
    %dma_wait3A_20 = tpu.memref_slice %arg2[%add3A_19, %dma_wait3A] : memref<1600x2048xi32, #tpu.memory_space<hbm>> -> memref<1x2048xi32, #tpu.memory_space<hbm>>
    %dma_wait3A_21 = tpu.memref_squeeze %dma_wait3A_20 : memref<1x2048xi32, #tpu.memory_space<hbm>> -> memref<2048xi32, #tpu.memory_space<hbm>>
    %dma_wait3A_22 = arith.constant 0 : i32
    %dma_wait3A_23 = tpu.memref_slice %arg2[%add3A_19, %dma_wait3A_22] : memref<1600x2048xi32, #tpu.memory_space<hbm>> -> memref<1x2048xi32, #tpu.memory_space<hbm>>
    %dma_wait3A_24 = tpu.memref_squeeze %dma_wait3A_23 : memref<1x2048xi32, #tpu.memory_space<hbm>> -> memref<2048xi32, #tpu.memory_space<hbm>>
    tpu.wait_dma2 semaphore(%arg9 : memref<!tpu.dma_semaphore, #tpu.memory_space<semaphore_mem>>) src(%dma_wait3A_24 : memref<2048xi32, #tpu.memory_space<hbm>>) dst(%arg5 : memref<2048xi32, #tpu.memory_space<vmem>>)
    %dma_start3A_25 = arith.constant 0 : i32
    %dma_start3A_26 = arith.constant 0 : i32
    %dma_start3A_27 = tpu.memref_slice %arg3[%dma_start3A_25, %dma_start3A_26] : memref<1000000x16xf32, #tpu.memory_space<hbm>> -> memref<1000000x16xf32, #tpu.memory_space<hbm>>
    tpu.enqueue_indirect_dma source(%dma_start3A_27 : memref<1000000x16xf32, #tpu.memory_space<hbm>>) target(%arg7 : memref<2048x16xf32, #tpu.memory_space<vmem>>) offsets(%arg5 : memref<2048xi32, #tpu.memory_space<vmem>>) semaphore(%arg11 : memref<!tpu.dma_semaphore, #tpu.memory_space<semaphore_mem>>)
    %dma_wait3A_28 = arith.constant 0 : i32
    %dma_wait3A_29 = arith.constant 0 : i32
    %dma_wait3A_30 = tpu.memref_slice %arg3[%dma_wait3A_28, %dma_wait3A_29] : memref<1000000x16xf32, #tpu.memory_space<hbm>> -> memref<1000000x16xf32, #tpu.memory_space<hbm>>
    tpu.wait_indirect_dma semaphore(%arg11 : memref<!tpu.dma_semaphore, #tpu.memory_space<semaphore_mem>>) src(%dma_wait3A_30 : memref<1000000x16xf32, #tpu.memory_space<hbm>>) dst(%arg7 : memref<2048x16xf32, #tpu.memory_space<vmem>>)
    %add3A_31 = arith.constant 0 : i32
    %add3A_32 = arith.addi %mul3A_2, %add3A_31 : i32
    %dma_start3A_33 = arith.constant 0 : i32
    %dma_start3A_34 = arith.constant 0 : i32
    %dma_start3A_35 = tpu.memref_slice %arg4[%add3A_32, %dma_start3A_33, %dma_start3A_34] : memref<1600x2048x16xf32, #tpu.memory_space<hbm>> -> memref<1x2048x16xf32, #tpu.memory_space<hbm>>
    %dma_start3A_36 = tpu.memref_squeeze %dma_start3A_35 : memref<1x2048x16xf32, #tpu.memory_space<hbm>> -> memref<2048x16xf32, #tpu.memory_space<hbm>>
    %dma_start3A_37 = arith.constant 0 : i32
    %dma_start3A_38 = arith.constant 0 : i32
    %dma_start3A_39 = tpu.memref_slice %arg4[%add3A_32, %dma_start3A_37, %dma_start3A_38] : memref<1600x2048x16xf32, #tpu.memory_space<hbm>> -> memref<1x2048x16xf32, #tpu.memory_space<hbm>>
    %dma_start3A_40 = tpu.memref_squeeze %dma_start3A_39 : memref<1x2048x16xf32, #tpu.memory_space<hbm>> -> memref<2048x16xf32, #tpu.memory_space<hbm>>
    tpu.enqueue_dma source(%arg7 : memref<2048x16xf32, #tpu.memory_space<vmem>>) target(%dma_start3A_40 : memref<2048x16xf32, #tpu.memory_space<hbm>>) target_semaphore(%arg13 : memref<!tpu.dma_semaphore, #tpu.memory_space<semaphore_mem>>)
    %min3A = arith.constant 2 : i32
    %min3A_41 = arith.constant 49 : i32
    %min3A_42 = arith.minsi %min3A, %min3A_41 : i32
    %add3A_43 = arith.addi %mul3A_2, %min3A_42 : i32
    %dma_start3A_44 = arith.constant 0 : i32
    %dma_start3A_45 = tpu.memref_slice %arg2[%add3A_43, %dma_start3A_44] : memref<1600x2048xi32, #tpu.memory_space<hbm>> -> memref<1x2048xi32, #tpu.memory_space<hbm>>
    %dma_start3A_46 = tpu.memref_squeeze %dma_start3A_45 : memref<1x2048xi32, #tpu.memory_space<hbm>> -> memref<2048xi32, #tpu.memory_space<hbm>>
    %dma_start3A_47 = arith.constant 0 : i32
    %dma_start3A_48 = tpu.memref_slice %arg2[%add3A_43, %dma_start3A_47] : memref<1600x2048xi32, #tpu.memory_space<hbm>> -> memref<1x2048xi32, #tpu.memory_space<hbm>>
    %dma_start3A_49 = tpu.memref_squeeze %dma_start3A_48 : memref<1x2048xi32, #tpu.memory_space<hbm>> -> memref<2048xi32, #tpu.memory_space<hbm>>
    tpu.enqueue_dma source(%dma_start3A_49 : memref<2048xi32, #tpu.memory_space<hbm>>) target(%arg5 : memref<2048xi32, #tpu.memory_space<vmem>>) target_semaphore(%arg9 : memref<!tpu.dma_semaphore, #tpu.memory_space<semaphore_mem>>)
    %add3A_50 = arith.constant 1 : i32
    %add3A_51 = arith.addi %mul3A_2, %add3A_50 : i32
    %dma_wait3A_52 = arith.constant 0 : i32
    %dma_wait3A_53 = tpu.memref_slice %arg2[%add3A_51, %dma_wait3A_52] : memref<1600x2048xi32, #tpu.memory_space<hbm>> -> memref<1x2048xi32, #tpu.memory_space<hbm>>
    %dma_wait3A_54 = tpu.memref_squeeze %dma_wait3A_53 : memref<1x2048xi32, #tpu.memory_space<hbm>> -> memref<2048xi32, #tpu.memory_space<hbm>>
    %dma_wait3A_55 = arith.constant 0 : i32
    %dma_wait3A_56 = tpu.memref_slice %arg2[%add3A_51, %dma_wait3A_55] : memref<1600x2048xi32, #tpu.memory_space<hbm>> -> memref<1x2048xi32, #tpu.memory_space<hbm>>
    %dma_wait3A_57 = tpu.memref_squeeze %dma_wait3A_56 : memref<1x2048xi32, #tpu.memory_space<hbm>> -> memref<2048xi32, #tpu.memory_space<hbm>>
    tpu.wait_dma2 semaphore(%arg10 : memref<!tpu.dma_semaphore, #tpu.memory_space<semaphore_mem>>) src(%dma_wait3A_57 : memref<2048xi32, #tpu.memory_space<hbm>>) dst(%arg6 : memref<2048xi32, #tpu.memory_space<vmem>>)
    %dma_start3A_58 = arith.constant 0 : i32
    %dma_start3A_59 = arith.constant 0 : i32
    %dma_start3A_60 = tpu.memref_slice %arg3[%dma_start3A_58, %dma_start3A_59] : memref<1000000x16xf32, #tpu.memory_space<hbm>> -> memref<1000000x16xf32, #tpu.memory_space<hbm>>
    tpu.enqueue_indirect_dma source(%dma_start3A_60 : memref<1000000x16xf32, #tpu.memory_space<hbm>>) target(%arg8 : memref<2048x16xf32, #tpu.memory_space<vmem>>) offsets(%arg6 : memref<2048xi32, #tpu.memory_space<vmem>>) semaphore(%arg12 : memref<!tpu.dma_semaphore, #tpu.memory_space<semaphore_mem>>)
    %dma_wait3A_61 = arith.constant 0 : i32
    %dma_wait3A_62 = arith.constant 0 : i32
    %dma_wait3A_63 = tpu.memref_slice %arg3[%dma_wait3A_61, %dma_wait3A_62] : memref<1000000x16xf32, #tpu.memory_space<hbm>> -> memref<1000000x16xf32, #tpu.memory_space<hbm>>
    tpu.wait_indirect_dma semaphore(%arg12 : memref<!tpu.dma_semaphore, #tpu.memory_space<semaphore_mem>>) src(%dma_wait3A_63 : memref<1000000x16xf32, #tpu.memory_space<hbm>>) dst(%arg8 : memref<2048x16xf32, #tpu.memory_space<vmem>>)
    %add3A_64 = arith.constant 1 : i32
    %add3A_65 = arith.addi %mul3A_2, %add3A_64 : i32
    %dma_start3A_66 = arith.constant 0 : i32
    %dma_start3A_67 = arith.constant 0 : i32
    %dma_start3A_68 = tpu.memref_slice %arg4[%add3A_65, %dma_start3A_66, %dma_start3A_67] : memref<1600x2048x16xf32, #tpu.memory_space<hbm>> -> memref<1x2048x16xf32, #tpu.memory_space<hbm>>
    %dma_start3A_69 = tpu.memref_squeeze %dma_start3A_68 : memref<1x2048x16xf32, #tpu.memory_space<hbm>> -> memref<2048x16xf32, #tpu.memory_space<hbm>>
    %dma_start3A_70 = arith.constant 0 : i32
    %dma_start3A_71 = arith.constant 0 : i32
    %dma_start3A_72 = tpu.memref_slice %arg4[%add3A_65, %dma_start3A_70, %dma_start3A_71] : memref<1600x2048x16xf32, #tpu.memory_space<hbm>> -> memref<1x2048x16xf32, #tpu.memory_space<hbm>>
    %dma_start3A_73 = tpu.memref_squeeze %dma_start3A_72 : memref<1x2048x16xf32, #tpu.memory_space<hbm>> -> memref<2048x16xf32, #tpu.memory_space<hbm>>
    tpu.enqueue_dma source(%arg8 : memref<2048x16xf32, #tpu.memory_space<vmem>>) target(%dma_start3A_73 : memref<2048x16xf32, #tpu.memory_space<hbm>>) target_semaphore(%arg14 : memref<!tpu.dma_semaphore, #tpu.memory_space<semaphore_mem>>)
    %min3A_74 = arith.constant 3 : i32
    %min3A_75 = arith.constant 49 : i32
    %min3A_76 = arith.minsi %min3A_74, %min3A_75 : i32
    %add3A_77 = arith.addi %mul3A_2, %min3A_76 : i32
    %dma_start3A_78 = arith.constant 0 : i32
    %dma_start3A_79 = tpu.memref_slice %arg2[%add3A_77, %dma_start3A_78] : memref<1600x2048xi32, #tpu.memory_space<hbm>> -> memref<1x2048xi32, #tpu.memory_space<hbm>>
    %dma_start3A_80 = tpu.memref_squeeze %dma_start3A_79 : memref<1x2048xi32, #tpu.memory_space<hbm>> -> memref<2048xi32, #tpu.memory_space<hbm>>
    %dma_start3A_81 = arith.constant 0 : i32
    %dma_start3A_82 = tpu.memref_slice %arg2[%add3A_77, %dma_start3A_81] : memref<1600x2048xi32, #tpu.memory_space<hbm>> -> memref<1x2048xi32, #tpu.memory_space<hbm>>
    %dma_start3A_83 = tpu.memref_squeeze %dma_start3A_82 : memref<1x2048xi32, #tpu.memory_space<hbm>> -> memref<2048xi32, #tpu.memory_space<hbm>>
    tpu.enqueue_dma source(%dma_start3A_83 : memref<2048xi32, #tpu.memory_space<hbm>>) target(%arg6 : memref<2048xi32, #tpu.memory_space<vmem>>) target_semaphore(%arg10 : memref<!tpu.dma_semaphore, #tpu.memory_space<semaphore_mem>>)
    %scan3A = arith.constant 0 : i32
    %scan3A_84 = arith.constant 0 : i32
    %scan3A_85 = arith.constant 24 : i32
    %scan3A_86 = arith.addi %scan3A_84, %scan3A_85 : i32
    %scan3A_87 = arith.constant 1 : i32
    scf.for %scan3A_125 = %scan3A_84 to %scan3A_86 step %scan3A_87  : i32 {
      %mul3A_126 = arith.constant 2 : i32
      %mul3A_127 = arith.muli %mul3A_126, %scan3A_125 : i32
      %add3A_128 = arith.constant 2 : i32
      %add3A_129 = arith.addi %add3A_128, %mul3A_127 : i32
      %add3A_130 = arith.addi %mul3A_2, %add3A_129 : i32
      %dma_wait3A_131 = arith.constant 0 : i32
      %dma_wait3A_132 = tpu.memref_slice %arg2[%add3A_130, %dma_wait3A_131] : memref<1600x2048xi32, #tpu.memory_space<hbm>> -> memref<1x2048xi32, #tpu.memory_space<hbm>>
      %dma_wait3A_133 = tpu.memref_squeeze %dma_wait3A_132 : memref<1x2048xi32, #tpu.memory_space<hbm>> -> memref<2048xi32, #tpu.memory_space<hbm>>
      %dma_wait3A_134 = arith.constant 0 : i32
      %dma_wait3A_135 = tpu.memref_slice %arg2[%add3A_130, %dma_wait3A_134] : memref<1600x2048xi32, #tpu.memory_space<hbm>> -> memref<1x2048xi32, #tpu.memory_space<hbm>>
      %dma_wait3A_136 = tpu.memref_squeeze %dma_wait3A_135 : memref<1x2048xi32, #tpu.memory_space<hbm>> -> memref<2048xi32, #tpu.memory_space<hbm>>
      tpu.wait_dma2 semaphore(%arg9 : memref<!tpu.dma_semaphore, #tpu.memory_space<semaphore_mem>>) src(%dma_wait3A_136 : memref<2048xi32, #tpu.memory_space<hbm>>) dst(%arg5 : memref<2048xi32, #tpu.memory_space<vmem>>)
      %add3A_137 = arith.addi %mul3A_2, %add3A_129 : i32
      %dma_wait3A_138 = arith.constant 0 : i32
      %dma_wait3A_139 = arith.constant 0 : i32
      %dma_wait3A_140 = tpu.memref_slice %arg4[%add3A_137, %dma_wait3A_138, %dma_wait3A_139] : memref<1600x2048x16xf32, #tpu.memory_space<hbm>> -> memref<1x2048x16xf32, #tpu.memory_space<hbm>>
      %dma_wait3A_141 = tpu.memref_squeeze %dma_wait3A_140 : memref<1x2048x16xf32, #tpu.memory_space<hbm>> -> memref<2048x16xf32, #tpu.memory_space<hbm>>
      %dma_wait3A_142 = arith.constant 0 : i32
      %dma_wait3A_143 = arith.constant 0 : i32
      %dma_wait3A_144 = tpu.memref_slice %arg4[%add3A_137, %dma_wait3A_142, %dma_wait3A_143] : memref<1600x2048x16xf32, #tpu.memory_space<hbm>> -> memref<1x2048x16xf32, #tpu.memory_space<hbm>>
      %dma_wait3A_145 = tpu.memref_squeeze %dma_wait3A_144 : memref<1x2048x16xf32, #tpu.memory_space<hbm>> -> memref<2048x16xf32, #tpu.memory_space<hbm>>
      tpu.wait_dma2 semaphore(%arg13 : memref<!tpu.dma_semaphore, #tpu.memory_space<semaphore_mem>>) src(%arg7 : memref<2048x16xf32, #tpu.memory_space<vmem>>) dst(%dma_wait3A_145 : memref<2048x16xf32, #tpu.memory_space<hbm>>)
      %dma_start3A_146 = arith.constant 0 : i32
      %dma_start3A_147 = arith.constant 0 : i32
      %dma_start3A_148 = tpu.memref_slice %arg3[%dma_start3A_146, %dma_start3A_147] : memref<1000000x16xf32, #tpu.memory_space<hbm>> -> memref<1000000x16xf32, #tpu.memory_space<hbm>>
      tpu.enqueue_indirect_dma source(%dma_start3A_148 : memref<1000000x16xf32, #tpu.memory_space<hbm>>) target(%arg7 : memref<2048x16xf32, #tpu.memory_space<vmem>>) offsets(%arg5 : memref<2048xi32, #tpu.memory_space<vmem>>) semaphore(%arg11 : memref<!tpu.dma_semaphore, #tpu.memory_space<semaphore_mem>>)
      %dma_wait3A_149 = arith.constant 0 : i32
      %dma_wait3A_150 = arith.constant 0 : i32
      %dma_wait3A_151 = tpu.memref_slice %arg3[%dma_wait3A_149, %dma_wait3A_150] : memref<1000000x16xf32, #tpu.memory_space<hbm>> -> memref<1000000x16xf32, #tpu.memory_space<hbm>>
      tpu.wait_indirect_dma semaphore(%arg11 : memref<!tpu.dma_semaphore, #tpu.memory_space<semaphore_mem>>) src(%dma_wait3A_151 : memref<1000000x16xf32, #tpu.memory_space<hbm>>) dst(%arg7 : memref<2048x16xf32, #tpu.memory_space<vmem>>)
      %add3A_152 = arith.addi %mul3A_2, %add3A_129 : i32
      %dma_start3A_153 = arith.constant 0 : i32
      %dma_start3A_154 = arith.constant 0 : i32
      %dma_start3A_155 = tpu.memref_slice %arg4[%add3A_152, %dma_start3A_153, %dma_start3A_154] : memref<1600x2048x16xf32, #tpu.memory_space<hbm>> -> memref<1x2048x16xf32, #tpu.memory_space<hbm>>
      %dma_start3A_156 = tpu.memref_squeeze %dma_start3A_155 : memref<1x2048x16xf32, #tpu.memory_space<hbm>> -> memref<2048x16xf32, #tpu.memory_space<hbm>>
      %dma_start3A_157 = arith.constant 0 : i32
      %dma_start3A_158 = arith.constant 0 : i32
      %dma_start3A_159 = tpu.memref_slice %arg4[%add3A_152, %dma_start3A_157, %dma_start3A_158] : memref<1600x2048x16xf32, #tpu.memory_space<hbm>> -> memref<1x2048x16xf32, #tpu.memory_space<hbm>>
      %dma_start3A_160 = tpu.memref_squeeze %dma_start3A_159 : memref<1x2048x16xf32, #tpu.memory_space<hbm>> -> memref<2048x16xf32, #tpu.memory_space<hbm>>
      tpu.enqueue_dma source(%arg7 : memref<2048x16xf32, #tpu.memory_space<vmem>>) target(%dma_start3A_160 : memref<2048x16xf32, #tpu.memory_space<hbm>>) target_semaphore(%arg13 : memref<!tpu.dma_semaphore, #tpu.memory_space<semaphore_mem>>)
      %add3A_161 = arith.constant 2 : i32
      %add3A_162 = arith.addi %add3A_129, %add3A_161 : i32
      %min3A_163 = arith.constant 49 : i32
      %min3A_164 = arith.minsi %add3A_162, %min3A_163 : i32
      %add3A_165 = arith.addi %mul3A_2, %min3A_164 : i32
      %dma_start3A_166 = arith.constant 0 : i32
      %dma_start3A_167 = tpu.memref_slice %arg2[%add3A_165, %dma_start3A_166] : memref<1600x2048xi32, #tpu.memory_space<hbm>> -> memref<1x2048xi32, #tpu.memory_space<hbm>>
      %dma_start3A_168 = tpu.memref_squeeze %dma_start3A_167 : memref<1x2048xi32, #tpu.memory_space<hbm>> -> memref<2048xi32, #tpu.memory_space<hbm>>
      %dma_start3A_169 = arith.constant 0 : i32
      %dma_start3A_170 = tpu.memref_slice %arg2[%add3A_165, %dma_start3A_169] : memref<1600x2048xi32, #tpu.memory_space<hbm>> -> memref<1x2048xi32, #tpu.memory_space<hbm>>
      %dma_start3A_171 = tpu.memref_squeeze %dma_start3A_170 : memref<1x2048xi32, #tpu.memory_space<hbm>> -> memref<2048xi32, #tpu.memory_space<hbm>>
      tpu.enqueue_dma source(%dma_start3A_171 : memref<2048xi32, #tpu.memory_space<hbm>>) target(%arg5 : memref<2048xi32, #tpu.memory_space<vmem>>) target_semaphore(%arg9 : memref<!tpu.dma_semaphore, #tpu.memory_space<semaphore_mem>>)
      %mul3A_172 = arith.constant 2 : i32
      %mul3A_173 = arith.muli %mul3A_172, %scan3A_125 : i32
      %add3A_174 = arith.constant 3 : i32
      %add3A_175 = arith.addi %add3A_174, %mul3A_173 : i32
      %add3A_176 = arith.addi %mul3A_2, %add3A_175 : i32
      %dma_wait3A_177 = arith.constant 0 : i32
      %dma_wait3A_178 = tpu.memref_slice %arg2[%add3A_176, %dma_wait3A_177] : memref<1600x2048xi32, #tpu.memory_space<hbm>> -> memref<1x2048xi32, #tpu.memory_space<hbm>>
      %dma_wait3A_179 = tpu.memref_squeeze %dma_wait3A_178 : memref<1x2048xi32, #tpu.memory_space<hbm>> -> memref<2048xi32, #tpu.memory_space<hbm>>
      %dma_wait3A_180 = arith.constant 0 : i32
      %dma_wait3A_181 = tpu.memref_slice %arg2[%add3A_176, %dma_wait3A_180] : memref<1600x2048xi32, #tpu.memory_space<hbm>> -> memref<1x2048xi32, #tpu.memory_space<hbm>>
      %dma_wait3A_182 = tpu.memref_squeeze %dma_wait3A_181 : memref<1x2048xi32, #tpu.memory_space<hbm>> -> memref<2048xi32, #tpu.memory_space<hbm>>
      tpu.wait_dma2 semaphore(%arg10 : memref<!tpu.dma_semaphore, #tpu.memory_space<semaphore_mem>>) src(%dma_wait3A_182 : memref<2048xi32, #tpu.memory_space<hbm>>) dst(%arg6 : memref<2048xi32, #tpu.memory_space<vmem>>)
      %add3A_183 = arith.addi %mul3A_2, %add3A_175 : i32
      %dma_wait3A_184 = arith.constant 0 : i32
      %dma_wait3A_185 = arith.constant 0 : i32
      %dma_wait3A_186 = tpu.memref_slice %arg4[%add3A_183, %dma_wait3A_184, %dma_wait3A_185] : memref<1600x2048x16xf32, #tpu.memory_space<hbm>> -> memref<1x2048x16xf32, #tpu.memory_space<hbm>>
      %dma_wait3A_187 = tpu.memref_squeeze %dma_wait3A_186 : memref<1x2048x16xf32, #tpu.memory_space<hbm>> -> memref<2048x16xf32, #tpu.memory_space<hbm>>
      %dma_wait3A_188 = arith.constant 0 : i32
      %dma_wait3A_189 = arith.constant 0 : i32
      %dma_wait3A_190 = tpu.memref_slice %arg4[%add3A_183, %dma_wait3A_188, %dma_wait3A_189] : memref<1600x2048x16xf32, #tpu.memory_space<hbm>> -> memref<1x2048x16xf32, #tpu.memory_space<hbm>>
      %dma_wait3A_191 = tpu.memref_squeeze %dma_wait3A_190 : memref<1x2048x16xf32, #tpu.memory_space<hbm>> -> memref<2048x16xf32, #tpu.memory_space<hbm>>
      tpu.wait_dma2 semaphore(%arg14 : memref<!tpu.dma_semaphore, #tpu.memory_space<semaphore_mem>>) src(%arg8 : memref<2048x16xf32, #tpu.memory_space<vmem>>) dst(%dma_wait3A_191 : memref<2048x16xf32, #tpu.memory_space<hbm>>)
      %dma_start3A_192 = arith.constant 0 : i32
      %dma_start3A_193 = arith.constant 0 : i32
      %dma_start3A_194 = tpu.memref_slice %arg3[%dma_start3A_192, %dma_start3A_193] : memref<1000000x16xf32, #tpu.memory_space<hbm>> -> memref<1000000x16xf32, #tpu.memory_space<hbm>>
      tpu.enqueue_indirect_dma source(%dma_start3A_194 : memref<1000000x16xf32, #tpu.memory_space<hbm>>) target(%arg8 : memref<2048x16xf32, #tpu.memory_space<vmem>>) offsets(%arg6 : memref<2048xi32, #tpu.memory_space<vmem>>) semaphore(%arg12 : memref<!tpu.dma_semaphore, #tpu.memory_space<semaphore_mem>>)
      %dma_wait3A_195 = arith.constant 0 : i32
      %dma_wait3A_196 = arith.constant 0 : i32
      %dma_wait3A_197 = tpu.memref_slice %arg3[%dma_wait3A_195, %dma_wait3A_196] : memref<1000000x16xf32, #tpu.memory_space<hbm>> -> memref<1000000x16xf32, #tpu.memory_space<hbm>>
      tpu.wait_indirect_dma semaphore(%arg12 : memref<!tpu.dma_semaphore, #tpu.memory_space<semaphore_mem>>) src(%dma_wait3A_197 : memref<1000000x16xf32, #tpu.memory_space<hbm>>) dst(%arg8 : memref<2048x16xf32, #tpu.memory_space<vmem>>)
      %add3A_198 = arith.addi %mul3A_2, %add3A_175 : i32
      %dma_start3A_199 = arith.constant 0 : i32
      %dma_start3A_200 = arith.constant 0 : i32
      %dma_start3A_201 = tpu.memref_slice %arg4[%add3A_198, %dma_start3A_199, %dma_start3A_200] : memref<1600x2048x16xf32, #tpu.memory_space<hbm>> -> memref<1x2048x16xf32, #tpu.memory_space<hbm>>
      %dma_start3A_202 = tpu.memref_squeeze %dma_start3A_201 : memref<1x2048x16xf32, #tpu.memory_space<hbm>> -> memref<2048x16xf32, #tpu.memory_space<hbm>>
      %dma_start3A_203 = arith.constant 0 : i32
      %dma_start3A_204 = arith.constant 0 : i32
      %dma_start3A_205 = tpu.memref_slice %arg4[%add3A_198, %dma_start3A_203, %dma_start3A_204] : memref<1600x2048x16xf32, #tpu.memory_space<hbm>> -> memref<1x2048x16xf32, #tpu.memory_space<hbm>>
      %dma_start3A_206 = tpu.memref_squeeze %dma_start3A_205 : memref<1x2048x16xf32, #tpu.memory_space<hbm>> -> memref<2048x16xf32, #tpu.memory_space<hbm>>
      tpu.enqueue_dma source(%arg8 : memref<2048x16xf32, #tpu.memory_space<vmem>>) target(%dma_start3A_206 : memref<2048x16xf32, #tpu.memory_space<hbm>>) target_semaphore(%arg14 : memref<!tpu.dma_semaphore, #tpu.memory_space<semaphore_mem>>)
      %add3A_207 = arith.constant 2 : i32
      %add3A_208 = arith.addi %add3A_175, %add3A_207 : i32
      %min3A_209 = arith.constant 49 : i32
      %min3A_210 = arith.minsi %add3A_208, %min3A_209 : i32
      %add3A_211 = arith.addi %mul3A_2, %min3A_210 : i32
      %dma_start3A_212 = arith.constant 0 : i32
      %dma_start3A_213 = tpu.memref_slice %arg2[%add3A_211, %dma_start3A_212] : memref<1600x2048xi32, #tpu.memory_space<hbm>> -> memref<1x2048xi32, #tpu.memory_space<hbm>>
      %dma_start3A_214 = tpu.memref_squeeze %dma_start3A_213 : memref<1x2048xi32, #tpu.memory_space<hbm>> -> memref<2048xi32, #tpu.memory_space<hbm>>
      %dma_start3A_215 = arith.constant 0 : i32
      %dma_start3A_216 = tpu.memref_slice %arg2[%add3A_211, %dma_start3A_215] : memref<1600x2048xi32, #tpu.memory_space<hbm>> -> memref<1x2048xi32, #tpu.memory_space<hbm>>
      %dma_start3A_217 = tpu.memref_squeeze %dma_start3A_216 : memref<1x2048xi32, #tpu.memory_space<hbm>> -> memref<2048xi32, #tpu.memory_space<hbm>>
      tpu.enqueue_dma source(%dma_start3A_217 : memref<2048xi32, #tpu.memory_space<hbm>>) target(%arg6 : memref<2048xi32, #tpu.memory_space<vmem>>) target_semaphore(%arg10 : memref<!tpu.dma_semaphore, #tpu.memory_space<semaphore_mem>>)
    }
    %scan3A_88 = arith.constant 24 : i32
    %add3A_89 = arith.constant 0 : i32
    %add3A_90 = arith.addi %mul3A_2, %add3A_89 : i32
    %dma_wait3A_91 = arith.constant 0 : i32
    %dma_wait3A_92 = arith.constant 0 : i32
    %dma_wait3A_93 = tpu.memref_slice %arg4[%add3A_90, %dma_wait3A_91, %dma_wait3A_92] : memref<1600x2048x16xf32, #tpu.memory_space<hbm>> -> memref<1x2048x16xf32, #tpu.memory_space<hbm>>
    %dma_wait3A_94 = tpu.memref_squeeze %dma_wait3A_93 : memref<1x2048x16xf32, #tpu.memory_space<hbm>> -> memref<2048x16xf32, #tpu.memory_space<hbm>>
    %dma_wait3A_95 = arith.constant 0 : i32
    %dma_wait3A_96 = arith.constant 0 : i32
    %dma_wait3A_97 = tpu.memref_slice %arg4[%add3A_90, %dma_wait3A_95, %dma_wait3A_96] : memref<1600x2048x16xf32, #tpu.memory_space<hbm>> -> memref<1x2048x16xf32, #tpu.memory_space<hbm>>
    %dma_wait3A_98 = tpu.memref_squeeze %dma_wait3A_97 : memref<1x2048x16xf32, #tpu.memory_space<hbm>> -> memref<2048x16xf32, #tpu.memory_space<hbm>>
    tpu.wait_dma2 semaphore(%arg13 : memref<!tpu.dma_semaphore, #tpu.memory_space<semaphore_mem>>) src(%arg7 : memref<2048x16xf32, #tpu.memory_space<vmem>>) dst(%dma_wait3A_98 : memref<2048x16xf32, #tpu.memory_space<hbm>>)
    %add3A_99 = arith.constant 0 : i32
    %add3A_100 = arith.addi %mul3A_2, %add3A_99 : i32
    %dma_wait3A_101 = arith.constant 0 : i32
    %dma_wait3A_102 = tpu.memref_slice %arg2[%add3A_100, %dma_wait3A_101] : memref<1600x2048xi32, #tpu.memory_space<hbm>> -> memref<1x2048xi32, #tpu.memory_space<hbm>>
    %dma_wait3A_103 = tpu.memref_squeeze %dma_wait3A_102 : memref<1x2048xi32, #tpu.memory_space<hbm>> -> memref<2048xi32, #tpu.memory_space<hbm>>
    %dma_wait3A_104 = arith.constant 0 : i32
    %dma_wait3A_105 = tpu.memref_slice %arg2[%add3A_100, %dma_wait3A_104] : memref<1600x2048xi32, #tpu.memory_space<hbm>> -> memref<1x2048xi32, #tpu.memory_space<hbm>>
    %dma_wait3A_106 = tpu.memref_squeeze %dma_wait3A_105 : memref<1x2048xi32, #tpu.memory_space<hbm>> -> memref<2048xi32, #tpu.memory_space<hbm>>
    tpu.wait_dma2 semaphore(%arg9 : memref<!tpu.dma_semaphore, #tpu.memory_space<semaphore_mem>>) src(%dma_wait3A_106 : memref<2048xi32, #tpu.memory_space<hbm>>) dst(%arg5 : memref<2048xi32, #tpu.memory_space<vmem>>)
    %add3A_107 = arith.constant 0 : i32
    %add3A_108 = arith.addi %mul3A_2, %add3A_107 : i32
    %dma_wait3A_109 = arith.constant 0 : i32
    %dma_wait3A_110 = arith.constant 0 : i32
    %dma_wait3A_111 = tpu.memref_slice %arg4[%add3A_108, %dma_wait3A_109, %dma_wait3A_110] : memref<1600x2048x16xf32, #tpu.memory_space<hbm>> -> memref<1x2048x16xf32, #tpu.memory_space<hbm>>
    %dma_wait3A_112 = tpu.memref_squeeze %dma_wait3A_111 : memref<1x2048x16xf32, #tpu.memory_space<hbm>> -> memref<2048x16xf32, #tpu.memory_space<hbm>>
    %dma_wait3A_113 = arith.constant 0 : i32
    %dma_wait3A_114 = arith.constant 0 : i32
    %dma_wait3A_115 = tpu.memref_slice %arg4[%add3A_108, %dma_wait3A_113, %dma_wait3A_114] : memref<1600x2048x16xf32, #tpu.memory_space<hbm>> -> memref<1x2048x16xf32, #tpu.memory_space<hbm>>
    %dma_wait3A_116 = tpu.memref_squeeze %dma_wait3A_115 : memref<1x2048x16xf32, #tpu.memory_space<hbm>> -> memref<2048x16xf32, #tpu.memory_space<hbm>>
    tpu.wait_dma2 semaphore(%arg14 : memref<!tpu.dma_semaphore, #tpu.memory_space<semaphore_mem>>) src(%arg8 : memref<2048x16xf32, #tpu.memory_space<vmem>>) dst(%dma_wait3A_116 : memref<2048x16xf32, #tpu.memory_space<hbm>>)
    %add3A_117 = arith.constant 0 : i32
    %add3A_118 = arith.addi %mul3A_2, %add3A_117 : i32
    %dma_wait3A_119 = arith.constant 0 : i32
    %dma_wait3A_120 = tpu.memref_slice %arg2[%add3A_118, %dma_wait3A_119] : memref<1600x2048xi32, #tpu.memory_space<hbm>> -> memref<1x2048xi32, #tpu.memory_space<hbm>>
    %dma_wait3A_121 = tpu.memref_squeeze %dma_wait3A_120 : memref<1x2048xi32, #tpu.memory_space<hbm>> -> memref<2048xi32, #tpu.memory_space<hbm>>
    %dma_wait3A_122 = arith.constant 0 : i32
    %dma_wait3A_123 = tpu.memref_slice %arg2[%add3A_118, %dma_wait3A_122] : memref<1600x2048xi32, #tpu.memory_space<hbm>> -> memref<1x2048xi32, #tpu.memory_space<hbm>>
    %dma_wait3A_124 = tpu.memref_squeeze %dma_wait3A_123 : memref<1x2048xi32, #tpu.memory_space<hbm>> -> memref<2048xi32, #tpu.memory_space<hbm>>
    tpu.wait_dma2 semaphore(%arg10 : memref<!tpu.dma_semaphore, #tpu.memory_space<semaphore_mem>>) src(%dma_wait3A_124 : memref<2048xi32, #tpu.memory_space<hbm>>) dst(%arg6 : memref<2048xi32, #tpu.memory_space<vmem>>)
    return
  }
}

</mosaic_0001>

<sc_bundles>
// kernel: kernel.4.cloned.1.call-start
scs
__scs_entry_jumppad:
0x0: {  	(pc) =	sbr.rel $0x88, $3  }
0x1: {  	(tag) =	ssettag $0x0;
	lr =	simm.s32 $0x1  }
0x2: {  	[smem:$0x3F9F] =	sst lr;
	_ =	strace $0xD0000000  }
0x3: {  	_ = 	snop  }
0x4: {  	_ = 	snop  }
0x5: {  	_ = 	snop  }
0x6: {  	_ = 	snop  }
0x7: {  	_ = 	snop  }
__scs_overlays_trampoline_lowered:
0x8: {  	[smem:$0x3FAE] =	sst s0  }
0x9: {  	[smem:$0x3FAF] =	sst s1  }
0xa: {  	[smem:$0x3FB0] =	sst s2  }
0xb: {  	[smem:$0x3FB1] =	sst s3  }
0xc: {  	[smem:$0x3FB2] =	sst s4  }
0xd: {  	[smem:$0x3FB3] =	sst s5  }
0xe: {  	[smem:$0x3FB4] =	sst s6  }
0xf: {  	[smem:$0x3FB5] =	sst s7  }
0x10: {  	[smem:$0x3FB6] =	sst s8  }
0x11: {  	[smem:$0x3FB7] =	sst s9;
	s0 =	simm.s32 @!p0 $0x0  }
0x12: {  	s1 =	sld [smem:$0x3F9D];
	s0 =	simm.s32 @p0 $0x1  }
0x13: {  	[smem:$0x3FB8] =	sst s0;
	s0 =	simm.s32 @!p1 $0x0  }
0x14: {  	s2 =	sld [smem:$0x3F9C];
	s0 =	simm.s32 @p1 $0x1  }
0x15: {  	[smem:$0x3FB9] =	sst s0;
	s0 =	simm.s32 @!p2 $0x0  }
0x16: {  	s3 =	sld [smem:$0x3FDB];
	s0 =	simm.s32 @p2 $0x1  }
0x17: {  	s4 =	simm.s32 $0x1BF5;
	[smem:$0x3FBB] =	sst s0  }
0x18: {  	s0 =	sld [smem:$0x3F9E];
	_ =	swait.ge [sflag:s4], $0x0  }
0x19: {  	s7 =	sld [smem:$0x3F9F]  }
0x1a: {  	s8 =	sadd.s32 $0xFFFFE003, lr  }
0x1b: {  	s9 =	sadd.s32 $0xFFFFFEF7, lr;
	s5 =	simm.s32 $0xFFFFFFFF;
	p2 =	slt.u32 s8, $0xFFFFF086  }
0x1c: {  	p1 =	slt.u32 s9, $0xF7A;
	s5 =	simm.s32 @!p2 $0x0  }
0x1d: {  	s5 =	simm.s32 @p1 $0x1;
	p0 =	seq.s32 s7, s2  }
0x1e: {  	s7 =	smul.u32 @!p0 $0xF7A, s2;
	p2 =	seq.s32 @!p0 s5, $0x0  }
0x1f: {  	s9 =	smul.u32 $0xF7A, s1;
	s8 =	simm.s32 @!p0 $0x1BF5;
	p2 =	por !p2, p0  }
0x20: {  	[sflag:s8] =	ssyncset.s32 @!p0 $0xFFFFF086;
	s6 =	sadd.s32 @!p0 s3, s7;
	s7 =	simm.s32 @!p0 $0x108  }
0x21: {  	s3 =	sadd.s32 s3, s9;
	s6 =	sadd.s32 @!p0 $0x88, s6;
	s7 =	simm.s32 @p2 $0x1082  }
0x22: {  	[simem:s7], [sflag:s8] =	dma.local @!p0 [hbm:s6], $0xF7A  }
0x23: {  	s9 =	sor.u32 $0xD0000000, s2;
	s6 =	simm.s32 $0x108;
	_ =	swait.ge @!p0 [sflag:s8], $0x0  }
0x24: {  	s3 =	sadd.s32 $0x88, s3;
	s6 =	simm.s32 @!p1 $0x1082;
	[sflag:s4] =	ssyncset.s32 $0xFFFFF086  }
0x25: {  	[simem:s6], [sflag:s4] =	dma.local [hbm:s3], $0xF7A  }
0x26: {  	[smem:$0x3F9F] =	sst s1;
	(tag) =	ssettag s2;
	_ =	strace s9  }
0x27: {  	s1 =	sld [smem:$0x3FAF]  }
0x28: {  	s2 =	sld [smem:$0x3FB0]  }
0x29: {  	s4 =	sld [smem:$0x3FB2]  }
0x2a: {  	p0 =	seq.s32 s5, $0x0;
	s5 =	sld [smem:$0x3FB3]  }
0x2b: {  	s6 =	sld [smem:$0x3FB4]  }
0x2c: {  	s7 =	sld [smem:$0x3FB5]  }
0x2d: {  	s3 =	simm.s32 $0x108;
	s8 =	sld [smem:$0x3FB6]  }
0x2e: {  	s3 =	simm.s32 @!p0 $0x1082;
	s9 =	sld [smem:$0x3FB7]  }
0x2f: {  	lr =	sadd.s32 s0, s3;
	s0 =	sld [smem:$0x3FAE]  }
0x30: {  	s3 =	sld [smem:$0x3FB1]  }
0x31: {  	[smem:$0x3FBA] =	sst s10  }
0x32: {  	s10 =	sld [smem:$0x3FB8];
	_ =	sdelay $0x3  }
0x33: {  	p0 =	seq.s32 s10, $0x1;
	s10 =	sld [smem:$0x3FBA];
	_ =	sdelay $0x3  }
0x34: {  	[smem:$0x3FBA] =	sst s10  }
0x35: {  	s10 =	sld [smem:$0x3FB9];
	_ =	sdelay $0x3  }
0x36: {  	p1 =	seq.s32 s10, $0x1;
	s10 =	sld [smem:$0x3FBA];
	_ =	sdelay $0x3  }
0x37: {  	[smem:$0x3FBA] =	sst s10  }
0x38: {  	s10 =	sld [smem:$0x3FBB]  }
0x39: {  	_ = 	snop;
	(pc) =	sbr.ind lr, $3  }
0x3a: {  	_ = 	snop  }
0x3b: {  	_ = 	snop  }
0x3c: {  	p2 =	seq.s32 s10, $0x1;
	s10 =	sld [smem:$0x3FBA]  }
0x3d: {  	_ =	shalt  }
0x3e: {  	_ =	shalt  }
0x3f: {  	_ =	shalt  }
0x40: {  	_ =	shalt  }
0x41: {  	_ =	shalt  }
0x42: {  	_ =	shalt  }
0x43: {  	_ =	shalt  }
0x44: {  	_ =	shalt  }
0x45: {  	_ =	shalt  }
0x46: {  	_ =	shalt  }
0x47: {  	_ =	shalt  }
0x48: {  	_ =	shalt  }
0x49: {  	_ =	shalt  }
0x4a: {  	_ =	shalt  }
0x4b: {  	_ =	shalt  }
0x4c: {  	_ =	shalt  }
0x4d: {  	_ =	shalt  }
0x4e: {  	_ =	shalt  }
0x4f: {  	_ =	shalt  }
0x50: {  	_ =	shalt  }
0x51: {  	_ =	shalt  }
0x52: {  	_ =	shalt  }
0x53: {  	_ =	shalt  }
0x54: {  	_ =	shalt  }
0x55: {  	_ =	shalt  }
0x56: {  	_ =	shalt  }
0x57: {  	_ =	shalt  }
0x58: {  	_ =	shalt  }
0x59: {  	_ =	shalt  }
0x5a: {  	_ =	shalt  }
0x5b: {  	_ =	shalt  }
0x5c: {  	_ =	shalt  }
0x5d: {  	_ =	shalt  }
0x5e: {  	_ =	shalt  }
0x5f: {  	_ =	shalt  }
0x60: {  	_ =	shalt  }
0x61: {  	_ =	shalt  }
0x62: {  	_ =	shalt  }
0x63: {  	_ =	shalt  }
0x64: {  	_ =	shalt  }
0x65: {  	_ =	shalt  }
0x66: {  	_ =	shalt  }
0x67: {  	_ =	shalt  }
0x68: {  	_ =	shalt  }
0x69: {  	_ =	shalt  }
0x6a: {  	_ =	shalt  }
0x6b: {  	_ =	shalt  }
0x6c: {  	_ =	shalt  }
0x6d: {  	_ =	shalt  }
0x6e: {  	_ =	shalt  }
0x6f: {  	_ =	shalt  }
0x70: {  	_ =	shalt  }
0x71: {  	_ =	shalt  }
0x72: {  	_ =	shalt  }
0x73: {  	_ =	shalt  }
0x74: {  	_ =	shalt  }
0x75: {  	_ =	shalt  }
0x76: {  	_ =	shalt  }
0x77: {  	_ =	shalt  }
0x78: {  	_ =	shalt  }
0x79: {  	_ =	shalt  }
0x7a: {  	_ =	shalt  }
0x7b: {  	_ =	shalt  }
0x7c: {  	_ =	shalt  }
0x7d: {  	_ =	shalt  }
0x7e: {  	_ =	shalt  }
0x7f: {  	_ =	shalt  }
0x80: {  	_ =	shalt  }
0x81: {  	_ =	shalt  }
0x82: {  	_ =	shalt  }
0x83: {  	_ =	shalt  }
0x84: {  	_ =	shalt  }
0x85: {  	_ =	shalt  }
0x86: {  	_ =	shalt  }
0x87: {  	_ =	shalt  }
.Lfunc_end0:
.L_simem_size_0:
called_computation_lowered:
.L_overlay_start_0:
0x88: {  	s2 =	sld [smem:$0x3FD9]  }
0x89: {  	s3 =	sld [smem:$0x3FFE];
	_ =	sdelay $0x1  }
0x8a: {  	s1 =	srdreg.scid  }
0x8b: {  	s0 =	sand.u32 $0x1, s1  }
0x8c: {  	s17 =	sshll.u32 s0, $0xA;
	s2 =	sadd.s32 s3, s2  }
0x8d: {  	s2 =	sadd.s32 s2, s17  }
0x8e: {  	[smem:$0x3FC6] =	sst s2  }
0x8f: {  	_ = 	snop  }
0x90: {  	s2 =	sld [smem:$0x3FC8]  }
0x91: {  	s18 =	sld [smem:$0x3FD0];
	(tm) =	ssettm $0x1  }
0x92: {  	s4 =	sld [smem:$0x3FFB];
	_ =	sdelay $0x3  }
0x93: {  	_ =	strace s4  }
0x94: {  	s4 =	sld [smem:$0x3FFC];
	_ =	sdelay $0x3  }
0x95: {  	_ =	strace s4  }
0x96: {  	s4 =	sld [smem:$0x3FFD];
	_ =	sdelay $0x3  }
0x97: {  	_ =	strace s4  }
0x98: {  	_ =	strace $0x8FFFFFFF  }
0x99: {  	s19 =	sld [smem:$0x3FDB];
	_ =	sdelay $0x1  }
0x9a: {  	s5 =	simm.s32 $_scs_section_size  }
0x9b: {  	s6 =	simm.s32 $_size__tile_overlayer_lowered;
	s7 =	simm.s32 $_tile_overlayer_lowered  }
0x9c: {  	s22 =	simm.s32 $0x1BFF;
	s21 =	sshll.u32 s7, $0x1;
	s4 =	sadd.s32 s5, s19  }
0x9d: {  	s8 =	simm.s32 $0x0;
	s20 =	sshll.u32 s6, $0x1;
	s6 =	sadd.s32 s21, s4  }
0x9e: {  	[timem:s8], [sflag:s22] =	dma.local [hbm:s6], s20  }
0x9f: {  	_ =	swait.ge [sflag:s22], s20  }
0xa0: {  	s5 =	ssub.s32 $0x0, s20;
	[sflag:s22] =	ssyncset.done $0x0  }
0xa1: {  	[sflag:s22] =	ssyncadd.s32 s5;
	_ =	sdelay $0x1  }
0xa2: {  	s23 =	simm.s32 $0x1B8B  }
0xa3: {  	_ =	swait.ge [sflag:s23], $0x1  }
0xa4: {  	[sflag:s23] =	ssyncset.done $0x0  }
0xa5: {  	s25 =	simm.s32 $0x1B8E;
	s24 =	sld [smem:$0x3FFE];
	[sflag:s23] =	ssyncadd.s32 $0xFFFFFFFF  }
0xa6: {  	s26 =	simm.s32 $execute0_lowered;
	[smem:$0x3FD2] =	sst s25  }
0xa7: {  	s6 =	sshll.u32 s26, $0x1;
	_ =	strace $0x80000046;
	[dreg:$0x1] =	wrdreg $0xFFFFFFFF  }
0xa8: {  	s28 =	simm.s32 $_size_execute0_lowered;
	s4 =	sadd.s32 s4, s6;
	[dreg:$0x0] =	wrdreg $0x0  }
0xa9: {  	s6 =	sshll.u32 s28, $0x1;
	[dreg:$0x2] =	wrdreg s4  }
0xaa: {  	[dreg:$0x3] =	wrdreg s6  }
0xab: {  	[dreg:$0x4] =	wrdreg $0xC0  }
0xac: {  	_ =	task [dreg:s8], $0x5FFFF  }
0xad: {  	[dreg:$0x1] =	wrdreg $0xFFFFFFFF  }
0xae: {  	[dreg:$0x0] =	wrdreg $0x60  }
0xaf: {  	[dreg:$0x2] =	wrdreg s2  }
0xb0: {  	[dreg:$0x3] =	wrdreg s24  }
0xb1: {  	[dreg:$0x4] =	wrdreg s18  }
0xb2: {  	[dreg:$0x5] =	wrdreg $0x9  }
0xb3: {  	_ =	task.clear_ibuf [dreg:s8], $0x6FFFF;
	_ =	strace $0x90000046  }
0xb4: {  	s29 =	simm.s32 $0x9;
	_ =	strace $0x80000048  }
0xb5: {  	_ =	swait.ge [sflag:s29], $0x1  }
0xb6: {  	[sflag:s29] =	ssyncadd.s32 $0xFFFFFFFF  }
0xb7: {  	_ =	strace $0x90000048  }
0xb8: {  	_ =	sfence  }
0xb9: {  	s30 =	sld [smem:$0x0];
	_ =	sdelay $0x2  }
0xba: {  	s31 =	sshll.u32 s1, $0xD;
	s1 =	sshrl.u32 s1, $0x2  }
0xbb: {  	s3 =	sand.u32 $0x4000, s31;
	s1 =	sadd.s32 s1, s30  }
0xbc: {  	s0 =	sor.u32 s3, s0;
	s1 =	sshll.u32 s1, $0x11  }
0xbd: {  	s0 =	sor.u32 s1, s0  }
0xbe: {  	s0 =	sadd.s32 $0x8F2B, s0  }
0xbf: {  	[sflag:s0] =	ssyncadd.remote.s32 $0x1  }
0xc0: {  	_ =	sfence.sel $0xFFFF  }
0xc1: {  	[dreg:$0x0] =	wrdreg $0xFFFFFFFF;
	(pc) =	sbr.abs _section_cstart, $3  }
0xc2: {  	[dreg:$0x1] =	wrdreg $0xFFFFFFFF  }
0xc3: {  	_ =	task.clear_ibuf [dreg:s8], $0x2FFFF;
	_ =	strace $0x9FFFFFFF  }
0xc4: {  	(tm) =	ssettm $0x7FFFFFFF  }
0xc5: {  	_ =	shalt  }
tec
execute0_lowered:
.L_overlay_start_1:
0x0: {  	(tag) =	ssettag $0x1  }
0x1: {  	s1 =	rddreg [dreg:$0x0]  }
0x2: {  	s0 =	rddreg [dreg:$0x1];
	v0 =	vimm.s32 $0x2780  }
0x3: {  	s2 =	rddreg [dreg:$0x2];
	vm0 =	vcmask $0x300;
	v1 =	vimm.s32 $0x2783;
	vm1 =	vcmask $0x704  }
0x4: {  	s4 =	simm.s32 $0x0;
	s3 =	srdreg.scid;
	s5 =	stileid.u32;
	vm15 =	vcmask $0xB08;
	v0 =	vsel vm0, $0x0, v0;
	v1 =	vsel vm0, $0x3, v1  }
0x5: {  	vm4 =	vcmask $0xF0C;
	s20 =	simm.s32 $0x2400;
	s21 =	simm.s32 $0x4800;
	s22 =	simm.s32 $0x6C00;
	v0 =	vsel vm1, $0x80, v0;
	v1 =	vsel vm1, $0x83, v1  }
0x6: {  	vm5 =	vcmask $0x1310;
	s23 =	simm.s32 $0x1;
	s24 =	simm.s32 $0x9000;
	s25 =	simm.s32 $0x2;
	v0 =	vsel vm15, $0x100, v0;
	v1 =	vsel vm15, $0x103, v1  }
0x7: {  	vm6 =	vcmask $0x1714;
	s28 =	simm.s32 $0x3;
	s29 =	simm.s32 $0x4;
	s30 =	simm.s32 $0x0;
	v0 =	vsel vm4, $0x180, v0;
	v1 =	vsel vm4, $0x183, v1  }
0x8: {  	vm7 =	vcmask $0x1B18;
	[smem:$0x7FF] =	sst s4;
	s3 =	sand.u32 $0x1, s3;
	s5 =	sshll.u32 s5, $0x1;
	v0 =	vsel vm5, $0x200, v0;
	v1 =	vsel vm5, $0x203, v1  }
0x9: {  	s0 =	sadd.s32 $0xA00, s0;
	s16 =	sadd.s32 $0x1E8000, s2;
	_ =	strace $0x80000047;
	v0 =	vsel vm6, $0x280, v0;
	v1 =	vsel vm6, $0x283, v1  }
0xa: {  	vm8 =	vcmask $0x1F1C;
	s6 =	ssub.s32 $0x2, s3;
	s3 =	sor.u32 s3, s5;
	[dreg:$0x4] =	wrdreg s0;
	v0 =	vsel vm7, $0x300, v0;
	v1 =	vsel vm7, $0x303, v1  }
0xb: {  	vm9 =	vcmask $0x2320;
	s26 =	sshrl.u32 s6, $0x1;
	s5 =	sor.u32 $0x20, s3;
	s31 =	sshll.u32 s3, $0xA;
	v0 =	vsel vm8, $0x380, v0;
	v1 =	vsel vm8, $0x383, v1  }
0xc: {  	vm10 =	vcmask $0x2724;
	s8 =	sshll.u32 s3, $0xB;
	s12 =	sor.u32 $0x40, s3;
	s13 =	sor.u32 $0x80, s3;
	v0 =	vsel vm9, $0x2400, v0;
	v1 =	vsel vm9, $0x2403, v1  }
0xd: {  	vm11 =	vcmask $0x2B28;
	s14 =	sor.u32 $0x60, s3;
	s15 =	sor.u32 $0xA0, s3;
	p0 =	sne.s32 s3, $0x0;
	v0 =	vsel vm10, $0x2480, v0;
	v1 =	vsel vm10, $0x2483, v1  }
.Ltmp0:
0xe: {  	vm12 =	vcmask $0x2F2C;
	s0 =	ssub.s32 s6, s26;
	s7 =	sshll.u32 s5, $0xA;
	v0 =	vsel vm11, $0x2500, v0;
	v1 =	vsel vm11, $0x2503, v1;
	(pc) =	sbr.rel .LBB2_1-.Ltmp0, $4  }
0xf: {  	vm13 =	vcmask $0x3330;
	s6 =	sadd.s32 s1, s31;
	s8 =	sadd.s32 s2, s8;
	s5 =	sshll.u32 s5, $0xB;
	v0 =	vsel vm12, $0x2580, v0;
	v1 =	vsel vm12, $0x2583, v1  }
0x10: {  	vm14 =	vcmask $0x3734;
	s26 =	simm.s32 $0xD000;
	s7 =	sadd.s32 s1, s7;
	[dreg:$0x5] =	wrdreg s8;
	v0 =	vsel vm13, $0x2600, v0;
	v1 =	vsel vm13, $0x2603, v1  }
0x11: {  	vm15 =	vcmask $0x3B38;
	s9 =	sadd.s32 $0x10000, s6;
	s10 =	sadd.s32 s2, s5;
	s11 =	sadd.s32 $0x18000, s6;
	v0 =	vsel vm14, $0x2680, v0;
	v1 =	vsel vm14, $0x2683, v1  }
0x12: {  	s17 =	smax.u32 s0, $0x1;
	s18 =	sadd.s32 $0xF4280, s6;
	s19 =	sadd.s32 $0xF4280, s7;
	v0 =	vsel vm15, $0x2700, v0;
	v1 =	vsel vm15, $0x2703, v1  }
.LBB2_15:
0x13: {  	_ =	swait.ge [sflag:s28], $0x4000  }
0x14: {  	[sflag:s28] =	ssyncset.done $0x0  }
0x15: {  	[sflag:s28] =	ssyncadd.s32 $0xFFFFC000  }
0x16: {  	_ =	swait.ge [sflag:s29], $0x4000  }
0x17: {  	s0 =	simm.s32 @!p0 $0x0;
	[sflag:s29] =	ssyncset.done $0x0  }
0x18: {  	s3 =	simm.s32 @!p0 $0x11000;
	s5 =	rddreg [dreg:$0x4];
	[sflag:s29] =	ssyncadd.s32 $0xFFFFC000  }
0x19: {  	[tilespmem:s3], [sflag:$0x5] =	stream.linear.gather @!p0 [hbm4b:s5+s0], $0x2400, $0x38;
	[tilespmem:$0x13400] =	vst v63  }
0x1a: {  	s5 =	simm.s32 @!p0 $0x5  }
0x1b: {  	s30 =	sadd.s32 $0x1, s30;
	_ =	swait.ge @!p0 [sflag:s5], $0x2400  }
0x1c: {  	p1 =	sne.s32 s30, s17;
	[sflag:s5] =	ssyncset.done @!p0 $0x0  }
.Ltmp1:
0x1d: {  	[sflag:s5] =	ssyncadd.s32 @!p0 $0xFFFFDC00;
	(pc) =	sbr.rel @!p1 .LBB2_16-.Ltmp1, $4  }
0x1e: {  	[hbm4b:s16+s0] =	stream.linear.scatter @!p0 [tilespmem:s3], [sflag:$0x5], $0x2400, $0x38;
	[tilespmem:$0x13400] =	vst v63  }
0x1f: {  	_ =	swait.ge @!p0 [sflag:s5], $0x2400  }
0x20: {  	[sflag:s5] =	ssyncset.done @!p0 $0x0  }
0x21: {  	[sflag:s5] =	ssyncadd.s32 @!p0 $0xFFFFDC00  }
.LBB2_1:
0x22: {  	[tilespmem:s4], [sflag:$0x1] =	stream.linear.gather [hbm4b:s6+s4], $0x2000, $0x38;
	[tilespmem:$0x13400] =	vst v63  }
0x23: {  	_ = 	snop  }
0x24: {  	[tilespmem:s20], [sflag:$0x1] =	stream.linear.gather [hbm4b:s18+s4], $0x2000, $0x38;
	[tilespmem:$0x13400] =	vst v63  }
0x25: {  	_ = 	snop  }
0x26: {  	[tilespmem:s21], [sflag:$0x2] =	stream.linear.gather [hbm4b:s7+s4], $0x2000, $0x38;
	[tilespmem:$0x13400] =	vst v63  }
0x27: {  	_ = 	snop  }
0x28: {  	[tilespmem:s22], [sflag:$0x2] =	stream.linear.gather [hbm4b:s19+s4], $0x2000, $0x38;
	[tilespmem:$0x13400] =	vst v63  }
0x29: {  	_ =	swait.ge [sflag:s23], $0x4000  }
0x2a: {  	[sflag:s23] =	ssyncset.done $0x0  }
0x2b: {  	s0 =	simm.s32 $0x9100;
	s3 =	simm.s32 $0x0;
	[sflag:s23] =	ssyncadd.s32 $0xFFFFC000  }
.LBB2_2:
0x2c: {  	v2 =	vmov s3  }
0x2d: {  	v3 =	vshll.u32 v2, $0x3  }
0x2e: {  	v2 =	vand.u32 $0x60, v2;
	v3 =	vand.u32 $0x1C00, v3  }
0x2f: {  	v2 =	vor.u32 v2, v3  }
0x30: {  	v3 =	vadd.s32 v0, v2  }
0x31: {  	v2 =	vadd.s32 v1, v2  }
0x32: {  	v4 =	vor.u32 $0x1, v3  }
0x33: {  	v5 =	vor.u32 $0x2, v3  }
0x34: {  	v6 =	vor.u32 $0x4, v3  }
0x35: {  	v8 =	vor.u32 $0x5, v3;
	v7 =	vld.idx.msk [tilespmem:v3+s4+$0x0], $0xffff  }
0x36: {  	v9 =	vor.u32 $0x6, v3;
	v2 =	vld.idx.msk [tilespmem:v2+s4+$0x0], $0xffff  }
0x37: {  	v10 =	vor.u32 $0x7, v3;
	v4 =	vld.idx.msk [tilespmem:v4+s4+$0x0], $0xffff  }
0x38: {  	v11 =	vor.u32 $0x8, v3;
	v5 =	vld.idx.msk [tilespmem:v5+s4+$0x0], $0xffff  }
0x39: {  	v12 =	vor.u32 $0x9, v3;
	v6 =	vld.idx.msk [tilespmem:v6+s4+$0x0], $0xffff  }
0x3a: {  	v13 =	vor.u32 $0xA, v3;
	v8 =	vld.idx.msk [tilespmem:v8+s4+$0x0], $0xffff  }
0x3b: {  	v14 =	vor.u32 $0xB, v3;
	v9 =	vld.idx.msk [tilespmem:v9+s4+$0x0], $0xffff  }
0x3c: {  	v15 =	vor.u32 $0xC, v3;
	v10 =	vld.idx.msk [tilespmem:v10+s4+$0x0], $0xffff  }
0x3d: {  	v16 =	vor.u32 $0xD, v3;
	v11 =	vld.idx.msk [tilespmem:v11+s4+$0x0], $0xffff  }
0x3e: {  	v17 =	vor.u32 $0xE, v3;
	v12 =	vld.idx.msk [tilespmem:v12+s4+$0x0], $0xffff  }
0x3f: {  	v18 =	vor.u32 $0xF, v3;
	v13 =	vld.idx.msk [tilespmem:v13+s4+$0x0], $0xffff  }
0x40: {  	v14 =	vld.idx.msk [tilespmem:v14+s4+$0x0], $0xffff  }
0x41: {  	v15 =	vld.idx.msk [tilespmem:v15+s4+$0x0], $0xffff  }
0x42: {  	v16 =	vld.idx.msk [tilespmem:v16+s4+$0x0], $0xffff  }
0x43: {  	v17 =	vld.idx.msk [tilespmem:v17+s4+$0x0], $0xffff  }
0x44: {  	v18 =	vld.idx.msk [tilespmem:v18+s4+$0x0], $0xffff;
	[tilespmem:s0+$0xFFFFFF00] =	vst v7  }
0x45: {  	[tilespmem:s0+$0xFFFFFF30] =	vst v2  }
0x46: {  	[tilespmem:s0+$0xFFFFFF10] =	vst v4  }
0x47: {  	[tilespmem:s0+$0xFFFFFF20] =	vst v5  }
0x48: {  	[tilespmem:s0+$0xFFFFFF40] =	vst v6  }
0x49: {  	[tilespmem:s0+$0xFFFFFF50] =	vst v8  }
0x4a: {  	[tilespmem:s0+$0xFFFFFF60] =	vst v9  }
0x4b: {  	[tilespmem:s0+$0xFFFFFF70] =	vst v10  }
0x4c: {  	[tilespmem:s0+$0xFFFFFF80] =	vst v11  }
0x4d: {  	[tilespmem:s0+$0xFFFFFF90] =	vst v12  }
0x4e: {  	[tilespmem:s0+$0xFFFFFFA0] =	vst v13  }
0x4f: {  	v50 =	vor.u32 $0x11, v3;
	[tilespmem:s0+$0xFFFFFFB0] =	vst v14  }
0x50: {  	v51 =	vor.u32 $0x12, v3;
	[tilespmem:s0+$0xFFFFFFC0] =	vst v15  }
0x51: {  	v52 =	vor.u32 $0x13, v3;
	[tilespmem:s0+$0xFFFFFFD0] =	vst v16  }
0x52: {  	v53 =	vor.u32 $0x14, v3;
	[tilespmem:s0+$0xFFFFFFE0] =	vst v17  }
0x53: {  	v54 =	vor.u32 $0x15, v3;
	[tilespmem:s0+$0xFFFFFFF0] =	vst v18  }
0x54: {  	v55 =	vor.u32 $0x16, v3;
	v4 =	vld.idx.msk [tilespmem:v50+s4+$0x0], $0xffff  }
0x55: {  	v56 =	vor.u32 $0x17, v3;
	v5 =	vld.idx.msk [tilespmem:v51+s4+$0x0], $0xffff  }
0x56: {  	v57 =	vor.u32 $0x18, v3;
	v6 =	vld.idx.msk [tilespmem:v52+s4+$0x0], $0xffff  }
0x57: {  	v58 =	vor.u32 $0x19, v3;
	v7 =	vld.idx.msk [tilespmem:v53+s4+$0x0], $0xffff  }
0x58: {  	v59 =	vor.u32 $0x1A, v3;
	v8 =	vld.idx.msk [tilespmem:v54+s4+$0x0], $0xffff  }
0x59: {  	v60 =	vor.u32 $0x1B, v3;
	v9 =	vld.idx.msk [tilespmem:v55+s4+$0x0], $0xffff  }
0x5a: {  	v61 =	vor.u32 $0x1C, v3;
	v10 =	vld.idx.msk [tilespmem:v56+s4+$0x0], $0xffff  }
0x5b: {  	v62 =	vor.u32 $0x1D, v3;
	v11 =	vld.idx.msk [tilespmem:v57+s4+$0x0], $0xffff  }
0x5c: {  	v63 =	vor.u32 $0x1E, v3;
	v12 =	vld.idx.msk [tilespmem:v58+s4+$0x0], $0xffff  }
0x5d: {  	v2 =	vor.u32 $0x10, v3;
	v13 =	vld.idx.msk [tilespmem:v59+s4+$0x0], $0xffff  }
0x5e: {  	v3 =	vor.u32 $0x1F, v3;
	v14 =	vld.idx.msk [tilespmem:v60+s4+$0x0], $0xffff  }
0x5f: {  	v15 =	vld.idx.msk [tilespmem:v61+s4+$0x0], $0xffff  }
0x60: {  	v16 =	vld.idx.msk [tilespmem:v62+s4+$0x0], $0xffff  }
0x61: {  	v17 =	vld.idx.msk [tilespmem:v63+s4+$0x0], $0xffff  }
0x62: {  	v2 =	vld.idx.msk [tilespmem:v2+s4+$0x0], $0xffff  }
0x63: {  	v3 =	vld.idx.msk [tilespmem:v3+s4+$0x0], $0xffff;
	[tilespmem:s0+$0x10] =	vst v4  }
0x64: {  	[tilespmem:s0+$0x20] =	vst v5  }
0x65: {  	[tilespmem:s0+$0x30] =	vst v6  }
0x66: {  	[tilespmem:s0+$0x40] =	vst v7  }
0x67: {  	[tilespmem:s0+$0x50] =	vst v8  }
0x68: {  	[tilespmem:s0+$0x60] =	vst v9  }
0x69: {  	[tilespmem:s0+$0x70] =	vst v10  }
0x6a: {  	[tilespmem:s0+$0x80] =	vst v11  }
0x6b: {  	[tilespmem:s0+$0x90] =	vst v12  }
0x6c: {  	[tilespmem:s0+$0xA0] =	vst v13  }
0x6d: {  	p1 =	sne.s32 s3, $0x3E0;
	[tilespmem:s0+$0xB0] =	vst v14  }
.Ltmp2:
0x6e: {  	[tilespmem:s0+$0xC0] =	vst v15;
	(pc) =	sbr.rel @p1 .LBB2_2-.Ltmp2, $4  }
0x6f: {  	[tilespmem:s0+$0xD0] =	vst v16  }
0x70: {  	[tilespmem:s0+$0xE0] =	vst v17  }
0x71: {  	[tilespmem:s0+$0x0] =	vst v2  }
0x72: {  	s3 =	sadd.s32 $0x20, s3;
	[tilespmem:s0+$0xF0] =	vst v3;
	s0 =	sadd.s32 $0x200, s0  }
0x73: {  	s0 =	simm.s32 $0x0;
	s3 =	rddreg [dreg:$0x5]  }
0x74: {  	[hbm4b:s3+s0] =	stream.linear.scatter [tilespmem:s24], [sflag:$0x3], $0x4000, $0x38;
	[tilespmem:$0x13400] =	vst v63  }
0x75: {  	_ = 	snop  }
0x76: {  	[tilespmem:s0], [sflag:$0x1] =	stream.linear.gather [hbm4b:s9+s0], $0x2000, $0x38;
	[tilespmem:$0x13400] =	vst v63  }
0x77: {  	s31 =	sadd.s32 $0xF4280, s9  }
0x78: {  	[tilespmem:s20], [sflag:$0x1] =	stream.linear.gather [hbm4b:s31+s0], $0x2000, $0x38;
	[tilespmem:$0x13400] =	vst v63  }
0x79: {  	_ =	swait.ge [sflag:s25], $0x4000  }
0x7a: {  	[sflag:s25] =	ssyncset.done $0x0  }
0x7b: {  	s3 =	simm.s32 $0xD100;
	[sflag:s25] =	ssyncadd.s32 $0xFFFFC000  }
.LBB2_4:
0x7c: {  	v2 =	vmov s0  }
0x7d: {  	v3 =	vshll.u32 v2, $0x3  }
0x7e: {  	v2 =	vand.u32 $0x60, v2;
	v3 =	vand.u32 $0x1C00, v3  }
0x7f: {  	v2 =	vor.u32 v2, v3  }
0x80: {  	v3 =	vadd.s32 v0, v2  }
0x81: {  	v2 =	vadd.s32 v1, v2  }
0x82: {  	v4 =	vor.u32 $0x1, v3  }
0x83: {  	v5 =	vor.u32 $0x2, v3  }
0x84: {  	v6 =	vor.u32 $0x4, v3  }
0x85: {  	v8 =	vor.u32 $0x5, v3;
	v7 =	vld.idx.msk [tilespmem:v3+s21+$0x0], $0xffff  }
0x86: {  	v9 =	vor.u32 $0x6, v3;
	v2 =	vld.idx.msk [tilespmem:v2+s21+$0x0], $0xffff  }
0x87: {  	v10 =	vor.u32 $0x7, v3;
	v4 =	vld.idx.msk [tilespmem:v4+s21+$0x0], $0xffff  }
0x88: {  	v11 =	vor.u32 $0x8, v3;
	v5 =	vld.idx.msk [tilespmem:v5+s21+$0x0], $0xffff  }
0x89: {  	v12 =	vor.u32 $0x9, v3;
	v6 =	vld.idx.msk [tilespmem:v6+s21+$0x0], $0xffff  }
0x8a: {  	v13 =	vor.u32 $0xA, v3;
	v8 =	vld.idx.msk [tilespmem:v8+s21+$0x0], $0xffff  }
0x8b: {  	v14 =	vor.u32 $0xB, v3;
	v9 =	vld.idx.msk [tilespmem:v9+s21+$0x0], $0xffff  }
0x8c: {  	v15 =	vor.u32 $0xC, v3;
	v10 =	vld.idx.msk [tilespmem:v10+s21+$0x0], $0xffff  }
0x8d: {  	v16 =	vor.u32 $0xD, v3;
	v11 =	vld.idx.msk [tilespmem:v11+s21+$0x0], $0xffff  }
0x8e: {  	v17 =	vor.u32 $0xE, v3;
	v12 =	vld.idx.msk [tilespmem:v12+s21+$0x0], $0xffff  }
0x8f: {  	v18 =	vor.u32 $0xF, v3;
	v13 =	vld.idx.msk [tilespmem:v13+s21+$0x0], $0xffff  }
0x90: {  	v14 =	vld.idx.msk [tilespmem:v14+s21+$0x0], $0xffff  }
0x91: {  	v15 =	vld.idx.msk [tilespmem:v15+s21+$0x0], $0xffff  }
0x92: {  	v16 =	vld.idx.msk [tilespmem:v16+s21+$0x0], $0xffff  }
0x93: {  	v17 =	vld.idx.msk [tilespmem:v17+s21+$0x0], $0xffff  }
0x94: {  	v18 =	vld.idx.msk [tilespmem:v18+s21+$0x0], $0xffff;
	[tilespmem:s3+$0xFFFFFF00] =	vst v7  }
0x95: {  	[tilespmem:s3+$0xFFFFFF30] =	vst v2  }
0x96: {  	[tilespmem:s3+$0xFFFFFF10] =	vst v4  }
0x97: {  	[tilespmem:s3+$0xFFFFFF20] =	vst v5  }
0x98: {  	[tilespmem:s3+$0xFFFFFF40] =	vst v6  }
0x99: {  	[tilespmem:s3+$0xFFFFFF50] =	vst v8  }
0x9a: {  	[tilespmem:s3+$0xFFFFFF60] =	vst v9  }
0x9b: {  	[tilespmem:s3+$0xFFFFFF70] =	vst v10  }
0x9c: {  	[tilespmem:s3+$0xFFFFFF80] =	vst v11  }
0x9d: {  	[tilespmem:s3+$0xFFFFFF90] =	vst v12  }
0x9e: {  	[tilespmem:s3+$0xFFFFFFA0] =	vst v13  }
0x9f: {  	v50 =	vor.u32 $0x11, v3;
	[tilespmem:s3+$0xFFFFFFB0] =	vst v14  }
0xa0: {  	v51 =	vor.u32 $0x12, v3;
	[tilespmem:s3+$0xFFFFFFC0] =	vst v15  }
0xa1: {  	v52 =	vor.u32 $0x13, v3;
	[tilespmem:s3+$0xFFFFFFD0] =	vst v16  }
0xa2: {  	v53 =	vor.u32 $0x14, v3;
	[tilespmem:s3+$0xFFFFFFE0] =	vst v17  }
0xa3: {  	v54 =	vor.u32 $0x15, v3;
	[tilespmem:s3+$0xFFFFFFF0] =	vst v18  }
0xa4: {  	v55 =	vor.u32 $0x16, v3;
	v4 =	vld.idx.msk [tilespmem:v50+s21+$0x0], $0xffff  }
0xa5: {  	v56 =	vor.u32 $0x17, v3;
	v5 =	vld.idx.msk [tilespmem:v51+s21+$0x0], $0xffff  }
0xa6: {  	v57 =	vor.u32 $0x18, v3;
	v6 =	vld.idx.msk [tilespmem:v52+s21+$0x0], $0xffff  }
0xa7: {  	v58 =	vor.u32 $0x19, v3;
	v7 =	vld.idx.msk [tilespmem:v53+s21+$0x0], $0xffff  }
0xa8: {  	v59 =	vor.u32 $0x1A, v3;
	v8 =	vld.idx.msk [tilespmem:v54+s21+$0x0], $0xffff  }
0xa9: {  	v60 =	vor.u32 $0x1B, v3;
	v9 =	vld.idx.msk [tilespmem:v55+s21+$0x0], $0xffff  }
0xaa: {  	v61 =	vor.u32 $0x1C, v3;
	v10 =	vld.idx.msk [tilespmem:v56+s21+$0x0], $0xffff  }
0xab: {  	v62 =	vor.u32 $0x1D, v3;
	v11 =	vld.idx.msk [tilespmem:v57+s21+$0x0], $0xffff  }
0xac: {  	v63 =	vor.u32 $0x1E, v3;
	v12 =	vld.idx.msk [tilespmem:v58+s21+$0x0], $0xffff  }
0xad: {  	v2 =	vor.u32 $0x10, v3;
	v13 =	vld.idx.msk [tilespmem:v59+s21+$0x0], $0xffff  }
0xae: {  	v3 =	vor.u32 $0x1F, v3;
	v14 =	vld.idx.msk [tilespmem:v60+s21+$0x0], $0xffff  }
0xaf: {  	v15 =	vld.idx.msk [tilespmem:v61+s21+$0x0], $0xffff  }
0xb0: {  	v16 =	vld.idx.msk [tilespmem:v62+s21+$0x0], $0xffff  }
0xb1: {  	v17 =	vld.idx.msk [tilespmem:v63+s21+$0x0], $0xffff  }
0xb2: {  	v2 =	vld.idx.msk [tilespmem:v2+s21+$0x0], $0xffff  }
0xb3: {  	v3 =	vld.idx.msk [tilespmem:v3+s21+$0x0], $0xffff;
	[tilespmem:s3+$0x10] =	vst v4  }
0xb4: {  	[tilespmem:s3+$0x20] =	vst v5  }
0xb5: {  	[tilespmem:s3+$0x30] =	vst v6  }
0xb6: {  	[tilespmem:s3+$0x40] =	vst v7  }
0xb7: {  	[tilespmem:s3+$0x50] =	vst v8  }
0xb8: {  	[tilespmem:s3+$0x60] =	vst v9  }
0xb9: {  	[tilespmem:s3+$0x70] =	vst v10  }
0xba: {  	[tilespmem:s3+$0x80] =	vst v11  }
0xbb: {  	[tilespmem:s3+$0x90] =	vst v12  }
0xbc: {  	[tilespmem:s3+$0xA0] =	vst v13  }
0xbd: {  	p1 =	sne.s32 s0, $0x3E0;
	[tilespmem:s3+$0xB0] =	vst v14  }
.Ltmp3:
0xbe: {  	[tilespmem:s3+$0xC0] =	vst v15;
	(pc) =	sbr.rel @p1 .LBB2_4-.Ltmp3, $4  }
0xbf: {  	[tilespmem:s3+$0xD0] =	vst v16  }
0xc0: {  	[tilespmem:s3+$0xE0] =	vst v17  }
0xc1: {  	[tilespmem:s3+$0x0] =	vst v2  }
0xc2: {  	s0 =	sadd.s32 $0x20, s0;
	[tilespmem:s3+$0xF0] =	vst v3;
	s3 =	sadd.s32 $0x200, s3  }
0xc3: {  	s31 =	simm.s32 $0x0  }
0xc4: {  	[hbm4b:s10+s31] =	stream.linear.scatter [tilespmem:s26], [sflag:$0x4], $0x4000, $0x38;
	[tilespmem:$0x13400] =	vst v63  }
.Ltmp4:
0xc5: {  	_ = 	snop;
	(pc) =	sbr.rel .LBB2_6-.Ltmp4, $4  }
0xc6: {  	_ = 	snop  }
0xc7: {  	[tilespmem:s21], [sflag:$0x2] =	stream.linear.gather [hbm4b:s11+s31], $0x2000, $0x38;
	[tilespmem:$0x13400] =	vst v63  }
0xc8: {  	s0 =	sadd.s32 $0xF4280, s11  }
0xc9: {  	[tilespmem:s22], [sflag:$0x2] =	stream.linear.gather [hbm4b:s0+s31], $0x2000, $0x38;
	[tilespmem:$0x13400] =	vst v63  }
.LBB2_14:
0xca: {  	s31 =	sadd.s32 $0x1, s31  }
0xcb: {  	p1 =	sne.s32 s31, $0xF  }
.Ltmp5:
0xcc: {  	_ = 	snop;
	(pc) =	sbr.rel @!p1 .LBB2_15-.Ltmp5, $1  }
0xcd: {  	_ =	sdelay $0x3  }
.LBB2_6:
0xce: {  	s0 =	sshll.u32 s31, $0x6  }
0xcf: {  	s3 =	sadd.s32 s12, s0  }
0xd0: {  	p1 =	sgt.u32 s3, $0x3CF  }
.Ltmp6:
0xd1: {  	_ = 	snop;
	(pc) =	sbr.rel @p1 .LBB2_10-.Ltmp6, $1  }
0xd2: {  	_ =	sdelay $0x3  }
0xd3: {  	_ =	swait.ge [sflag:s23], $0x4000  }
0xd4: {  	[sflag:s23] =	ssyncset.done $0x0  }
0xd5: {  	[sflag:s23] =	ssyncadd.s32 $0xFFFFC000  }
0xd6: {  	_ =	swait.ge [sflag:s28], $0x4000  }
0xd7: {  	s3 =	sshll.u32 s3, $0xB;
	s5 =	simm.s32 $0x0;
	[sflag:s28] =	ssyncset.done $0x0  }
0xd8: {  	s8 =	simm.s32 $0x9100;
	s3 =	sadd.s32 s2, s3;
	[sflag:s28] =	ssyncadd.s32 $0xFFFFC000  }
.LBB2_8:
0xd9: {  	v2 =	vmov s5  }
0xda: {  	v3 =	vshll.u32 v2, $0x3  }
0xdb: {  	v2 =	vand.u32 $0x60, v2;
	v3 =	vand.u32 $0x1C00, v3  }
0xdc: {  	v2 =	vor.u32 v2, v3  }
0xdd: {  	v3 =	vadd.s32 v0, v2  }
0xde: {  	v2 =	vadd.s32 v1, v2  }
0xdf: {  	v4 =	vor.u32 $0x1, v3  }
0xe0: {  	v5 =	vor.u32 $0x2, v3  }
0xe1: {  	v6 =	vor.u32 $0x4, v3  }
0xe2: {  	v8 =	vor.u32 $0x5, v3;
	v7 =	vld.idx.msk [tilespmem:v3+s4+$0x0], $0xffff  }
0xe3: {  	v9 =	vor.u32 $0x6, v3;
	v2 =	vld.idx.msk [tilespmem:v2+s4+$0x0], $0xffff  }
0xe4: {  	v10 =	vor.u32 $0x7, v3;
	v4 =	vld.idx.msk [tilespmem:v4+s4+$0x0], $0xffff  }
0xe5: {  	v11 =	vor.u32 $0x8, v3;
	v5 =	vld.idx.msk [tilespmem:v5+s4+$0x0], $0xffff  }
0xe6: {  	v12 =	vor.u32 $0x9, v3;
	v6 =	vld.idx.msk [tilespmem:v6+s4+$0x0], $0xffff  }
0xe7: {  	v13 =	vor.u32 $0xA, v3;
	v8 =	vld.idx.msk [tilespmem:v8+s4+$0x0], $0xffff  }
0xe8: {  	v14 =	vor.u32 $0xB, v3;
	v9 =	vld.idx.msk [tilespmem:v9+s4+$0x0], $0xffff  }
0xe9: {  	v15 =	vor.u32 $0xC, v3;
	v10 =	vld.idx.msk [tilespmem:v10+s4+$0x0], $0xffff  }
0xea: {  	v16 =	vor.u32 $0xD, v3;
	v11 =	vld.idx.msk [tilespmem:v11+s4+$0x0], $0xffff  }
0xeb: {  	v17 =	vor.u32 $0xE, v3;
	v12 =	vld.idx.msk [tilespmem:v12+s4+$0x0], $0xffff  }
0xec: {  	v18 =	vor.u32 $0xF, v3;
	v13 =	vld.idx.msk [tilespmem:v13+s4+$0x0], $0xffff  }
0xed: {  	v14 =	vld.idx.msk [tilespmem:v14+s4+$0x0], $0xffff  }
0xee: {  	v15 =	vld.idx.msk [tilespmem:v15+s4+$0x0], $0xffff  }
0xef: {  	v16 =	vld.idx.msk [tilespmem:v16+s4+$0x0], $0xffff  }
0xf0: {  	v17 =	vld.idx.msk [tilespmem:v17+s4+$0x0], $0xffff  }
0xf1: {  	v18 =	vld.idx.msk [tilespmem:v18+s4+$0x0], $0xffff;
	[tilespmem:s8+$0xFFFFFF00] =	vst v7  }
0xf2: {  	[tilespmem:s8+$0xFFFFFF30] =	vst v2  }
0xf3: {  	[tilespmem:s8+$0xFFFFFF10] =	vst v4  }
0xf4: {  	[tilespmem:s8+$0xFFFFFF20] =	vst v5  }
0xf5: {  	[tilespmem:s8+$0xFFFFFF40] =	vst v6  }
0xf6: {  	[tilespmem:s8+$0xFFFFFF50] =	vst v8  }
0xf7: {  	[tilespmem:s8+$0xFFFFFF60] =	vst v9  }
0xf8: {  	[tilespmem:s8+$0xFFFFFF70] =	vst v10  }
0xf9: {  	[tilespmem:s8+$0xFFFFFF80] =	vst v11  }
0xfa: {  	[tilespmem:s8+$0xFFFFFF90] =	vst v12  }
0xfb: {  	[tilespmem:s8+$0xFFFFFFA0] =	vst v13  }
0xfc: {  	v50 =	vor.u32 $0x11, v3;
	[tilespmem:s8+$0xFFFFFFB0] =	vst v14  }
0xfd: {  	v51 =	vor.u32 $0x12, v3;
	[tilespmem:s8+$0xFFFFFFC0] =	vst v15  }
0xfe: {  	v52 =	vor.u32 $0x13, v3;
	[tilespmem:s8+$0xFFFFFFD0] =	vst v16  }
0xff: {  	v53 =	vor.u32 $0x14, v3;
	[tilespmem:s8+$0xFFFFFFE0] =	vst v17  }
0x100: {  	v54 =	vor.u32 $0x15, v3;
	[tilespmem:s8+$0xFFFFFFF0] =	vst v18  }
0x101: {  	v55 =	vor.u32 $0x16, v3;
	v4 =	vld.idx.msk [tilespmem:v50+s4+$0x0], $0xffff  }
0x102: {  	v56 =	vor.u32 $0x17, v3;
	v5 =	vld.idx.msk [tilespmem:v51+s4+$0x0], $0xffff  }
0x103: {  	v57 =	vor.u32 $0x18, v3;
	v6 =	vld.idx.msk [tilespmem:v52+s4+$0x0], $0xffff  }
0x104: {  	v58 =	vor.u32 $0x19, v3;
	v7 =	vld.idx.msk [tilespmem:v53+s4+$0x0], $0xffff  }
0x105: {  	v59 =	vor.u32 $0x1A, v3;
	v8 =	vld.idx.msk [tilespmem:v54+s4+$0x0], $0xffff  }
0x106: {  	v60 =	vor.u32 $0x1B, v3;
	v9 =	vld.idx.msk [tilespmem:v55+s4+$0x0], $0xffff  }
0x107: {  	v61 =	vor.u32 $0x1C, v3;
	v10 =	vld.idx.msk [tilespmem:v56+s4+$0x0], $0xffff  }
0x108: {  	v62 =	vor.u32 $0x1D, v3;
	v11 =	vld.idx.msk [tilespmem:v57+s4+$0x0], $0xffff  }
0x109: {  	v63 =	vor.u32 $0x1E, v3;
	v12 =	vld.idx.msk [tilespmem:v58+s4+$0x0], $0xffff  }
0x10a: {  	v2 =	vor.u32 $0x10, v3;
	v13 =	vld.idx.msk [tilespmem:v59+s4+$0x0], $0xffff  }
0x10b: {  	v3 =	vor.u32 $0x1F, v3;
	v14 =	vld.idx.msk [tilespmem:v60+s4+$0x0], $0xffff  }
0x10c: {  	v15 =	vld.idx.msk [tilespmem:v61+s4+$0x0], $0xffff  }
0x10d: {  	v16 =	vld.idx.msk [tilespmem:v62+s4+$0x0], $0xffff  }
0x10e: {  	v17 =	vld.idx.msk [tilespmem:v63+s4+$0x0], $0xffff  }
0x10f: {  	v2 =	vld.idx.msk [tilespmem:v2+s4+$0x0], $0xffff  }
0x110: {  	v3 =	vld.idx.msk [tilespmem:v3+s4+$0x0], $0xffff;
	[tilespmem:s8+$0x10] =	vst v4  }
0x111: {  	[tilespmem:s8+$0x20] =	vst v5  }
0x112: {  	[tilespmem:s8+$0x30] =	vst v6  }
0x113: {  	[tilespmem:s8+$0x40] =	vst v7  }
0x114: {  	[tilespmem:s8+$0x50] =	vst v8  }
0x115: {  	[tilespmem:s8+$0x60] =	vst v9  }
0x116: {  	[tilespmem:s8+$0x70] =	vst v10  }
0x117: {  	[tilespmem:s8+$0x80] =	vst v11  }
0x118: {  	[tilespmem:s8+$0x90] =	vst v12  }
0x119: {  	[tilespmem:s8+$0xA0] =	vst v13  }
0x11a: {  	p1 =	sne.s32 s5, $0x3E0;
	[tilespmem:s8+$0xB0] =	vst v14  }
.Ltmp7:
0x11b: {  	[tilespmem:s8+$0xC0] =	vst v15;
	(pc) =	sbr.rel @p1 .LBB2_8-.Ltmp7, $4  }
0x11c: {  	[tilespmem:s8+$0xD0] =	vst v16  }
0x11d: {  	[tilespmem:s8+$0xE0] =	vst v17  }
0x11e: {  	[tilespmem:s8+$0x0] =	vst v2  }
0x11f: {  	s5 =	sadd.s32 $0x20, s5;
	[tilespmem:s8+$0xF0] =	vst v3;
	s8 =	sadd.s32 $0x200, s8  }
0x120: {  	[hbm4b:s3+s4] =	stream.linear.scatter [tilespmem:s24], [sflag:$0x3], $0x4000, $0x38;
	[tilespmem:$0x13400] =	vst v63  }
0x121: {  	s3 =	sadd.s32 s13, s0  }
0x122: {  	p1 =	sgt.u32 s3, $0x3CF  }
0x123: {  	s3 =	sshll.u32 @!p1 s3, $0xA  }
0x124: {  	s5 =	simm.s32 @!p1 $0x0;
	s3 =	sadd.s32 @!p1 s1, s3  }
0x125: {  	[tilespmem:s5], [sflag:$0x1] =	stream.linear.gather @!p1 [hbm4b:s3+s5], $0x2000, $0x38;
	[tilespmem:$0x13400] =	vst v63  }
0x126: {  	s8 =	simm.s32 @!p1 $0x2400;
	s3 =	sadd.s32 @!p1 $0xF4280, s3  }
0x127: {  	[tilespmem:s8], [sflag:$0x1] =	stream.linear.gather @!p1 [hbm4b:s3+s5], $0x2000, $0x38;
	[tilespmem:$0x13400] =	vst v63  }
.LBB2_10:
0x128: {  	s3 =	sadd.s32 s14, s0  }
0x129: {  	p1 =	sgt.u32 s3, $0x3CF  }
.Ltmp8:
0x12a: {  	_ = 	snop;
	(pc) =	sbr.rel @p1 .LBB2_14-.Ltmp8, $1  }
0x12b: {  	_ =	sdelay $0x3  }
0x12c: {  	_ =	swait.ge [sflag:s25], $0x4000  }
0x12d: {  	[sflag:s25] =	ssyncset.done $0x0  }
0x12e: {  	[sflag:s25] =	ssyncadd.s32 $0xFFFFC000  }
0x12f: {  	_ =	swait.ge [sflag:s29], $0x4000  }
0x130: {  	s3 =	sshll.u32 s3, $0xB;
	s5 =	simm.s32 $0x0;
	[sflag:s29] =	ssyncset.done $0x0  }
0x131: {  	s8 =	simm.s32 $0xD100;
	s3 =	sadd.s32 s2, s3;
	[sflag:s29] =	ssyncadd.s32 $0xFFFFC000  }
.LBB2_12:
0x132: {  	v2 =	vmov s5  }
0x133: {  	v3 =	vshll.u32 v2, $0x3  }
0x134: {  	v2 =	vand.u32 $0x60, v2;
	v3 =	vand.u32 $0x1C00, v3  }
0x135: {  	v2 =	vor.u32 v2, v3  }
0x136: {  	v3 =	vadd.s32 v0, v2  }
0x137: {  	v2 =	vadd.s32 v1, v2  }
0x138: {  	v4 =	vor.u32 $0x1, v3  }
0x139: {  	v5 =	vor.u32 $0x2, v3  }
0x13a: {  	v6 =	vor.u32 $0x4, v3  }
0x13b: {  	v8 =	vor.u32 $0x5, v3;
	v7 =	vld.idx.msk [tilespmem:v3+s21+$0x0], $0xffff  }
0x13c: {  	v9 =	vor.u32 $0x6, v3;
	v2 =	vld.idx.msk [tilespmem:v2+s21+$0x0], $0xffff  }
0x13d: {  	v10 =	vor.u32 $0x7, v3;
	v4 =	vld.idx.msk [tilespmem:v4+s21+$0x0], $0xffff  }
0x13e: {  	v11 =	vor.u32 $0x8, v3;
	v5 =	vld.idx.msk [tilespmem:v5+s21+$0x0], $0xffff  }
0x13f: {  	v12 =	vor.u32 $0x9, v3;
	v6 =	vld.idx.msk [tilespmem:v6+s21+$0x0], $0xffff  }
0x140: {  	v13 =	vor.u32 $0xA, v3;
	v8 =	vld.idx.msk [tilespmem:v8+s21+$0x0], $0xffff  }
0x141: {  	v14 =	vor.u32 $0xB, v3;
	v9 =	vld.idx.msk [tilespmem:v9+s21+$0x0], $0xffff  }
0x142: {  	v15 =	vor.u32 $0xC, v3;
	v10 =	vld.idx.msk [tilespmem:v10+s21+$0x0], $0xffff  }
0x143: {  	v16 =	vor.u32 $0xD, v3;
	v11 =	vld.idx.msk [tilespmem:v11+s21+$0x0], $0xffff  }
0x144: {  	v17 =	vor.u32 $0xE, v3;
	v12 =	vld.idx.msk [tilespmem:v12+s21+$0x0], $0xffff  }
0x145: {  	v18 =	vor.u32 $0xF, v3;
	v13 =	vld.idx.msk [tilespmem:v13+s21+$0x0], $0xffff  }
0x146: {  	v14 =	vld.idx.msk [tilespmem:v14+s21+$0x0], $0xffff  }
0x147: {  	v15 =	vld.idx.msk [tilespmem:v15+s21+$0x0], $0xffff  }
0x148: {  	v16 =	vld.idx.msk [tilespmem:v16+s21+$0x0], $0xffff  }
0x149: {  	v17 =	vld.idx.msk [tilespmem:v17+s21+$0x0], $0xffff  }
0x14a: {  	v18 =	vld.idx.msk [tilespmem:v18+s21+$0x0], $0xffff;
	[tilespmem:s8+$0xFFFFFF00] =	vst v7  }
0x14b: {  	[tilespmem:s8+$0xFFFFFF30] =	vst v2  }
0x14c: {  	[tilespmem:s8+$0xFFFFFF10] =	vst v4  }
0x14d: {  	[tilespmem:s8+$0xFFFFFF20] =	vst v5  }
0x14e: {  	[tilespmem:s8+$0xFFFFFF40] =	vst v6  }
0x14f: {  	[tilespmem:s8+$0xFFFFFF50] =	vst v8  }
0x150: {  	[tilespmem:s8+$0xFFFFFF60] =	vst v9  }
0x151: {  	[tilespmem:s8+$0xFFFFFF70] =	vst v10  }
0x152: {  	[tilespmem:s8+$0xFFFFFF80] =	vst v11  }
0x153: {  	[tilespmem:s8+$0xFFFFFF90] =	vst v12  }
0x154: {  	[tilespmem:s8+$0xFFFFFFA0] =	vst v13  }
0x155: {  	v50 =	vor.u32 $0x11, v3;
	[tilespmem:s8+$0xFFFFFFB0] =	vst v14  }
0x156: {  	v51 =	vor.u32 $0x12, v3;
	[tilespmem:s8+$0xFFFFFFC0] =	vst v15  }
0x157: {  	v52 =	vor.u32 $0x13, v3;
	[tilespmem:s8+$0xFFFFFFD0] =	vst v16  }
0x158: {  	v53 =	vor.u32 $0x14, v3;
	[tilespmem:s8+$0xFFFFFFE0] =	vst v17  }
0x159: {  	v54 =	vor.u32 $0x15, v3;
	[tilespmem:s8+$0xFFFFFFF0] =	vst v18  }
0x15a: {  	v55 =	vor.u32 $0x16, v3;
	v4 =	vld.idx.msk [tilespmem:v50+s21+$0x0], $0xffff  }
0x15b: {  	v56 =	vor.u32 $0x17, v3;
	v5 =	vld.idx.msk [tilespmem:v51+s21+$0x0], $0xffff  }
0x15c: {  	v57 =	vor.u32 $0x18, v3;
	v6 =	vld.idx.msk [tilespmem:v52+s21+$0x0], $0xffff  }
0x15d: {  	v58 =	vor.u32 $0x19, v3;
	v7 =	vld.idx.msk [tilespmem:v53+s21+$0x0], $0xffff  }
0x15e: {  	v59 =	vor.u32 $0x1A, v3;
	v8 =	vld.idx.msk [tilespmem:v54+s21+$0x0], $0xffff  }
0x15f: {  	v60 =	vor.u32 $0x1B, v3;
	v9 =	vld.idx.msk [tilespmem:v55+s21+$0x0], $0xffff  }
0x160: {  	v61 =	vor.u32 $0x1C, v3;
	v10 =	vld.idx.msk [tilespmem:v56+s21+$0x0], $0xffff  }
0x161: {  	v62 =	vor.u32 $0x1D, v3;
	v11 =	vld.idx.msk [tilespmem:v57+s21+$0x0], $0xffff  }
0x162: {  	v63 =	vor.u32 $0x1E, v3;
	v12 =	vld.idx.msk [tilespmem:v58+s21+$0x0], $0xffff  }
0x163: {  	v2 =	vor.u32 $0x10, v3;
	v13 =	vld.idx.msk [tilespmem:v59+s21+$0x0], $0xffff  }
0x164: {  	v3 =	vor.u32 $0x1F, v3;
	v14 =	vld.idx.msk [tilespmem:v60+s21+$0x0], $0xffff  }
0x165: {  	v15 =	vld.idx.msk [tilespmem:v61+s21+$0x0], $0xffff  }
0x166: {  	v16 =	vld.idx.msk [tilespmem:v62+s21+$0x0], $0xffff  }
0x167: {  	v17 =	vld.idx.msk [tilespmem:v63+s21+$0x0], $0xffff  }
0x168: {  	v2 =	vld.idx.msk [tilespmem:v2+s21+$0x0], $0xffff  }
0x169: {  	v3 =	vld.idx.msk [tilespmem:v3+s21+$0x0], $0xffff;
	[tilespmem:s8+$0x10] =	vst v4  }
0x16a: {  	[tilespmem:s8+$0x20] =	vst v5  }
0x16b: {  	[tilespmem:s8+$0x30] =	vst v6  }
0x16c: {  	[tilespmem:s8+$0x40] =	vst v7  }
0x16d: {  	[tilespmem:s8+$0x50] =	vst v8  }
0x16e: {  	[tilespmem:s8+$0x60] =	vst v9  }
0x16f: {  	[tilespmem:s8+$0x70] =	vst v10  }
0x170: {  	[tilespmem:s8+$0x80] =	vst v11  }
0x171: {  	[tilespmem:s8+$0x90] =	vst v12  }
0x172: {  	[tilespmem:s8+$0xA0] =	vst v13  }
0x173: {  	p1 =	sne.s32 s5, $0x3E0;
	[tilespmem:s8+$0xB0] =	vst v14  }
.Ltmp9:
0x174: {  	[tilespmem:s8+$0xC0] =	vst v15;
	(pc) =	sbr.rel @p1 .LBB2_12-.Ltmp9, $4  }
0x175: {  	[tilespmem:s8+$0xD0] =	vst v16  }
0x176: {  	[tilespmem:s8+$0xE0] =	vst v17  }
0x177: {  	[tilespmem:s8+$0x0] =	vst v2  }
0x178: {  	s5 =	sadd.s32 $0x20, s5;
	[tilespmem:s8+$0xF0] =	vst v3;
	s8 =	sadd.s32 $0x200, s8  }
0x179: {  	[hbm4b:s3+s4] =	stream.linear.scatter [tilespmem:s26], [sflag:$0x4], $0x4000, $0x38;
	[tilespmem:$0x13400] =	vst v63  }
0x17a: {  	s0 =	sadd.s32 s15, s0  }
0x17b: {  	p1 =	sgt.u32 s0, $0x3CF  }
.Ltmp10:
0x17c: {  	s0 =	sshll.u32 @!p1 s0, $0xA;
	(pc) =	sbr.rel .LBB2_14-.Ltmp10, $4  }
0x17d: {  	s3 =	simm.s32 @!p1 $0x0;
	s5 =	simm.s32 @!p1 $0x4800;
	s0 =	sadd.s32 @!p1 s1, s0  }
0x17e: {  	[tilespmem:s5], [sflag:$0x2] =	stream.linear.gather @!p1 [hbm4b:s0+s3], $0x2000, $0x38;
	[tilespmem:$0x13400] =	vst v63  }
0x17f: {  	s0 =	sadd.s32 @!p1 $0xF4280, s0;
	s5 =	simm.s32 @!p1 $0x6C00  }
0x180: {  	[tilespmem:s5], [sflag:$0x2] =	stream.linear.gather @!p1 [hbm4b:s0+s3], $0x2000, $0x38;
	[tilespmem:$0x13400] =	vst v63  }
.LBB2_16:
0x181: {  	_ =	sfence.sel $0x180000  }
0x182: {  	[bflag:$0x0] =	sbarrier.arrive $0xFFFF  }
0x183: {  	_ =	strace $0x90000047  }
0x184: {  	s0 =	stileid.u32;
	[bflag:$0x2] =	sbarrier.arrive $0xFFFF  }
0x185: {  	p0 =	sne.s32 s0, $0x0;
	s0 =	rddreg [dreg:$0x3]  }
0x186: {  	s0 =	sadd.s32 @!p0 $0x100000, s0  }
0x187: {  	[sflag:s0] =	ssyncadd.tile.s32 @!p0 $0x1;
	_ =	shalt  }
.Lfunc_end2:
_tile_overlayer_lowered:
.L_overlay_start_2:
0x188: {  	(tag) =	ssettag $0x2  }
0x189: {  	s0 =	rddreg [dreg:$0x0];
	s2 =	stileid.u32  }
0x18a: {  	s1 =	rddreg [dreg:$0x1];
	p0 =	sne.s32 s2, $0x0  }
0x18b: {  	s3 =	rddreg [dreg:$0x2];
	[bflag:$0x3] =	sbarrier.arrive $0xFFFF;
	s2 =	simm.s32 @!p0 $0x1C06  }
0x18c: {  	[timem:s3], [sflag:s2] =	dma.local @!p0 [hbm:s0], s1  }
0x18d: {  	s0 =	simm.s32 @!p0 $0x6  }
0x18e: {  	_ =	swait.ge @!p0 [sflag:s0], s1  }
0x18f: {  	s1 =	ssub.s32 @!p0 $0x0, s1;
	[sflag:s0] =	ssyncset.done @!p0 $0x0  }
0x190: {  	[sflag:s0] =	ssyncadd.s32 @!p0 s1  }
0x191: {  	[bflag:$0x3] =	sbarrier.arrive $0xFFFF  }
0x192: {  	_ =	shalt  }

// kernel: kernel.7.cloned.1.call-start
scs
__scs_entry_jumppad:
0x0: {  	(pc) =	sbr.rel $0x88, $3  }
0x1: {  	(tag) =	ssettag $0x0;
	lr =	simm.s32 $0x1  }
0x2: {  	[smem:$0x3F9F] =	sst lr;
	_ =	strace $0xD0000000  }
0x3: {  	_ = 	snop  }
0x4: {  	_ = 	snop  }
0x5: {  	_ = 	snop  }
0x6: {  	_ = 	snop  }
0x7: {  	_ = 	snop  }
__scs_overlays_trampoline_lowered:
0x8: {  	[smem:$0x3FAE] =	sst s0  }
0x9: {  	[smem:$0x3FAF] =	sst s1  }
0xa: {  	[smem:$0x3FB0] =	sst s2  }
0xb: {  	[smem:$0x3FB1] =	sst s3  }
0xc: {  	[smem:$0x3FB2] =	sst s4  }
0xd: {  	[smem:$0x3FB3] =	sst s5  }
0xe: {  	[smem:$0x3FB4] =	sst s6  }
0xf: {  	[smem:$0x3FB5] =	sst s7  }
0x10: {  	[smem:$0x3FB6] =	sst s8  }
0x11: {  	[smem:$0x3FB7] =	sst s9;
	s0 =	simm.s32 @!p0 $0x0  }
0x12: {  	s1 =	sld [smem:$0x3F9D];
	s0 =	simm.s32 @p0 $0x1  }
0x13: {  	[smem:$0x3FB8] =	sst s0;
	s0 =	simm.s32 @!p1 $0x0  }
0x14: {  	s2 =	sld [smem:$0x3F9C];
	s0 =	simm.s32 @p1 $0x1  }
0x15: {  	[smem:$0x3FB9] =	sst s0;
	s0 =	simm.s32 @!p2 $0x0  }
0x16: {  	s3 =	sld [smem:$0x3FDB];
	s0 =	simm.s32 @p2 $0x1  }
0x17: {  	s4 =	simm.s32 $0x1BF5;
	[smem:$0x3FBB] =	sst s0  }
0x18: {  	s0 =	sld [smem:$0x3F9E];
	_ =	swait.ge [sflag:s4], $0x0  }
0x19: {  	s7 =	sld [smem:$0x3F9F]  }
0x1a: {  	s8 =	sadd.s32 $0xFFFFE003, lr  }
0x1b: {  	s9 =	sadd.s32 $0xFFFFFEF7, lr;
	s5 =	simm.s32 $0xFFFFFFFF;
	p2 =	slt.u32 s8, $0xFFFFF086  }
0x1c: {  	p1 =	slt.u32 s9, $0xF7A;
	s5 =	simm.s32 @!p2 $0x0  }
0x1d: {  	s5 =	simm.s32 @p1 $0x1;
	p0 =	seq.s32 s7, s2  }
0x1e: {  	s7 =	smul.u32 @!p0 $0xF7A, s2;
	p2 =	seq.s32 @!p0 s5, $0x0  }
0x1f: {  	s9 =	smul.u32 $0xF7A, s1;
	s8 =	simm.s32 @!p0 $0x1BF5;
	p2 =	por !p2, p0  }
0x20: {  	[sflag:s8] =	ssyncset.s32 @!p0 $0xFFFFF086;
	s6 =	sadd.s32 @!p0 s3, s7;
	s7 =	simm.s32 @!p0 $0x108  }
0x21: {  	s3 =	sadd.s32 s3, s9;
	s6 =	sadd.s32 @!p0 $0x88, s6;
	s7 =	simm.s32 @p2 $0x1082  }
0x22: {  	[simem:s7], [sflag:s8] =	dma.local @!p0 [hbm:s6], $0xF7A  }
0x23: {  	s9 =	sor.u32 $0xD0000000, s2;
	s6 =	simm.s32 $0x108;
	_ =	swait.ge @!p0 [sflag:s8], $0x0  }
0x24: {  	s3 =	sadd.s32 $0x88, s3;
	s6 =	simm.s32 @!p1 $0x1082;
	[sflag:s4] =	ssyncset.s32 $0xFFFFF086  }
0x25: {  	[simem:s6], [sflag:s4] =	dma.local [hbm:s3], $0xF7A  }
0x26: {  	[smem:$0x3F9F] =	sst s1;
	(tag) =	ssettag s2;
	_ =	strace s9  }
0x27: {  	s1 =	sld [smem:$0x3FAF]  }
0x28: {  	s2 =	sld [smem:$0x3FB0]  }
0x29: {  	s4 =	sld [smem:$0x3FB2]  }
0x2a: {  	p0 =	seq.s32 s5, $0x0;
	s5 =	sld [smem:$0x3FB3]  }
0x2b: {  	s6 =	sld [smem:$0x3FB4]  }
0x2c: {  	s7 =	sld [smem:$0x3FB5]  }
0x2d: {  	s3 =	simm.s32 $0x108;
	s8 =	sld [smem:$0x3FB6]  }
0x2e: {  	s3 =	simm.s32 @!p0 $0x1082;
	s9 =	sld [smem:$0x3FB7]  }
0x2f: {  	lr =	sadd.s32 s0, s3;
	s0 =	sld [smem:$0x3FAE]  }
0x30: {  	s3 =	sld [smem:$0x3FB1]  }
0x31: {  	[smem:$0x3FBA] =	sst s10  }
0x32: {  	s10 =	sld [smem:$0x3FB8];
	_ =	sdelay $0x3  }
0x33: {  	p0 =	seq.s32 s10, $0x1;
	s10 =	sld [smem:$0x3FBA];
	_ =	sdelay $0x3  }
0x34: {  	[smem:$0x3FBA] =	sst s10  }
0x35: {  	s10 =	sld [smem:$0x3FB9];
	_ =	sdelay $0x3  }
0x36: {  	p1 =	seq.s32 s10, $0x1;
	s10 =	sld [smem:$0x3FBA];
	_ =	sdelay $0x3  }
0x37: {  	[smem:$0x3FBA] =	sst s10  }
0x38: {  	s10 =	sld [smem:$0x3FBB]  }
0x39: {  	_ = 	snop;
	(pc) =	sbr.ind lr, $3  }
0x3a: {  	_ = 	snop  }
0x3b: {  	_ = 	snop  }
0x3c: {  	p2 =	seq.s32 s10, $0x1;
	s10 =	sld [smem:$0x3FBA]  }
0x3d: {  	_ =	shalt  }
0x3e: {  	_ =	shalt  }
0x3f: {  	_ =	shalt  }
0x40: {  	_ =	shalt  }
0x41: {  	_ =	shalt  }
0x42: {  	_ =	shalt  }
0x43: {  	_ =	shalt  }
0x44: {  	_ =	shalt  }
0x45: {  	_ =	shalt  }
0x46: {  	_ =	shalt  }
0x47: {  	_ =	shalt  }
0x48: {  	_ =	shalt  }
0x49: {  	_ =	shalt  }
0x4a: {  	_ =	shalt  }
0x4b: {  	_ =	shalt  }
0x4c: {  	_ =	shalt  }
0x4d: {  	_ =	shalt  }
0x4e: {  	_ =	shalt  }
0x4f: {  	_ =	shalt  }
0x50: {  	_ =	shalt  }
0x51: {  	_ =	shalt  }
0x52: {  	_ =	shalt  }
0x53: {  	_ =	shalt  }
0x54: {  	_ =	shalt  }
0x55: {  	_ =	shalt  }
0x56: {  	_ =	shalt  }
0x57: {  	_ =	shalt  }
0x58: {  	_ =	shalt  }
0x59: {  	_ =	shalt  }
0x5a: {  	_ =	shalt  }
0x5b: {  	_ =	shalt  }
0x5c: {  	_ =	shalt  }
0x5d: {  	_ =	shalt  }
0x5e: {  	_ =	shalt  }
0x5f: {  	_ =	shalt  }
0x60: {  	_ =	shalt  }
0x61: {  	_ =	shalt  }
0x62: {  	_ =	shalt  }
0x63: {  	_ =	shalt  }
0x64: {  	_ =	shalt  }
0x65: {  	_ =	shalt  }
0x66: {  	_ =	shalt  }
0x67: {  	_ =	shalt  }
0x68: {  	_ =	shalt  }
0x69: {  	_ =	shalt  }
0x6a: {  	_ =	shalt  }
0x6b: {  	_ =	shalt  }
0x6c: {  	_ =	shalt  }
0x6d: {  	_ =	shalt  }
0x6e: {  	_ =	shalt  }
0x6f: {  	_ =	shalt  }
0x70: {  	_ =	shalt  }
0x71: {  	_ =	shalt  }
0x72: {  	_ =	shalt  }
0x73: {  	_ =	shalt  }
0x74: {  	_ =	shalt  }
0x75: {  	_ =	shalt  }
0x76: {  	_ =	shalt  }
0x77: {  	_ =	shalt  }
0x78: {  	_ =	shalt  }
0x79: {  	_ =	shalt  }
0x7a: {  	_ =	shalt  }
0x7b: {  	_ =	shalt  }
0x7c: {  	_ =	shalt  }
0x7d: {  	_ =	shalt  }
0x7e: {  	_ =	shalt  }
0x7f: {  	_ =	shalt  }
0x80: {  	_ =	shalt  }
0x81: {  	_ =	shalt  }
0x82: {  	_ =	shalt  }
0x83: {  	_ =	shalt  }
0x84: {  	_ =	shalt  }
0x85: {  	_ =	shalt  }
0x86: {  	_ =	shalt  }
0x87: {  	_ =	shalt  }
.Lfunc_end0:
.L_simem_size_0:
called_computation.1_lowered:
.L_overlay_start_0:
0x88: {  	s2 =	sld [smem:$0x3FD9]  }
0x89: {  	s3 =	sld [smem:$0x3FFE];
	_ =	sdelay $0x1  }
0x8a: {  	s1 =	srdreg.scid  }
0x8b: {  	s0 =	sand.u32 $0x1, s1  }
0x8c: {  	s17 =	sshll.u32 s0, $0xA;
	s2 =	sadd.s32 s3, s2  }
0x8d: {  	s2 =	sadd.s32 s2, s17  }
0x8e: {  	[smem:$0x3FC6] =	sst s2  }
0x8f: {  	_ = 	snop  }
0x90: {  	s2 =	sld [smem:$0x3FD0];
	(tm) =	ssettm $0x1  }
0x91: {  	s18 =	sld [smem:$0x3FFB];
	_ =	sdelay $0x3  }
0x92: {  	_ =	strace s18  }
0x93: {  	s3 =	sld [smem:$0x3FFC];
	_ =	sdelay $0x3  }
0x94: {  	_ =	strace s3  }
0x95: {  	s3 =	sld [smem:$0x3FFD];
	_ =	sdelay $0x3  }
0x96: {  	_ =	strace s3  }
0x97: {  	_ =	strace $0x8FFFFFFF  }
0x98: {  	s19 =	sld [smem:$0x3FDB];
	_ =	sdelay $0x1  }
0x99: {  	s4 =	simm.s32 $_scs_section_size  }
0x9a: {  	s5 =	simm.s32 $_size__tile_overlayer_lowered;
	s6 =	simm.s32 $_tile_overlayer_lowered  }
0x9b: {  	s22 =	simm.s32 $0x1BFF;
	s21 =	sshll.u32 s6, $0x1;
	s3 =	sadd.s32 s4, s19  }
0x9c: {  	s7 =	simm.s32 $0x0;
	s20 =	sshll.u32 s5, $0x1;
	s5 =	sadd.s32 s21, s3  }
0x9d: {  	[timem:s7], [sflag:s22] =	dma.local [hbm:s5], s20  }
0x9e: {  	_ =	swait.ge [sflag:s22], s20  }
0x9f: {  	s4 =	ssub.s32 $0x0, s20;
	[sflag:s22] =	ssyncset.done $0x0  }
0xa0: {  	[sflag:s22] =	ssyncadd.s32 s4;
	_ =	sdelay $0x1  }
0xa1: {  	s23 =	simm.s32 $0x1B8B  }
0xa2: {  	_ =	swait.ge [sflag:s23], $0x1  }
0xa3: {  	[sflag:s23] =	ssyncset.done $0x0  }
0xa4: {  	s25 =	simm.s32 $0x1B8E;
	s24 =	sld [smem:$0x3FFE];
	[sflag:s23] =	ssyncadd.s32 $0xFFFFFFFF  }
0xa5: {  	s26 =	simm.s32 $execute0_lowered;
	[smem:$0x3FD2] =	sst s25  }
0xa6: {  	s5 =	sshll.u32 s26, $0x1;
	_ =	strace $0x80000049;
	[dreg:$0x1] =	wrdreg $0xFFFFFFFF  }
0xa7: {  	s28 =	simm.s32 $_size_execute0_lowered;
	s3 =	sadd.s32 s3, s5;
	[dreg:$0x0] =	wrdreg $0x0  }
0xa8: {  	s5 =	sshll.u32 s28, $0x1;
	[dreg:$0x2] =	wrdreg s3  }
0xa9: {  	[dreg:$0x3] =	wrdreg s5  }
0xaa: {  	[dreg:$0x4] =	wrdreg $0xC0  }
0xab: {  	_ =	task [dreg:s7], $0x5FFFF  }
0xac: {  	[dreg:$0x1] =	wrdreg $0xFFFFFFFF  }
0xad: {  	[dreg:$0x0] =	wrdreg $0x60  }
0xae: {  	[dreg:$0x2] =	wrdreg s24  }
0xaf: {  	[dreg:$0x3] =	wrdreg s2  }
0xb0: {  	[dreg:$0x4] =	wrdreg $0x9  }
0xb1: {  	_ =	task.clear_ibuf [dreg:s7], $0x5FFFF;
	_ =	strace $0x90000049  }
0xb2: {  	s29 =	simm.s32 $0x9;
	_ =	strace $0x8000004B  }
0xb3: {  	_ =	swait.ge [sflag:s29], $0x1  }
0xb4: {  	[sflag:s29] =	ssyncadd.s32 $0xFFFFFFFF  }
0xb5: {  	_ =	strace $0x9000004B  }
0xb6: {  	_ =	sfence  }
0xb7: {  	s30 =	sld [smem:$0x0];
	_ =	sdelay $0x2  }
0xb8: {  	s31 =	sshll.u32 s1, $0xD;
	s1 =	sshrl.u32 s1, $0x2  }
0xb9: {  	s3 =	sand.u32 $0x4000, s31;
	s1 =	sadd.s32 s1, s30  }
0xba: {  	s0 =	sor.u32 s3, s0;
	s1 =	sshll.u32 s1, $0x11  }
0xbb: {  	s0 =	sor.u32 s1, s0  }
0xbc: {  	s0 =	sadd.s32 $0x8F2B, s0  }
0xbd: {  	[sflag:s0] =	ssyncadd.remote.s32 $0x1  }
0xbe: {  	_ =	sfence.sel $0xFFFF  }
0xbf: {  	[dreg:$0x0] =	wrdreg $0xFFFFFFFF;
	(pc) =	sbr.abs _section_cstart, $3  }
0xc0: {  	[dreg:$0x1] =	wrdreg $0xFFFFFFFF  }
0xc1: {  	_ =	task.clear_ibuf [dreg:s7], $0x2FFFF;
	_ =	strace $0x9FFFFFFF  }
0xc2: {  	(tm) =	ssettm $0x7FFFFFFF  }
0xc3: {  	_ =	shalt  }
tec
execute0_lowered:
.L_overlay_start_1:
0x0: {  	(tag) =	ssettag $0x1  }
0x1: {  	s0 =	rddreg [dreg:$0x0];
	s1 =	srdreg.scid  }
0x2: {  	s12 =	stileid.u32;
	s2 =	rddreg [dreg:$0x1]  }
0x3: {  	s3 =	simm.s32 $0x0;
	s21 =	simm.s32 $0x800;
	s22 =	simm.s32 $0x1  }
0x4: {  	s28 =	simm.s32 $0x4;
	s29 =	simm.s32 $0x5;
	s30 =	simm.s32 $0x6  }
0x5: {  	s1 =	sand.u32 $0x1, s1;
	s4 =	sshll.u32 s12, $0x1;
	s14 =	smul.u32 $0x64, s12  }
0x6: {  	s4 =	sor.u32 s1, s4;
	s8 =	ssub.s32 $0x2, s1;
	s1 =	smul.u32 $0x32, s1  }
0x7: {  	s31 =	simm.s32 $0x0;
	[smem:$0x7FF] =	sst s3;
	s5 =	smul.u32 $0x32, s4  }
0x8: {  	s7 =	sadd.s32 $0x1000, s0;
	s0 =	sadd.s32 $0x65000, s0;
	s6 =	smul.u32 $0x3200, s4  }
0x9: {  	_ =	strace $0x8000004A;
	s10 =	sshrl.u32 s8, $0x1;
	s11 =	smul.u32 $0x19000, s4  }
0xa: {  	s9 =	smul.u32 $0x32000, s4;
	s10 =	ssub.s32 s8, s10;
	s1 =	sadd.s32 s1, s14  }
0xb: {  	s5 =	sor.u32 $0x1, s5;
	s4 =	sadd.s32 s7, s6;
	s24 =	sshrl.u32 s11, $0x3  }
0xc: {  	s10 =	smax.u32 s10, $0x1;
	s26 =	sshll.u32 s1, $0x8;
	s1 =	sshll.u32 s1, $0xC  }
0xd: {  	s23 =	sshll.u32 s5, $0x8;
	s25 =	sadd.s32 s7, s24;
	s5 =	sshll.u32 s5, $0xC  }
0xe: {  	s12 =	sadd.s32 $0x3100, s4;
	s15 =	sadd.s32 $0x3000, s4;
	s6 =	sadd.s32 s7, s23  }
0xf: {  	s24 =	simm.s32 $0x3;
	s8 =	sadd.s32 $0x200, s25;
	[dreg:$0x3] =	wrdreg s6  }
0x10: {  	s5 =	sadd.s32 s0, s5;
	s23 =	simm.s32 $0x1000;
	[dreg:$0x4] =	wrdreg s8  }
0x11: {  	s6 =	sadd.s32 s0, s9;
	[dreg:$0x5] =	wrdreg s5;
	s9 =	sadd.s32 $0x300, s25  }
0x12: {  	s5 =	sadd.s32 s7, s26;
	s0 =	sadd.s32 s0, s1;
	s25 =	simm.s32 $0x2  }
0x13: {  	s26 =	simm.s32 $0x9000;
	s11 =	sadd.s32 $0x30000, s6;
	s13 =	sadd.s32 $0x31000, s6  }
0x14: {  	s14 =	sadd.s32 $0x2E000, s6;
	s16 =	sadd.s32 $0x2F000, s6;
	s17 =	sadd.s32 $0x400, s5  }
0x15: {  	s18 =	sadd.s32 $0x500, s5;
	s19 =	sadd.s32 $0x3000, s0;
	s20 =	sadd.s32 $0x2000, s0  }
.LBB2_1:
0x16: {  	[tilespmem:s3], [sflag:$0x1] =	stream.linear.gather [hbm4b:s4+s3], $0x800, $0x38;
	[tilespmem:$0x11000] =	vst v63  }
0x17: {  	s0 =	rddreg [dreg:$0x3]  }
0x18: {  	[tilespmem:s21], [sflag:$0x2] =	stream.linear.gather [hbm4b:s0+s3], $0x800, $0x38;
	[tilespmem:$0x11000] =	vst v63  }
0x19: {  	_ =	swait.ge [sflag:s22], $0x800  }
0x1a: {  	[sflag:s22] =	ssyncset.done $0x0  }
0x1b: {  	[sflag:s22] =	ssyncadd.s32 $0xFFFFF800  }
0x1c: {  	[tilespmem:s23], [sflag:$0x3] =	stream.indirect.gather [hbm4b:s2+s21], $0x10, s3, s21, $0xb8;
	[tilespmem:$0x11000] =	vst v63  }
0x1d: {  	_ =	swait.ge [sflag:s24], $0x8000  }
0x1e: {  	[sflag:s24] =	ssyncset.done $0x0  }
0x1f: {  	[sflag:s24] =	ssyncadd.s32 $0xFFFF8000  }
0x20: {  	[hbm4b:s6+s3] =	stream.linear.scatter [tilespmem:s23], [sflag:$0x5], $0x8000, $0x38;
	[tilespmem:$0x11000] =	vst v63  }
0x21: {  	s5 =	rddreg [dreg:$0x4]  }
0x22: {  	[tilespmem:s3], [sflag:$0x1] =	stream.linear.gather [hbm4b:s5+s3], $0x800, $0x38;
	[tilespmem:$0x11000] =	vst v63  }
0x23: {  	_ =	swait.ge [sflag:s25], $0x800  }
0x24: {  	[sflag:s25] =	ssyncset.done $0x0  }
0x25: {  	[sflag:s25] =	ssyncadd.s32 $0xFFFFF800  }
0x26: {  	[tilespmem:s26], [sflag:$0x4] =	stream.indirect.gather [hbm4b:s2+s21], $0x10, s21, s21, $0xb8;
	[tilespmem:$0x11000] =	vst v63  }
0x27: {  	_ =	swait.ge [sflag:s28], $0x8000  }
0x28: {  	[sflag:s28] =	ssyncset.done $0x0  }
0x29: {  	s7 =	rddreg [dreg:$0x5];
	[sflag:s28] =	ssyncadd.s32 $0xFFFF8000  }
0x2a: {  	[hbm4b:s7+s3] =	stream.linear.scatter [tilespmem:s26], [sflag:$0x6], $0x8000, $0x38;
	[tilespmem:$0x11000] =	vst v63  }
0x2b: {  	_ = 	snop  }
0x2c: {  	[tilespmem:s21], [sflag:$0x2] =	stream.linear.gather [hbm4b:s9+s3], $0x800, $0x38;
	[tilespmem:$0x11000] =	vst v63  }
0x2d: {  	_ =	swait.ge [sflag:s22], $0x800  }
0x2e: {  	[sflag:s22] =	ssyncset.done $0x0  }
0x2f: {  	[sflag:s22] =	ssyncadd.s32 $0xFFFFF800  }
0x30: {  	_ =	swait.ge [sflag:s29], $0x8000  }
0x31: {  	[sflag:s29] =	ssyncset.done $0x0  }
0x32: {  	[sflag:s29] =	ssyncadd.s32 $0xFFFF8000  }
0x33: {  	[tilespmem:s23], [sflag:$0x3] =	stream.indirect.gather [hbm4b:s2+s21], $0x10, s3, s21, $0xb8;
	[tilespmem:$0x11000] =	vst v63  }
0x34: {  	_ =	swait.ge [sflag:s24], $0x8000  }
0x35: {  	[sflag:s24] =	ssyncset.done $0x0  }
0x36: {  	[sflag:s24] =	ssyncadd.s32 $0xFFFF8000  }
0x37: {  	[hbm4b:s20+s3] =	stream.linear.scatter [tilespmem:s23], [sflag:$0x5], $0x8000, $0x38;
	[tilespmem:$0x11000] =	vst v63  }
0x38: {  	s8 =	sadd.s32 $0x0, s17  }
0x39: {  	[tilespmem:s3], [sflag:$0x1] =	stream.linear.gather [hbm4b:s8+s3], $0x800, $0x38;
	[tilespmem:$0x11000] =	vst v63  }
0x3a: {  	_ =	swait.ge [sflag:s25], $0x800  }
0x3b: {  	[sflag:s25] =	ssyncset.done $0x0  }
0x3c: {  	[sflag:s25] =	ssyncadd.s32 $0xFFFFF800  }
0x3d: {  	_ =	swait.ge [sflag:s30], $0x8000  }
0x3e: {  	[sflag:s30] =	ssyncset.done $0x0  }
0x3f: {  	[sflag:s30] =	ssyncadd.s32 $0xFFFF8000  }
0x40: {  	[tilespmem:s26], [sflag:$0x4] =	stream.indirect.gather [hbm4b:s2+s21], $0x10, s21, s21, $0xb8;
	[tilespmem:$0x11000] =	vst v63  }
0x41: {  	_ =	swait.ge [sflag:s28], $0x8000  }
0x42: {  	s1 =	simm.s32 $0x200;
	s0 =	sadd.s32 $0x2000, s19;
	[sflag:s28] =	ssyncset.done $0x0  }
0x43: {  	s5 =	sadd.s32 $0x2000, s20;
	s7 =	sadd.s32 $0x0, s18;
	[sflag:s28] =	ssyncadd.s32 $0xFFFF8000  }
0x44: {  	[hbm4b:s19+s3] =	stream.linear.scatter [tilespmem:s26], [sflag:$0x6], $0x8000, $0x38;
	[tilespmem:$0x11000] =	vst v63  }
.LBB2_2:
0x45: {  	[tilespmem:s21], [sflag:$0x2] =	stream.linear.gather [hbm4b:s7+s3], $0x800, $0x38;
	[tilespmem:$0x11000] =	vst v63  }
0x46: {  	s7 =	smov.u32 s1  }
0x47: {  	p0 =	sne.s32 s1, $0x2A00;
	s1 =	sadd.s32 $0x200, s1;
	_ =	swait.ge [sflag:s22], $0x800  }
0x48: {  	[sflag:s22] =	ssyncset.done $0x0  }
0x49: {  	[sflag:s22] =	ssyncadd.s32 $0xFFFFF800  }
0x4a: {  	_ =	swait.ge [sflag:s29], $0x8000  }
0x4b: {  	[sflag:s29] =	ssyncset.done $0x0  }
0x4c: {  	[sflag:s29] =	ssyncadd.s32 $0xFFFF8000  }
0x4d: {  	[tilespmem:s23], [sflag:$0x3] =	stream.indirect.gather [hbm4b:s2+s21], $0x10, s3, s21, $0xb8;
	[tilespmem:$0x11000] =	vst v63  }
0x4e: {  	_ =	swait.ge [sflag:s24], $0x8000  }
0x4f: {  	[sflag:s24] =	ssyncset.done $0x0  }
0x50: {  	[sflag:s24] =	ssyncadd.s32 $0xFFFF8000  }
0x51: {  	[hbm4b:s5+s3] =	stream.linear.scatter [tilespmem:s23], [sflag:$0x5], $0x8000, $0x38;
	[tilespmem:$0x11000] =	vst v63  }
0x52: {  	s8 =	sadd.s32 s7, s17  }
0x53: {  	[tilespmem:s3], [sflag:$0x1] =	stream.linear.gather [hbm4b:s8+s3], $0x800, $0x38;
	[tilespmem:$0x11000] =	vst v63  }
0x54: {  	_ =	swait.ge [sflag:s25], $0x800  }
0x55: {  	[sflag:s25] =	ssyncset.done $0x0  }
0x56: {  	[sflag:s25] =	ssyncadd.s32 $0xFFFFF800  }
0x57: {  	_ =	swait.ge [sflag:s30], $0x8000  }
0x58: {  	[sflag:s30] =	ssyncset.done $0x0  }
0x59: {  	[sflag:s30] =	ssyncadd.s32 $0xFFFF8000  }
0x5a: {  	[tilespmem:s26], [sflag:$0x4] =	stream.indirect.gather [hbm4b:s2+s21], $0x10, s21, s21, $0xb8;
	[tilespmem:$0x11000] =	vst v63  }
.Ltmp0:
0x5b: {  	_ =	swait.ge [sflag:s28], $0x8000;
	(pc) =	sbr.rel @p0 .LBB2_2-.Ltmp0, $4  }
0x5c: {  	[sflag:s28] =	ssyncset.done $0x0  }
0x5d: {  	[sflag:s28] =	ssyncadd.s32 $0xFFFF8000  }
0x5e: {  	[hbm4b:s0+s3] =	stream.linear.scatter [tilespmem:s26], [sflag:$0x6], $0x8000, $0x38;
	[tilespmem:$0x11000] =	vst v63  }
0x5f: {  	s7 =	sadd.s32 s7, s18;
	s5 =	sadd.s32 $0x2000, s5;
	s0 =	sadd.s32 $0x2000, s0  }
0x60: {  	[tilespmem:s21], [sflag:$0x2] =	stream.linear.gather [hbm4b:s7+s3], $0x800, $0x38;
	[tilespmem:$0x11000] =	vst v63  }
0x61: {  	_ =	swait.ge [sflag:s22], $0x800  }
0x62: {  	[sflag:s22] =	ssyncset.done $0x0  }
0x63: {  	[sflag:s22] =	ssyncadd.s32 $0xFFFFF800  }
0x64: {  	_ =	swait.ge [sflag:s29], $0x8000  }
0x65: {  	[sflag:s29] =	ssyncset.done $0x0  }
0x66: {  	[sflag:s29] =	ssyncadd.s32 $0xFFFF8000  }
0x67: {  	[tilespmem:s23], [sflag:$0x3] =	stream.indirect.gather [hbm4b:s2+s21], $0x10, s3, s21, $0xb8;
	[tilespmem:$0x11000] =	vst v63  }
0x68: {  	_ =	swait.ge [sflag:s24], $0x8000  }
0x69: {  	[sflag:s24] =	ssyncset.done $0x0  }
0x6a: {  	[sflag:s24] =	ssyncadd.s32 $0xFFFF8000  }
0x6b: {  	[hbm4b:s14+s3] =	stream.linear.scatter [tilespmem:s23], [sflag:$0x5], $0x8000, $0x38;
	[tilespmem:$0x11000] =	vst v63  }
0x6c: {  	_ = 	snop  }
0x6d: {  	[tilespmem:s3], [sflag:$0x1] =	stream.linear.gather [hbm4b:s15+s3], $0x800, $0x38;
	[tilespmem:$0x11000] =	vst v63  }
0x6e: {  	_ =	swait.ge [sflag:s25], $0x800  }
0x6f: {  	[sflag:s25] =	ssyncset.done $0x0  }
0x70: {  	[sflag:s25] =	ssyncadd.s32 $0xFFFFF800  }
0x71: {  	_ =	swait.ge [sflag:s30], $0x8000  }
0x72: {  	[sflag:s30] =	ssyncset.done $0x0  }
0x73: {  	[sflag:s30] =	ssyncadd.s32 $0xFFFF8000  }
0x74: {  	[tilespmem:s26], [sflag:$0x4] =	stream.indirect.gather [hbm4b:s2+s21], $0x10, s21, s21, $0xb8;
	[tilespmem:$0x11000] =	vst v63  }
0x75: {  	_ =	swait.ge [sflag:s28], $0x8000  }
0x76: {  	[sflag:s28] =	ssyncset.done $0x0  }
0x77: {  	[sflag:s28] =	ssyncadd.s32 $0xFFFF8000  }
0x78: {  	[hbm4b:s16+s3] =	stream.linear.scatter [tilespmem:s26], [sflag:$0x6], $0x8000, $0x38;
	[tilespmem:$0x11000] =	vst v63  }
0x79: {  	_ = 	snop  }
0x7a: {  	[tilespmem:s21], [sflag:$0x2] =	stream.linear.gather [hbm4b:s12+s3], $0x800, $0x38;
	[tilespmem:$0x11000] =	vst v63  }
0x7b: {  	_ =	swait.ge [sflag:s22], $0x800  }
0x7c: {  	[sflag:s22] =	ssyncset.done $0x0  }
0x7d: {  	[sflag:s22] =	ssyncadd.s32 $0xFFFFF800  }
0x7e: {  	_ =	swait.ge [sflag:s29], $0x8000  }
0x7f: {  	[sflag:s29] =	ssyncset.done $0x0  }
0x80: {  	[sflag:s29] =	ssyncadd.s32 $0xFFFF8000  }
0x81: {  	[tilespmem:s23], [sflag:$0x3] =	stream.indirect.gather [hbm4b:s2+s21], $0x10, s3, s21, $0xb8;
	[tilespmem:$0x11000] =	vst v63  }
0x82: {  	_ =	swait.ge [sflag:s24], $0x8000  }
0x83: {  	[sflag:s24] =	ssyncset.done $0x0  }
0x84: {  	[sflag:s24] =	ssyncadd.s32 $0xFFFF8000  }
0x85: {  	[hbm4b:s11+s3] =	stream.linear.scatter [tilespmem:s23], [sflag:$0x5], $0x8000, $0x38;
	[tilespmem:$0x11000] =	vst v63  }
0x86: {  	_ = 	snop  }
0x87: {  	[tilespmem:s3], [sflag:$0x1] =	stream.linear.gather [hbm4b:s12+s3], $0x800, $0x38;
	[tilespmem:$0x11000] =	vst v63  }
0x88: {  	_ =	swait.ge [sflag:s25], $0x800  }
0x89: {  	[sflag:s25] =	ssyncset.done $0x0  }
0x8a: {  	[sflag:s25] =	ssyncadd.s32 $0xFFFFF800  }
0x8b: {  	_ =	swait.ge [sflag:s30], $0x8000  }
0x8c: {  	[sflag:s30] =	ssyncset.done $0x0  }
0x8d: {  	[sflag:s30] =	ssyncadd.s32 $0xFFFF8000  }
0x8e: {  	[tilespmem:s26], [sflag:$0x4] =	stream.indirect.gather [hbm4b:s2+s21], $0x10, s21, s21, $0xb8;
	[tilespmem:$0x11000] =	vst v63  }
0x8f: {  	_ =	swait.ge [sflag:s28], $0x8000  }
0x90: {  	[sflag:s28] =	ssyncset.done $0x0  }
0x91: {  	[sflag:s28] =	ssyncadd.s32 $0xFFFF8000  }
0x92: {  	[hbm4b:s13+s3] =	stream.linear.scatter [tilespmem:s26], [sflag:$0x6], $0x8000, $0x38;
	[tilespmem:$0x11000] =	vst v63  }
0x93: {  	_ = 	snop  }
0x94: {  	[tilespmem:s21], [sflag:$0x2] =	stream.linear.gather [hbm4b:s12+s3], $0x800, $0x38;
	[tilespmem:$0x11000] =	vst v63  }
0x95: {  	_ =	swait.ge [sflag:s29], $0x8000  }
0x96: {  	[sflag:s29] =	ssyncset.done $0x0  }
0x97: {  	[sflag:s29] =	ssyncadd.s32 $0xFFFF8000  }
0x98: {  	_ =	swait.ge [sflag:s22], $0x800  }
0x99: {  	[sflag:s22] =	ssyncset.done $0x0  }
0x9a: {  	s31 =	sadd.s32 $0x1, s31;
	[sflag:s22] =	ssyncadd.s32 $0xFFFFF800  }
0x9b: {  	p0 =	sne.s32 s31, s10;
	_ =	swait.ge [sflag:s30], $0x8000  }
.Ltmp1:
0x9c: {  	[sflag:s30] =	ssyncset.done $0x0;
	(pc) =	sbr.rel @p0 .LBB2_1-.Ltmp1, $4  }
0x9d: {  	[sflag:s30] =	ssyncadd.s32 $0xFFFF8000  }
0x9e: {  	_ =	swait.ge [sflag:s25], $0x800  }
0x9f: {  	[sflag:s25] =	ssyncset.done $0x0  }
0xa0: {  	[sflag:s25] =	ssyncadd.s32 $0xFFFFF800  }
0xa1: {  	_ =	sfence.sel $0x180000  }
0xa2: {  	[bflag:$0x0] =	sbarrier.arrive $0xFFFF  }
0xa3: {  	_ =	strace $0x9000004A  }
0xa4: {  	s0 =	stileid.u32;
	[bflag:$0x2] =	sbarrier.arrive $0xFFFF  }
0xa5: {  	p0 =	sne.s32 s0, $0x0;
	s0 =	rddreg [dreg:$0x2]  }
0xa6: {  	s0 =	sadd.s32 @!p0 $0x100000, s0  }
0xa7: {  	[sflag:s0] =	ssyncadd.tile.s32 @!p0 $0x1;
	_ =	shalt  }
.Lfunc_end2:
_tile_overlayer_lowered:
.L_overlay_start_2:
0xa8: {  	(tag) =	ssettag $0x2  }
0xa9: {  	s0 =	rddreg [dreg:$0x0];
	s2 =	stileid.u32  }
0xaa: {  	s1 =	rddreg [dreg:$0x1];
	p0 =	sne.s32 s2, $0x0  }
0xab: {  	s3 =	rddreg [dreg:$0x2];
	[bflag:$0x3] =	sbarrier.arrive $0xFFFF;
	s2 =	simm.s32 @!p0 $0x1C07  }
0xac: {  	[timem:s3], [sflag:s2] =	dma.local @!p0 [hbm:s0], s1  }
0xad: {  	s0 =	simm.s32 @!p0 $0x7  }
0xae: {  	_ =	swait.ge @!p0 [sflag:s0], s1  }
0xaf: {  	s1 =	ssub.s32 @!p0 $0x0, s1;
	[sflag:s0] =	ssyncset.done @!p0 $0x0  }
0xb0: {  	[sflag:s0] =	ssyncadd.s32 @!p0 s1  }
0xb1: {  	[bflag:$0x3] =	sbarrier.arrive $0xFFFF  }
0xb2: {  	_ =	shalt  }

</sc_bundles>
